<compile_context>
chip_gen: v7x
topology: tpu7x:2x2x1
jax: 0.10.2.dev20260603
libtpu: 0.0.44.dev20260713+nightly
codegen_flags: <defaults>
</compile_context>

<pallas_src>
import functools

import jax
import jax.numpy as jnp
from jax import lax
from jax.experimental import pallas as pl
from jax.experimental.pallas import tpu as pltpu
from jax.experimental.pallas import tpu_sc as plsc

_NC = 2
_NS = 16
_NW = _NC * _NS

_V = 1000000
_D = 32

_CB = 768
_NBLK = _V // _CB
_TAIL = _V - _NBLK * _CB
_EXTRA = _NBLK - 40 * _NW

_CHUNK = 832


def _transpose_block(ibuf, obuf):
    iota = lax.iota(jnp.int32, 16)
    base_f = [iota * 32 + f for f in range(_D)]

    def do_grp(g, carry):
        off = jnp.full((16,), 512 * g, jnp.int32)
        for f in range(_D):
            v = ibuf[f, pl.ds(16 * g, 16)]
            plsc.store_scatter(obuf, [base_f[f] + off], v)
        return carry

    lax.fori_loop(0, _CB // 16, do_grp, 0)


def _transpose_fn():
    mesh = plsc.VectorSubcoreMesh(core_axis_name="c", subcore_axis_name="s")

    @functools.partial(
        pl.kernel,
        mesh=mesh,
        out_type=jax.ShapeDtypeStruct((_V * _D,), jnp.float32),
        compiler_params=pltpu.CompilerParams(
            use_tc_tiling_on_sc=True, needs_layout_passes=False),
        scratch_types=[
            pltpu.VMEM((2, _D, _CB), jnp.float32),
            pltpu.VMEM((_CB * _D,), jnp.float32),
            pltpu.VMEM((_CB * _D,), jnp.float32),
            [pltpu.SemaphoreType.DMA] * 2,
            [pltpu.SemaphoreType.DMA] * 2,
        ],
    )
    def ka(tt_hbm, rm_hbm, ibuf, obuf0, obuf1, sin, sout):
        obufs = (obuf0, obuf1)
        _nt = 20
        wid = lax.axis_index("s") * _NC + lax.axis_index("c")

        def blk(i):
            return wid + i * _NW

        def in_copy(i, p):
            return pltpu.make_async_copy(
                tt_hbm.at[:, pl.ds(blk(i) * _CB, _CB)], ibuf.at[p], sin[p])

        def out_copy(i, p):
            return pltpu.make_async_copy(
                obufs[p], rm_hbm.at[pl.ds(blk(i) * (_CB * _D), _CB * _D)],
                sout[p])

        in_copy(0, 0).start()

        def do_pair(t, carry):
            i0 = 2 * t

            in_copy(i0, 0).wait()
            in_copy(i0 + 1, 1).start()

            @pl.when(t > 0)
            def _():
                out_copy(i0 - 2, 0).wait()

            _transpose_block(ibuf.at[0], obufs[0])
            out_copy(i0, 0).start()

            in_copy(i0 + 1, 1).wait()

            @pl.when(t < _nt - 1)
            def _():
                in_copy(i0 + 2, 0).start()

            @pl.when(t > 0)
            def _():
                out_copy(i0 - 1, 1).wait()

            _transpose_block(ibuf.at[1], obufs[1])
            out_copy(i0 + 1, 1).start()
            return carry

        lax.fori_loop(0, _nt, do_pair, 0)
        out_copy(2 * _nt - 2, 0).wait()
        out_copy(2 * _nt - 1, 1).wait()

        @pl.when(wid < _EXTRA)
        def _():
            in_copy(2 * _nt, 0).start()
            in_copy(2 * _nt, 0).wait()
            _transpose_block(ibuf.at[0], obufs[0])
            out_copy(2 * _nt, 0).start()
            out_copy(2 * _nt, 0).wait()

    return ka


def _gather_fn(B, b_per_w, n_chunks):
    mesh = plsc.VectorSubcoreMesh(core_axis_name="c", subcore_axis_name="s")

    @functools.partial(
        pl.kernel,
        mesh=mesh,
        out_type=jax.ShapeDtypeStruct((_D, B), jnp.float32),
        compiler_params=pltpu.CompilerParams(
            use_tc_tiling_on_sc=False, needs_layout_passes=False),
        scratch_types=[
            pltpu.VMEM((b_per_w,), jnp.int32),
            pltpu.VMEM((2, _CHUNK, _D), jnp.float32),
            pltpu.VMEM((2, _D, _CHUNK + 1), jnp.float32),
            [pltpu.SemaphoreType.DMA] * 2,
            [pltpu.SemaphoreType.DMA] * 2,
        ],
    )
    def kb(tab_hbm, idx_hbm, out_hbm, idx_v, gbuf, obuf, sin, sout):
        wid = lax.axis_index("s") * _NC + lax.axis_index("c")
        base = wid * b_per_w
        pltpu.sync_copy(idx_hbm.at[pl.ds(base, b_per_w)], idx_v)
        iota = lax.iota(jnp.int32, 16)
        nt = n_chunks // 2

        def in_copy(c, p):
            return pltpu.make_async_copy(
                tab_hbm.at[idx_v.at[pl.ds(c * _CHUNK, _CHUNK)]],
                gbuf.at[p], sin[p])

        def out_copy(c, p):
            return pltpu.make_async_copy(
                obuf.at[p, :, pl.ds(0, _CHUNK)],
                out_hbm.at[:, pl.ds(base + c * _CHUNK, _CHUNK)], sout[p])

        def tr_chunk(p):
            def do4(q, carry):
                for k in range(4):
                    i = 4 * q + k
                    ci = jnp.full((16,), i, jnp.int32)
                    v0 = gbuf[p, i, pl.ds(0, 16)]
                    v1 = gbuf[p, i, pl.ds(16, 16)]
                    plsc.store_scatter(obuf.at[p], [iota, ci], v0)
                    plsc.store_scatter(obuf.at[p], [iota + 16, ci], v1)
                return carry

            lax.fori_loop(0, _CHUNK // 4, do4, 0)

        in_copy(0, 0).start()

        def do_pair(t, carry):
            c0 = 2 * t
            in_copy(c0, 0).wait()
            in_copy(c0 + 1, 1).start()

            @pl.when(t > 0)
            def _():
                out_copy(c0 - 2, 0).wait()

            tr_chunk(0)
            out_copy(c0, 0).start()

            in_copy(c0 + 1, 1).wait()

            @pl.when(t < nt - 1)
            def _():
                in_copy(c0 + 2, 0).start()

            @pl.when(t > 0)
            def _():
                out_copy(c0 - 1, 1).wait()

            tr_chunk(1)
            out_copy(c0 + 1, 1).start()
            return carry

        lax.fori_loop(0, nt, do_pair, 0)
        out_copy(2 * nt - 2, 0).wait()
        out_copy(2 * nt - 1, 1).wait()

    return kb


def kernel(input_feat, embed_weight):
    B = input_feat.shape[0] * input_feat.shape[1]
    idx = input_feat.reshape(-1).astype(jnp.int32)
    b_per_w = B // _NW
    n_chunks = b_per_w // _CHUNK
    assert b_per_w % _CHUNK == 0 and n_chunks % 2 == 0
    tt = embed_weight.T
    rm = _transpose_fn()(tt)
    tail = embed_weight[_NBLK * _CB:, :].reshape(-1)
    rm = rm.at[_NBLK * _CB * _D:].set(tail)
    out_t = _gather_fn(B, b_per_w, n_chunks)(rm.reshape(_V, _D), idx)
    return out_t.T

# --- scband reference (transcript-rebuilt; emitter-appended) ---
"""Pipeline reference for scband-categorical-encoder-47090021433543 (READ-ONLY COPY).

The authoritative reference and input builder live on the scoring server;
editing this copy changes nothing except your own understanding.
"""

import jax, jax.numpy as jnp
import numpy as np

NUM_CATEGORIES = 1000000
OUT_SIZE = 32

def setup_inputs(seed: int = 0) -> dict:
    key = jax.random.key(seed)
    k_idx, k_w = jax.random.split(key)
    input_feat = jax.random.randint(k_idx, (16384, 26), 0, NUM_CATEGORIES, dtype=jnp.int64 if jax.config.jax_enable_x64 else jnp.int32)
    # xavier_uniform for embedding weight [num_categories, out_size]
    limit = float(np.sqrt(6.0 / (NUM_CATEGORIES + OUT_SIZE)))
    embed_weight = jax.random.uniform(k_w, (NUM_CATEGORIES, OUT_SIZE), minval=-limit, maxval=limit, dtype=jnp.float32)
    return {"input_feat": input_feat, "embed_weight": embed_weight}

def reference(input_feat, embed_weight):
    flat = input_feat.reshape(-1)
    return jnp.take(embed_weight, flat, axis=0)

if __name__ == "__main__":
    import jax
    _d = setup_inputs()
    print(jax.jit(kernel)(*tuple(_d.values())))

</pallas_src>

<mosaic_0001>
#map = affine_map<(d0, d1) -> (0, 0)>
#map1 = affine_map<(d0, d1) -> (0)>
module attributes {stable_mosaic.version = 14 : i64} {
  func.func @kb(%arg0: i32, %arg1: i32, %arg2: memref<1000000x32xf32, #tpu.memory_space<hbm>>, %arg3: memref<425984xi32, #tpu.memory_space<hbm>>, %arg4: memref<32x425984xf32, #tpu.memory_space<hbm>>, %arg5: memref<13312xi32, #tpu.memory_space<vmem>>, %arg6: memref<2x832x32xf32, #tpu.memory_space<vmem>>, %arg7: memref<2x32x833xf32, #tpu.memory_space<vmem>>, %arg8: memref<!tpu.dma_semaphore, #tpu.memory_space<semaphore_mem>>, %arg9: memref<!tpu.dma_semaphore, #tpu.memory_space<semaphore_mem>>, %arg10: memref<!tpu.dma_semaphore, #tpu.memory_space<semaphore_mem>>, %arg11: memref<!tpu.dma_semaphore, #tpu.memory_space<semaphore_mem>>) attributes {dimension_semantics = [#tpu.dimension_semantics<core_parallel>, #tpu.dimension_semantics<subcore_parallel>], iteration_bounds = array<i64: 2, 16>, scalar_prefetch = 0 : i64, scratch_operands = 7 : i64, tpu.core_type = #tpu.core_type<sc_vector_subcore>, window_params = [{transform_indices = #map}, {transform_indices = #map1}, {transform_indices = #map}]} {
    %mul3A = arith.constant 2 : i32
    %mul3A_0 = arith.muli %arg1, %mul3A : i32
    %add3A = arith.addi %mul3A_0, %arg0 : i32
    %mul3A_1 = arith.constant 13312 : i32
    %mul3A_2 = arith.muli %add3A, %mul3A_1 : i32
    "tpu.region"() ({
      %run_scoped3A = tpu.sem_alloc : memref<!tpu.dma_semaphore, #tpu.memory_space<semaphore_mem>>
      %dma_start3A_46 = tpu.memref_slice %arg3[%mul3A_2] : memref<425984xi32, #tpu.memory_space<hbm>> -> memref<13312xi32, #tpu.memory_space<hbm>>
      %dma_start3A_47 = tpu.memref_slice %arg3[%mul3A_2] : memref<425984xi32, #tpu.memory_space<hbm>> -> memref<13312xi32, #tpu.memory_space<hbm>>
      tpu.enqueue_dma source(%dma_start3A_47 : memref<13312xi32, #tpu.memory_space<hbm>>) target(%arg5 : memref<13312xi32, #tpu.memory_space<vmem>>) target_semaphore(%run_scoped3A : memref<!tpu.dma_semaphore, #tpu.memory_space<semaphore_mem>>)
      %dma_wait3A_48 = tpu.memref_slice %arg3[%mul3A_2] : memref<425984xi32, #tpu.memory_space<hbm>> -> memref<13312xi32, #tpu.memory_space<hbm>>
      %dma_wait3A_49 = tpu.memref_slice %arg3[%mul3A_2] : memref<425984xi32, #tpu.memory_space<hbm>> -> memref<13312xi32, #tpu.memory_space<hbm>>
      tpu.wait_dma2 semaphore(%run_scoped3A : memref<!tpu.dma_semaphore, #tpu.memory_space<semaphore_mem>>) src(%dma_wait3A_49 : memref<13312xi32, #tpu.memory_space<hbm>>) dst(%arg5 : memref<13312xi32, #tpu.memory_space<vmem>>)
      tpu.yield
    }) : () -> ()
    %iota3A = tpu.iota {dimensions = array<i32: 0>} : vector<16xi32>
    %dma_start3A = arith.constant 0 : i32
    %dma_start3A_3 = arith.constant 0 : i32
    %dma_start3A_4 = arith.constant 0 : i32
    %dma_start3A_5 = tpu.memref_slice %arg6[%dma_start3A, %dma_start3A_3, %dma_start3A_4] : memref<2x832x32xf32, #tpu.memory_space<vmem>> -> memref<1x832x32xf32, #tpu.memory_space<vmem>>
    %dma_start3A_6 = tpu.memref_squeeze %dma_start3A_5 : memref<1x832x32xf32, #tpu.memory_space<vmem>> -> memref<832x32xf32, #tpu.memory_space<vmem>>
    %dma_start3A_7 = arith.constant 0 : i32
    %dma_start3A_8 = tpu.memref_slice %arg5[%dma_start3A_7] : memref<13312xi32, #tpu.memory_space<vmem>> -> memref<832xi32, #tpu.memory_space<vmem>>
    %dma_start3A_9 = arith.constant 0 : i32
    %dma_start3A_10 = arith.constant 0 : i32
    %dma_start3A_11 = tpu.memref_slice %arg2[%dma_start3A_9, %dma_start3A_10] : memref<1000000x32xf32, #tpu.memory_space<hbm>> -> memref<1000000x32xf32, #tpu.memory_space<hbm>>
    tpu.enqueue_indirect_dma source(%dma_start3A_11 : memref<1000000x32xf32, #tpu.memory_space<hbm>>) target(%dma_start3A_6 : memref<832x32xf32, #tpu.memory_space<vmem>>) offsets(%dma_start3A_8 : memref<832xi32, #tpu.memory_space<vmem>>) semaphore(%arg8 : memref<!tpu.dma_semaphore, #tpu.memory_space<semaphore_mem>>)
    %scan3A = arith.constant 0 : i32
    %scan3A_12 = arith.constant 0 : i32
    %scan3A_13 = arith.constant 8 : i32
    %scan3A_14 = arith.addi %scan3A_12, %scan3A_13 : i32
    %scan3A_15 = arith.constant 1 : i32
    scf.for %scan3A_46 = %scan3A_12 to %scan3A_14 step %scan3A_15  : i32 {
      %mul3A_47 = arith.constant 2 : i32
      %mul3A_48 = arith.muli %mul3A_47, %scan3A_46 : i32
      %mul3A_49 = arith.constant 832 : i32
      %mul3A_50 = arith.muli %mul3A_48, %mul3A_49 : i32
      %dma_wait3A_51 = arith.constant 0 : i32
      %dma_wait3A_52 = arith.constant 0 : i32
      %dma_wait3A_53 = arith.constant 0 : i32
      %dma_wait3A_54 = tpu.memref_slice %arg6[%dma_wait3A_51, %dma_wait3A_52, %dma_wait3A_53] : memref<2x832x32xf32, #tpu.memory_space<vmem>> -> memref<1x832x32xf32, #tpu.memory_space<vmem>>
      %dma_wait3A_55 = tpu.memref_squeeze %dma_wait3A_54 : memref<1x832x32xf32, #tpu.memory_space<vmem>> -> memref<832x32xf32, #tpu.memory_space<vmem>>
      %dma_wait3A_56 = tpu.memref_slice %arg5[%mul3A_50] : memref<13312xi32, #tpu.memory_space<vmem>> -> memref<832xi32, #tpu.memory_space<vmem>>
      %dma_wait3A_57 = arith.constant 0 : i32
      %dma_wait3A_58 = arith.constant 0 : i32
      %dma_wait3A_59 = tpu.memref_slice %arg2[%dma_wait3A_57, %dma_wait3A_58] : memref<1000000x32xf32, #tpu.memory_space<hbm>> -> memref<1000000x32xf32, #tpu.memory_space<hbm>>
      tpu.wait_indirect_dma semaphore(%arg8 : memref<!tpu.dma_semaphore, #tpu.memory_space<semaphore_mem>>) src(%dma_wait3A_59 : memref<1000000x32xf32, #tpu.memory_space<hbm>>) dst(%dma_wait3A_55 : memref<832x32xf32, #tpu.memory_space<vmem>>)
      %add3A_60 = arith.constant 1 : i32
      %add3A_61 = arith.addi %mul3A_48, %add3A_60 : i32
      %mul3A_62 = arith.constant 832 : i32
      %mul3A_63 = arith.muli %add3A_61, %mul3A_62 : i32
      %dma_start3A_64 = arith.constant 1 : i32
      %dma_start3A_65 = arith.constant 0 : i32
      %dma_start3A_66 = arith.constant 0 : i32
      %dma_start3A_67 = tpu.memref_slice %arg6[%dma_start3A_64, %dma_start3A_65, %dma_start3A_66] : memref<2x832x32xf32, #tpu.memory_space<vmem>> -> memref<1x832x32xf32, #tpu.memory_space<vmem>>
      %dma_start3A_68 = tpu.memref_squeeze %dma_start3A_67 : memref<1x832x32xf32, #tpu.memory_space<vmem>> -> memref<832x32xf32, #tpu.memory_space<vmem>>
      %dma_start3A_69 = tpu.memref_slice %arg5[%mul3A_63] : memref<13312xi32, #tpu.memory_space<vmem>> -> memref<832xi32, #tpu.memory_space<vmem>>
      %dma_start3A_70 = arith.constant 0 : i32
      %dma_start3A_71 = arith.constant 0 : i32
      %dma_start3A_72 = tpu.memref_slice %arg2[%dma_start3A_70, %dma_start3A_71] : memref<1000000x32xf32, #tpu.memory_space<hbm>> -> memref<1000000x32xf32, #tpu.memory_space<hbm>>
      tpu.enqueue_indirect_dma source(%dma_start3A_72 : memref<1000000x32xf32, #tpu.memory_space<hbm>>) target(%dma_start3A_68 : memref<832x32xf32, #tpu.memory_space<vmem>>) offsets(%dma_start3A_69 : memref<832xi32, #tpu.memory_space<vmem>>) semaphore(%arg9 : memref<!tpu.dma_semaphore, #tpu.memory_space<semaphore_mem>>)
      %gt3A = arith.constant 0 : i32
      %gt3A_73 = arith.cmpi sgt, %scan3A_46, %gt3A : i32
      %convert_element_type3A = arith.extui %gt3A_73 : i1 to i32
      %cond3A = arith.constant 0 : i32
      %cond3A_74 = arith.cmpi ne, %convert_element_type3A, %cond3A : i32
      scf.if %cond3A_74 {
        %sub3A = arith.constant 2 : i32
        %sub3A_143 = arith.subi %mul3A_48, %sub3A : i32
        %mul3A_144 = arith.constant 832 : i32
        %mul3A_145 = arith.muli %sub3A_143, %mul3A_144 : i32
        %add3A_146 = arith.addi %mul3A_2, %mul3A_145 : i32
        %dma_wait3A_147 = arith.constant 0 : i32
        %dma_wait3A_148 = arith.constant 0 : i32
        %dma_wait3A_149 = arith.constant 0 : i32
        %dma_wait3A_150 = tpu.memref_slice %arg7[%dma_wait3A_147, %dma_wait3A_148, %dma_wait3A_149] : memref<2x32x833xf32, #tpu.memory_space<vmem>> -> memref<1x32x832xf32, #tpu.memory_space<vmem>>
        %dma_wait3A_151 = tpu.memref_squeeze %dma_wait3A_150 : memref<1x32x832xf32, #tpu.memory_space<vmem>> -> memref<32x832xf32, #tpu.memory_space<vmem>>
        %dma_wait3A_152 = arith.constant 0 : i32
        %dma_wait3A_153 = tpu.memref_slice %arg4[%dma_wait3A_152, %add3A_146] : memref<32x425984xf32, #tpu.memory_space<hbm>> -> memref<32x832xf32, #tpu.memory_space<hbm>>
        %dma_wait3A_154 = arith.constant 0 : i32
        %dma_wait3A_155 = tpu.memref_slice %arg4[%dma_wait3A_154, %add3A_146] : memref<32x425984xf32, #tpu.memory_space<hbm>> -> memref<32x832xf32, #tpu.memory_space<hbm>>
        %dma_wait3A_156 = arith.constant 0 : i32
        %dma_wait3A_157 = arith.constant 0 : i32
        %dma_wait3A_158 = tpu.memref_slice %arg7[%dma_wait3A_147, %dma_wait3A_156, %dma_wait3A_157] : memref<2x32x833xf32, #tpu.memory_space<vmem>> -> memref<1x32x832xf32, #tpu.memory_space<vmem>>
        %dma_wait3A_159 = tpu.memref_squeeze %dma_wait3A_158 : memref<1x32x832xf32, #tpu.memory_space<vmem>> -> memref<32x832xf32, #tpu.memory_space<vmem>>
        tpu.wait_dma2 semaphore(%arg10 : memref<!tpu.dma_semaphore, #tpu.memory_space<semaphore_mem>>) src(%dma_wait3A_159 : memref<32x832xf32, #tpu.memory_space<vmem>>) dst(%dma_wait3A_155 : memref<32x832xf32, #tpu.memory_space<hbm>>)
      } else {
      }
      %scan3A_75 = arith.constant 0 : i32
      %scan3A_76 = arith.constant 0 : i32
      %scan3A_77 = arith.constant 208 : i32
      %scan3A_78 = arith.addi %scan3A_76, %scan3A_77 : i32
      %scan3A_79 = arith.constant 1 : i32
      scf.for %scan3A_143 = %scan3A_76 to %scan3A_78 step %scan3A_79  : i32 {
        %mul3A_144 = arith.constant 4 : i32
        %mul3A_145 = arith.muli %mul3A_144, %scan3A_143 : i32
        %add3A_146 = arith.constant 0 : i32
        %add3A_147 = arith.addi %mul3A_145, %add3A_146 : i32
        %broadcast_in_dim3A = vector.broadcast %add3A_147 : i32 to vector<16xi32>
        %get3A = arith.constant 0 : i32
        %get3A_148 = arith.index_cast %get3A : i32 to index
        %get3A_149 = arith.index_cast %add3A_147 : i32 to index
        %get3A_150 = arith.constant 0 : index
        %get3A_151 = tpu.vector_load %arg6[%get3A_148, %get3A_149, %get3A_150] {strides = array<i32>} : memref<2x832x32xf32, #tpu.memory_space<vmem>>, vector<16xf32>,
        %get3A_152 = arith.constant 0 : i32
        %get3A_153 = arith.index_cast %get3A_152 : i32 to index
        %get3A_154 = arith.index_cast %add3A_147 : i32 to index
        %get3A_155 = arith.constant 16 : index
        %get3A_156 = tpu.vector_load %arg6[%get3A_153, %get3A_154, %get3A_155] {strides = array<i32>} : memref<2x832x32xf32, #tpu.memory_space<vmem>>, vector<16xf32>,
        %scatter3A = arith.constant 0 : i32
        %scatter3A_157 = arith.constant 0 : i32
        %scatter3A_158 = arith.constant 0 : i32
        %scatter3A_159 = tpu.memref_slice %arg7[%scatter3A, %scatter3A_157, %scatter3A_158] : memref<2x32x833xf32, #tpu.memory_space<vmem>> -> memref<1x32x833xf32, #tpu.memory_space<vmem>>
        %scatter3A_160 = tpu.memref_squeeze %scatter3A_159 : memref<1x32x833xf32, #tpu.memory_space<vmem>> -> memref<32x833xf32, #tpu.memory_space<vmem>>
        tpu.vector_store_idx %scatter3A_160[%iota3A, %broadcast_in_dim3A], %get3A_151 : memref<32x833xf32, #tpu.memory_space<vmem>>[vector<16xi32>, vector<16xi32>], vector<16xf32>,
        %add3A_161 = arith.constant 16 : i32
        %add3A_162 = vector.broadcast %add3A_161 : i32 to vector<16xi32>
        %add3A_163 = arith.addi %iota3A, %add3A_162 : vector<16xi32>
        %scatter3A_164 = arith.constant 0 : i32
        %scatter3A_165 = arith.constant 0 : i32
        %scatter3A_166 = arith.constant 0 : i32
        %scatter3A_167 = tpu.memref_slice %arg7[%scatter3A_164, %scatter3A_165, %scatter3A_166] : memref<2x32x833xf32, #tpu.memory_space<vmem>> -> memref<1x32x833xf32, #tpu.memory_space<vmem>>
        %scatter3A_168 = tpu.memref_squeeze %scatter3A_167 : memref<1x32x833xf32, #tpu.memory_space<vmem>> -> memref<32x833xf32, #tpu.memory_space<vmem>>
        tpu.vector_store_idx %scatter3A_168[%add3A_163, %broadcast_in_dim3A], %get3A_156 : memref<32x833xf32, #tpu.memory_space<vmem>>[vector<16xi32>, vector<16xi32>], vector<16xf32>,
        %mul3A_169 = arith.constant 4 : i32
        %mul3A_170 = arith.muli %mul3A_169, %scan3A_143 : i32
        %add3A_171 = arith.constant 1 : i32
        %add3A_172 = arith.addi %mul3A_170, %add3A_171 : i32
        %broadcast_in_dim3A_173 = vector.broadcast %add3A_172 : i32 to vector<16xi32>
        %get3A_174 = arith.constant 0 : i32
        %get3A_175 = arith.index_cast %get3A_174 : i32 to index
        %get3A_176 = arith.index_cast %add3A_172 : i32 to index
        %get3A_177 = arith.constant 0 : index
        %get3A_178 = tpu.vector_load %arg6[%get3A_175, %get3A_176, %get3A_177] {strides = array<i32>} : memref<2x832x32xf32, #tpu.memory_space<vmem>>, vector<16xf32>,
        %get3A_179 = arith.constant 0 : i32
        %get3A_180 = arith.index_cast %get3A_179 : i32 to index
        %get3A_181 = arith.index_cast %add3A_172 : i32 to index
        %get3A_182 = arith.constant 16 : index
        %get3A_183 = tpu.vector_load %arg6[%get3A_180, %get3A_181, %get3A_182] {strides = array<i32>} : memref<2x832x32xf32, #tpu.memory_space<vmem>>, vector<16xf32>,
        %scatter3A_184 = arith.constant 0 : i32
        %scatter3A_185 = arith.constant 0 : i32
        %scatter3A_186 = arith.constant 0 : i32
        %scatter3A_187 = tpu.memref_slice %arg7[%scatter3A_184, %scatter3A_185, %scatter3A_186] : memref<2x32x833xf32, #tpu.memory_space<vmem>> -> memref<1x32x833xf32, #tpu.memory_space<vmem>>
        %scatter3A_188 = tpu.memref_squeeze %scatter3A_187 : memref<1x32x833xf32, #tpu.memory_space<vmem>> -> memref<32x833xf32, #tpu.memory_space<vmem>>
        tpu.vector_store_idx %scatter3A_188[%iota3A, %broadcast_in_dim3A_173], %get3A_178 : memref<32x833xf32, #tpu.memory_space<vmem>>[vector<16xi32>, vector<16xi32>], vector<16xf32>,
        %add3A_189 = arith.constant 16 : i32
        %add3A_190 = vector.broadcast %add3A_189 : i32 to vector<16xi32>
        %add3A_191 = arith.addi %iota3A, %add3A_190 : vector<16xi32>
        %scatter3A_192 = arith.constant 0 : i32
        %scatter3A_193 = arith.constant 0 : i32
        %scatter3A_194 = arith.constant 0 : i32
        %scatter3A_195 = tpu.memref_slice %arg7[%scatter3A_192, %scatter3A_193, %scatter3A_194] : memref<2x32x833xf32, #tpu.memory_space<vmem>> -> memref<1x32x833xf32, #tpu.memory_space<vmem>>
        %scatter3A_196 = tpu.memref_squeeze %scatter3A_195 : memref<1x32x833xf32, #tpu.memory_space<vmem>> -> memref<32x833xf32, #tpu.memory_space<vmem>>
        tpu.vector_store_idx %scatter3A_196[%add3A_191, %broadcast_in_dim3A_173], %get3A_183 : memref<32x833xf32, #tpu.memory_space<vmem>>[vector<16xi32>, vector<16xi32>], vector<16xf32>,
        %mul3A_197 = arith.constant 4 : i32
        %mul3A_198 = arith.muli %mul3A_197, %scan3A_143 : i32
        %add3A_199 = arith.constant 2 : i32
        %add3A_200 = arith.addi %mul3A_198, %add3A_199 : i32
        %broadcast_in_dim3A_201 = vector.broadcast %add3A_200 : i32 to vector<16xi32>
        %get3A_202 = arith.constant 0 : i32
        %get3A_203 = arith.index_cast %get3A_202 : i32 to index
        %get3A_204 = arith.index_cast %add3A_200 : i32 to index
        %get3A_205 = arith.constant 0 : index
        %get3A_206 = tpu.vector_load %arg6[%get3A_203, %get3A_204, %get3A_205] {strides = array<i32>} : memref<2x832x32xf32, #tpu.memory_space<vmem>>, vector<16xf32>,
        %get3A_207 = arith.constant 0 : i32
        %get3A_208 = arith.index_cast %get3A_207 : i32 to index
        %get3A_209 = arith.index_cast %add3A_200 : i32 to index
        %get3A_210 = arith.constant 16 : index
        %get3A_211 = tpu.vector_load %arg6[%get3A_208, %get3A_209, %get3A_210] {strides = array<i32>} : memref<2x832x32xf32, #tpu.memory_space<vmem>>, vector<16xf32>,
        %scatter3A_212 = arith.constant 0 : i32
        %scatter3A_213 = arith.constant 0 : i32
        %scatter3A_214 = arith.constant 0 : i32
        %scatter3A_215 = tpu.memref_slice %arg7[%scatter3A_212, %scatter3A_213, %scatter3A_214] : memref<2x32x833xf32, #tpu.memory_space<vmem>> -> memref<1x32x833xf32, #tpu.memory_space<vmem>>
        %scatter3A_216 = tpu.memref_squeeze %scatter3A_215 : memref<1x32x833xf32, #tpu.memory_space<vmem>> -> memref<32x833xf32, #tpu.memory_space<vmem>>
        tpu.vector_store_idx %scatter3A_216[%iota3A, %broadcast_in_dim3A_201], %get3A_206 : memref<32x833xf32, #tpu.memory_space<vmem>>[vector<16xi32>, vector<16xi32>], vector<16xf32>,
        %add3A_217 = arith.constant 16 : i32
        %add3A_218 = vector.broadcast %add3A_217 : i32 to vector<16xi32>
        %add3A_219 = arith.addi %iota3A, %add3A_218 : vector<16xi32>
        %scatter3A_220 = arith.constant 0 : i32
        %scatter3A_221 = arith.constant 0 : i32
        %scatter3A_222 = arith.constant 0 : i32
        %scatter3A_223 = tpu.memref_slice %arg7[%scatter3A_220, %scatter3A_221, %scatter3A_222] : memref<2x32x833xf32, #tpu.memory_space<vmem>> -> memref<1x32x833xf32, #tpu.memory_space<vmem>>
        %scatter3A_224 = tpu.memref_squeeze %scatter3A_223 : memref<1x32x833xf32, #tpu.memory_space<vmem>> -> memref<32x833xf32, #tpu.memory_space<vmem>>
        tpu.vector_store_idx %scatter3A_224[%add3A_219, %broadcast_in_dim3A_201], %get3A_211 : memref<32x833xf32, #tpu.memory_space<vmem>>[vector<16xi32>, vector<16xi32>], vector<16xf32>,
        %mul3A_225 = arith.constant 4 : i32
        %mul3A_226 = arith.muli %mul3A_225, %scan3A_143 : i32
        %add3A_227 = arith.constant 3 : i32
        %add3A_228 = arith.addi %mul3A_226, %add3A_227 : i32
        %broadcast_in_dim3A_229 = vector.broadcast %add3A_228 : i32 to vector<16xi32>
        %get3A_230 = arith.constant 0 : i32
        %get3A_231 = arith.index_cast %get3A_230 : i32 to index
        %get3A_232 = arith.index_cast %add3A_228 : i32 to index
        %get3A_233 = arith.constant 0 : index
        %get3A_234 = tpu.vector_load %arg6[%get3A_231, %get3A_232, %get3A_233] {strides = array<i32>} : memref<2x832x32xf32, #tpu.memory_space<vmem>>, vector<16xf32>,
        %get3A_235 = arith.constant 0 : i32
        %get3A_236 = arith.index_cast %get3A_235 : i32 to index
        %get3A_237 = arith.index_cast %add3A_228 : i32 to index
        %get3A_238 = arith.constant 16 : index
        %get3A_239 = tpu.vector_load %arg6[%get3A_236, %get3A_237, %get3A_238] {strides = array<i32>} : memref<2x832x32xf32, #tpu.memory_space<vmem>>, vector<16xf32>,
        %scatter3A_240 = arith.constant 0 : i32
        %scatter3A_241 = arith.constant 0 : i32
        %scatter3A_242 = arith.constant 0 : i32
        %scatter3A_243 = tpu.memref_slice %arg7[%scatter3A_240, %scatter3A_241, %scatter3A_242] : memref<2x32x833xf32, #tpu.memory_space<vmem>> -> memref<1x32x833xf32, #tpu.memory_space<vmem>>
        %scatter3A_244 = tpu.memref_squeeze %scatter3A_243 : memref<1x32x833xf32, #tpu.memory_space<vmem>> -> memref<32x833xf32, #tpu.memory_space<vmem>>
        tpu.vector_store_idx %scatter3A_244[%iota3A, %broadcast_in_dim3A_229], %get3A_234 : memref<32x833xf32, #tpu.memory_space<vmem>>[vector<16xi32>, vector<16xi32>], vector<16xf32>,
        %add3A_245 = arith.constant 16 : i32
        %add3A_246 = vector.broadcast %add3A_245 : i32 to vector<16xi32>
        %add3A_247 = arith.addi %iota3A, %add3A_246 : vector<16xi32>
        %scatter3A_248 = arith.constant 0 : i32
        %scatter3A_249 = arith.constant 0 : i32
        %scatter3A_250 = arith.constant 0 : i32
        %scatter3A_251 = tpu.memref_slice %arg7[%scatter3A_248, %scatter3A_249, %scatter3A_250] : memref<2x32x833xf32, #tpu.memory_space<vmem>> -> memref<1x32x833xf32, #tpu.memory_space<vmem>>
        %scatter3A_252 = tpu.memref_squeeze %scatter3A_251 : memref<1x32x833xf32, #tpu.memory_space<vmem>> -> memref<32x833xf32, #tpu.memory_space<vmem>>
        tpu.vector_store_idx %scatter3A_252[%add3A_247, %broadcast_in_dim3A_229], %get3A_239 : memref<32x833xf32, #tpu.memory_space<vmem>>[vector<16xi32>, vector<16xi32>], vector<16xf32>,
      }
      %scan3A_80 = arith.constant 208 : i32
      %mul3A_81 = arith.constant 832 : i32
      %mul3A_82 = arith.muli %mul3A_48, %mul3A_81 : i32
      %add3A_83 = arith.addi %mul3A_2, %mul3A_82 : i32
      %dma_start3A_84 = arith.constant 0 : i32
      %dma_start3A_85 = arith.constant 0 : i32
      %dma_start3A_86 = arith.constant 0 : i32
      %dma_start3A_87 = tpu.memref_slice %arg7[%dma_start3A_84, %dma_start3A_85, %dma_start3A_86] : memref<2x32x833xf32, #tpu.memory_space<vmem>> -> memref<1x32x832xf32, #tpu.memory_space<vmem>>
      %dma_start3A_88 = tpu.memref_squeeze %dma_start3A_87 : memref<1x32x832xf32, #tpu.memory_space<vmem>> -> memref<32x832xf32, #tpu.memory_space<vmem>>
      %dma_start3A_89 = arith.constant 0 : i32
      %dma_start3A_90 = tpu.memref_slice %arg4[%dma_start3A_89, %add3A_83] : memref<32x425984xf32, #tpu.memory_space<hbm>> -> memref<32x832xf32, #tpu.memory_space<hbm>>
      %dma_start3A_91 = arith.constant 0 : i32
      %dma_start3A_92 = tpu.memref_slice %arg4[%dma_start3A_91, %add3A_83] : memref<32x425984xf32, #tpu.memory_space<hbm>> -> memref<32x832xf32, #tpu.memory_space<hbm>>
      %dma_start3A_93 = arith.constant 0 : i32
      %dma_start3A_94 = arith.constant 0 : i32
      %dma_start3A_95 = tpu.memref_slice %arg7[%dma_start3A_84, %dma_start3A_93, %dma_start3A_94] : memref<2x32x833xf32, #tpu.memory_space<vmem>> -> memref<1x32x832xf32, #tpu.memory_space<vmem>>
      %dma_start3A_96 = tpu.memref_squeeze %dma_start3A_95 : memref<1x32x832xf32, #tpu.memory_space<vmem>> -> memref<32x832xf32, #tpu.memory_space<vmem>>
      tpu.enqueue_dma source(%dma_start3A_96 : memref<32x832xf32, #tpu.memory_space<vmem>>) target(%dma_start3A_92 : memref<32x832xf32, #tpu.memory_space<hbm>>) target_semaphore(%arg10 : memref<!tpu.dma_semaphore, #tpu.memory_space<semaphore_mem>>)
      %add3A_97 = arith.constant 1 : i32
      %add3A_98 = arith.addi %mul3A_48, %add3A_97 : i32
      %mul3A_99 = arith.constant 832 : i32
      %mul3A_100 = arith.muli %add3A_98, %mul3A_99 : i32
      %dma_wait3A_101 = arith.constant 1 : i32
      %dma_wait3A_102 = arith.constant 0 : i32
      %dma_wait3A_103 = arith.constant 0 : i32
      %dma_wait3A_104 = tpu.memref_slice %arg6[%dma_wait3A_101, %dma_wait3A_102, %dma_wait3A_103] : memref<2x832x32xf32, #tpu.memory_space<vmem>> -> memref<1x832x32xf32, #tpu.memory_space<vmem>>
      %dma_wait3A_105 = tpu.memref_squeeze %dma_wait3A_104 : memref<1x832x32xf32, #tpu.memory_space<vmem>> -> memref<832x32xf32, #tpu.memory_space<vmem>>
      %dma_wait3A_106 = tpu.memref_slice %arg5[%mul3A_100] : memref<13312xi32, #tpu.memory_space<vmem>> -> memref<832xi32, #tpu.memory_space<vmem>>
      %dma_wait3A_107 = arith.constant 0 : i32
      %dma_wait3A_108 = arith.constant 0 : i32
      %dma_wait3A_109 = tpu.memref_slice %arg2[%dma_wait3A_107, %dma_wait3A_108] : memref<1000000x32xf32, #tpu.memory_space<hbm>> -> memref<1000000x32xf32, #tpu.memory_space<hbm>>
      tpu.wait_indirect_dma semaphore(%arg9 : memref<!tpu.dma_semaphore, #tpu.memory_space<semaphore_mem>>) src(%dma_wait3A_109 : memref<1000000x32xf32, #tpu.memory_space<hbm>>) dst(%dma_wait3A_105 : memref<832x32xf32, #tpu.memory_space<vmem>>)
      %lt3A = arith.constant 7 : i32
      %lt3A_110 = arith.cmpi slt, %scan3A_46, %lt3A : i32
      %convert_element_type3A_111 = arith.extui %lt3A_110 : i1 to i32
      %cond3A_112 = arith.constant 0 : i32
      %cond3A_113 = arith.cmpi ne, %convert_element_type3A_111, %cond3A_112 : i32
      scf.if %cond3A_113 {
        %add3A_143 = arith.constant 2 : i32
        %add3A_144 = arith.addi %mul3A_48, %add3A_143 : i32
        %mul3A_145 = arith.constant 832 : i32
        %mul3A_146 = arith.muli %add3A_144, %mul3A_145 : i32
        %dma_start3A_147 = arith.constant 0 : i32
        %dma_start3A_148 = arith.constant 0 : i32
        %dma_start3A_149 = arith.constant 0 : i32
        %dma_start3A_150 = tpu.memref_slice %arg6[%dma_start3A_147, %dma_start3A_148, %dma_start3A_149] : memref<2x832x32xf32, #tpu.memory_space<vmem>> -> memref<1x832x32xf32, #tpu.memory_space<vmem>>
        %dma_start3A_151 = tpu.memref_squeeze %dma_start3A_150 : memref<1x832x32xf32, #tpu.memory_space<vmem>> -> memref<832x32xf32, #tpu.memory_space<vmem>>
        %dma_start3A_152 = tpu.memref_slice %arg5[%mul3A_146] : memref<13312xi32, #tpu.memory_space<vmem>> -> memref<832xi32, #tpu.memory_space<vmem>>
        %dma_start3A_153 = arith.constant 0 : i32
        %dma_start3A_154 = arith.constant 0 : i32
        %dma_start3A_155 = tpu.memref_slice %arg2[%dma_start3A_153, %dma_start3A_154] : memref<1000000x32xf32, #tpu.memory_space<hbm>> -> memref<1000000x32xf32, #tpu.memory_space<hbm>>
        tpu.enqueue_indirect_dma source(%dma_start3A_155 : memref<1000000x32xf32, #tpu.memory_space<hbm>>) target(%dma_start3A_151 : memref<832x32xf32, #tpu.memory_space<vmem>>) offsets(%dma_start3A_152 : memref<832xi32, #tpu.memory_space<vmem>>) semaphore(%arg8 : memref<!tpu.dma_semaphore, #tpu.memory_space<semaphore_mem>>)
      } else {
      }
      %gt3A_114 = arith.constant 0 : i32
      %gt3A_115 = arith.cmpi sgt, %scan3A_46, %gt3A_114 : i32
      %convert_element_type3A_116 = arith.extui %gt3A_115 : i1 to i32
      %cond3A_117 = arith.constant 0 : i32
      %cond3A_118 = arith.cmpi ne, %convert_element_type3A_116, %cond3A_117 : i32
      scf.if %cond3A_118 {
        %sub3A = arith.constant 1 : i32
        %sub3A_143 = arith.subi %mul3A_48, %sub3A : i32
        %mul3A_144 = arith.constant 832 : i32
        %mul3A_145 = arith.muli %sub3A_143, %mul3A_144 : i32
        %add3A_146 = arith.addi %mul3A_2, %mul3A_145 : i32
        %dma_wait3A_147 = arith.constant 1 : i32
        %dma_wait3A_148 = arith.constant 0 : i32
        %dma_wait3A_149 = arith.constant 0 : i32
        %dma_wait3A_150 = tpu.memref_slice %arg7[%dma_wait3A_147, %dma_wait3A_148, %dma_wait3A_149] : memref<2x32x833xf32, #tpu.memory_space<vmem>> -> memref<1x32x832xf32, #tpu.memory_space<vmem>>
        %dma_wait3A_151 = tpu.memref_squeeze %dma_wait3A_150 : memref<1x32x832xf32, #tpu.memory_space<vmem>> -> memref<32x832xf32, #tpu.memory_space<vmem>>
        %dma_wait3A_152 = arith.constant 0 : i32
        %dma_wait3A_153 = tpu.memref_slice %arg4[%dma_wait3A_152, %add3A_146] : memref<32x425984xf32, #tpu.memory_space<hbm>> -> memref<32x832xf32, #tpu.memory_space<hbm>>
        %dma_wait3A_154 = arith.constant 0 : i32
        %dma_wait3A_155 = tpu.memref_slice %arg4[%dma_wait3A_154, %add3A_146] : memref<32x425984xf32, #tpu.memory_space<hbm>> -> memref<32x832xf32, #tpu.memory_space<hbm>>
        %dma_wait3A_156 = arith.constant 0 : i32
        %dma_wait3A_157 = arith.constant 0 : i32
        %dma_wait3A_158 = tpu.memref_slice %arg7[%dma_wait3A_147, %dma_wait3A_156, %dma_wait3A_157] : memref<2x32x833xf32, #tpu.memory_space<vmem>> -> memref<1x32x832xf32, #tpu.memory_space<vmem>>
        %dma_wait3A_159 = tpu.memref_squeeze %dma_wait3A_158 : memref<1x32x832xf32, #tpu.memory_space<vmem>> -> memref<32x832xf32, #tpu.memory_space<vmem>>
        tpu.wait_dma2 semaphore(%arg11 : memref<!tpu.dma_semaphore, #tpu.memory_space<semaphore_mem>>) src(%dma_wait3A_159 : memref<32x832xf32, #tpu.memory_space<vmem>>) dst(%dma_wait3A_155 : memref<32x832xf32, #tpu.memory_space<hbm>>)
      } else {
      }
      %scan3A_119 = arith.constant 0 : i32
      %scan3A_120 = arith.constant 0 : i32
      %scan3A_121 = arith.constant 208 : i32
      %scan3A_122 = arith.addi %scan3A_120, %scan3A_121 : i32
      %scan3A_123 = arith.constant 1 : i32
      scf.for %scan3A_143 = %scan3A_120 to %scan3A_122 step %scan3A_123  : i32 {
        %mul3A_144 = arith.constant 4 : i32
        %mul3A_145 = arith.muli %mul3A_144, %scan3A_143 : i32
        %add3A_146 = arith.constant 0 : i32
        %add3A_147 = arith.addi %mul3A_145, %add3A_146 : i32
        %broadcast_in_dim3A = vector.broadcast %add3A_147 : i32 to vector<16xi32>
        %get3A = arith.constant 1 : i32
        %get3A_148 = arith.index_cast %get3A : i32 to index
        %get3A_149 = arith.index_cast %add3A_147 : i32 to index
        %get3A_150 = arith.constant 0 : index
        %get3A_151 = tpu.vector_load %arg6[%get3A_148, %get3A_149, %get3A_150] {strides = array<i32>} : memref<2x832x32xf32, #tpu.memory_space<vmem>>, vector<16xf32>,
        %get3A_152 = arith.constant 1 : i32
        %get3A_153 = arith.index_cast %get3A_152 : i32 to index
        %get3A_154 = arith.index_cast %add3A_147 : i32 to index
        %get3A_155 = arith.constant 16 : index
        %get3A_156 = tpu.vector_load %arg6[%get3A_153, %get3A_154, %get3A_155] {strides = array<i32>} : memref<2x832x32xf32, #tpu.memory_space<vmem>>, vector<16xf32>,
        %scatter3A = arith.constant 1 : i32
        %scatter3A_157 = arith.constant 0 : i32
        %scatter3A_158 = arith.constant 0 : i32
        %scatter3A_159 = tpu.memref_slice %arg7[%scatter3A, %scatter3A_157, %scatter3A_158] : memref<2x32x833xf32, #tpu.memory_space<vmem>> -> memref<1x32x833xf32, #tpu.memory_space<vmem>>
        %scatter3A_160 = tpu.memref_squeeze %scatter3A_159 : memref<1x32x833xf32, #tpu.memory_space<vmem>> -> memref<32x833xf32, #tpu.memory_space<vmem>>
        tpu.vector_store_idx %scatter3A_160[%iota3A, %broadcast_in_dim3A], %get3A_151 : memref<32x833xf32, #tpu.memory_space<vmem>>[vector<16xi32>, vector<16xi32>], vector<16xf32>,
        %add3A_161 = arith.constant 16 : i32
        %add3A_162 = vector.broadcast %add3A_161 : i32 to vector<16xi32>
        %add3A_163 = arith.addi %iota3A, %add3A_162 : vector<16xi32>
        %scatter3A_164 = arith.constant 1 : i32
        %scatter3A_165 = arith.constant 0 : i32
        %scatter3A_166 = arith.constant 0 : i32
        %scatter3A_167 = tpu.memref_slice %arg7[%scatter3A_164, %scatter3A_165, %scatter3A_166] : memref<2x32x833xf32, #tpu.memory_space<vmem>> -> memref<1x32x833xf32, #tpu.memory_space<vmem>>
        %scatter3A_168 = tpu.memref_squeeze %scatter3A_167 : memref<1x32x833xf32, #tpu.memory_space<vmem>> -> memref<32x833xf32, #tpu.memory_space<vmem>>
        tpu.vector_store_idx %scatter3A_168[%add3A_163, %broadcast_in_dim3A], %get3A_156 : memref<32x833xf32, #tpu.memory_space<vmem>>[vector<16xi32>, vector<16xi32>], vector<16xf32>,
        %mul3A_169 = arith.constant 4 : i32
        %mul3A_170 = arith.muli %mul3A_169, %scan3A_143 : i32
        %add3A_171 = arith.constant 1 : i32
        %add3A_172 = arith.addi %mul3A_170, %add3A_171 : i32
        %broadcast_in_dim3A_173 = vector.broadcast %add3A_172 : i32 to vector<16xi32>
        %get3A_174 = arith.constant 1 : i32
        %get3A_175 = arith.index_cast %get3A_174 : i32 to index
        %get3A_176 = arith.index_cast %add3A_172 : i32 to index
        %get3A_177 = arith.constant 0 : index
        %get3A_178 = tpu.vector_load %arg6[%get3A_175, %get3A_176, %get3A_177] {strides = array<i32>} : memref<2x832x32xf32, #tpu.memory_space<vmem>>, vector<16xf32>,
        %get3A_179 = arith.constant 1 : i32
        %get3A_180 = arith.index_cast %get3A_179 : i32 to index
        %get3A_181 = arith.index_cast %add3A_172 : i32 to index
        %get3A_182 = arith.constant 16 : index
        %get3A_183 = tpu.vector_load %arg6[%get3A_180, %get3A_181, %get3A_182] {strides = array<i32>} : memref<2x832x32xf32, #tpu.memory_space<vmem>>, vector<16xf32>,
        %scatter3A_184 = arith.constant 1 : i32
        %scatter3A_185 = arith.constant 0 : i32
        %scatter3A_186 = arith.constant 0 : i32
        %scatter3A_187 = tpu.memref_slice %arg7[%scatter3A_184, %scatter3A_185, %scatter3A_186] : memref<2x32x833xf32, #tpu.memory_space<vmem>> -> memref<1x32x833xf32, #tpu.memory_space<vmem>>
        %scatter3A_188 = tpu.memref_squeeze %scatter3A_187 : memref<1x32x833xf32, #tpu.memory_space<vmem>> -> memref<32x833xf32, #tpu.memory_space<vmem>>
        tpu.vector_store_idx %scatter3A_188[%iota3A, %broadcast_in_dim3A_173], %get3A_178 : memref<32x833xf32, #tpu.memory_space<vmem>>[vector<16xi32>, vector<16xi32>], vector<16xf32>,
        %add3A_189 = arith.constant 16 : i32
        %add3A_190 = vector.broadcast %add3A_189 : i32 to vector<16xi32>
        %add3A_191 = arith.addi %iota3A, %add3A_190 : vector<16xi32>
        %scatter3A_192 = arith.constant 1 : i32
        %scatter3A_193 = arith.constant 0 : i32
        %scatter3A_194 = arith.constant 0 : i32
        %scatter3A_195 = tpu.memref_slice %arg7[%scatter3A_192, %scatter3A_193, %scatter3A_194] : memref<2x32x833xf32, #tpu.memory_space<vmem>> -> memref<1x32x833xf32, #tpu.memory_space<vmem>>
        %scatter3A_196 = tpu.memref_squeeze %scatter3A_195 : memref<1x32x833xf32, #tpu.memory_space<vmem>> -> memref<32x833xf32, #tpu.memory_space<vmem>>
        tpu.vector_store_idx %scatter3A_196[%add3A_191, %broadcast_in_dim3A_173], %get3A_183 : memref<32x833xf32, #tpu.memory_space<vmem>>[vector<16xi32>, vector<16xi32>], vector<16xf32>,
        %mul3A_197 = arith.constant 4 : i32
        %mul3A_198 = arith.muli %mul3A_197, %scan3A_143 : i32
        %add3A_199 = arith.constant 2 : i32
        %add3A_200 = arith.addi %mul3A_198, %add3A_199 : i32
        %broadcast_in_dim3A_201 = vector.broadcast %add3A_200 : i32 to vector<16xi32>
        %get3A_202 = arith.constant 1 : i32
        %get3A_203 = arith.index_cast %get3A_202 : i32 to index
        %get3A_204 = arith.index_cast %add3A_200 : i32 to index
        %get3A_205 = arith.constant 0 : index
        %get3A_206 = tpu.vector_load %arg6[%get3A_203, %get3A_204, %get3A_205] {strides = array<i32>} : memref<2x832x32xf32, #tpu.memory_space<vmem>>, vector<16xf32>,
        %get3A_207 = arith.constant 1 : i32
        %get3A_208 = arith.index_cast %get3A_207 : i32 to index
        %get3A_209 = arith.index_cast %add3A_200 : i32 to index
        %get3A_210 = arith.constant 16 : index
        %get3A_211 = tpu.vector_load %arg6[%get3A_208, %get3A_209, %get3A_210] {strides = array<i32>} : memref<2x832x32xf32, #tpu.memory_space<vmem>>, vector<16xf32>,
        %scatter3A_212 = arith.constant 1 : i32
        %scatter3A_213 = arith.constant 0 : i32
        %scatter3A_214 = arith.constant 0 : i32
        %scatter3A_215 = tpu.memref_slice %arg7[%scatter3A_212, %scatter3A_213, %scatter3A_214] : memref<2x32x833xf32, #tpu.memory_space<vmem>> -> memref<1x32x833xf32, #tpu.memory_space<vmem>>
        %scatter3A_216 = tpu.memref_squeeze %scatter3A_215 : memref<1x32x833xf32, #tpu.memory_space<vmem>> -> memref<32x833xf32, #tpu.memory_space<vmem>>
        tpu.vector_store_idx %scatter3A_216[%iota3A, %broadcast_in_dim3A_201], %get3A_206 : memref<32x833xf32, #tpu.memory_space<vmem>>[vector<16xi32>, vector<16xi32>], vector<16xf32>,
        %add3A_217 = arith.constant 16 : i32
        %add3A_218 = vector.broadcast %add3A_217 : i32 to vector<16xi32>
        %add3A_219 = arith.addi %iota3A, %add3A_218 : vector<16xi32>
        %scatter3A_220 = arith.constant 1 : i32
        %scatter3A_221 = arith.constant 0 : i32
        %scatter3A_222 = arith.constant 0 : i32
        %scatter3A_223 = tpu.memref_slice %arg7[%scatter3A_220, %scatter3A_221, %scatter3A_222] : memref<2x32x833xf32, #tpu.memory_space<vmem>> -> memref<1x32x833xf32, #tpu.memory_space<vmem>>
        %scatter3A_224 = tpu.memref_squeeze %scatter3A_223 : memref<1x32x833xf32, #tpu.memory_space<vmem>> -> memref<32x833xf32, #tpu.memory_space<vmem>>
        tpu.vector_store_idx %scatter3A_224[%add3A_219, %broadcast_in_dim3A_201], %get3A_211 : memref<32x833xf32, #tpu.memory_space<vmem>>[vector<16xi32>, vector<16xi32>], vector<16xf32>,
        %mul3A_225 = arith.constant 4 : i32
        %mul3A_226 = arith.muli %mul3A_225, %scan3A_143 : i32
        %add3A_227 = arith.constant 3 : i32
        %add3A_228 = arith.addi %mul3A_226, %add3A_227 : i32
        %broadcast_in_dim3A_229 = vector.broadcast %add3A_228 : i32 to vector<16xi32>
        %get3A_230 = arith.constant 1 : i32
        %get3A_231 = arith.index_cast %get3A_230 : i32 to index
        %get3A_232 = arith.index_cast %add3A_228 : i32 to index
        %get3A_233 = arith.constant 0 : index
        %get3A_234 = tpu.vector_load %arg6[%get3A_231, %get3A_232, %get3A_233] {strides = array<i32>} : memref<2x832x32xf32, #tpu.memory_space<vmem>>, vector<16xf32>,
        %get3A_235 = arith.constant 1 : i32
        %get3A_236 = arith.index_cast %get3A_235 : i32 to index
        %get3A_237 = arith.index_cast %add3A_228 : i32 to index
        %get3A_238 = arith.constant 16 : index
        %get3A_239 = tpu.vector_load %arg6[%get3A_236, %get3A_237, %get3A_238] {strides = array<i32>} : memref<2x832x32xf32, #tpu.memory_space<vmem>>, vector<16xf32>,
        %scatter3A_240 = arith.constant 1 : i32
        %scatter3A_241 = arith.constant 0 : i32
        %scatter3A_242 = arith.constant 0 : i32
        %scatter3A_243 = tpu.memref_slice %arg7[%scatter3A_240, %scatter3A_241, %scatter3A_242] : memref<2x32x833xf32, #tpu.memory_space<vmem>> -> memref<1x32x833xf32, #tpu.memory_space<vmem>>
        %scatter3A_244 = tpu.memref_squeeze %scatter3A_243 : memref<1x32x833xf32, #tpu.memory_space<vmem>> -> memref<32x833xf32, #tpu.memory_space<vmem>>
        tpu.vector_store_idx %scatter3A_244[%iota3A, %broadcast_in_dim3A_229], %get3A_234 : memref<32x833xf32, #tpu.memory_space<vmem>>[vector<16xi32>, vector<16xi32>], vector<16xf32>,
        %add3A_245 = arith.constant 16 : i32
        %add3A_246 = vector.broadcast %add3A_245 : i32 to vector<16xi32>
        %add3A_247 = arith.addi %iota3A, %add3A_246 : vector<16xi32>
        %scatter3A_248 = arith.constant 1 : i32
        %scatter3A_249 = arith.constant 0 : i32
        %scatter3A_250 = arith.constant 0 : i32
        %scatter3A_251 = tpu.memref_slice %arg7[%scatter3A_248, %scatter3A_249, %scatter3A_250] : memref<2x32x833xf32, #tpu.memory_space<vmem>> -> memref<1x32x833xf32, #tpu.memory_space<vmem>>
        %scatter3A_252 = tpu.memref_squeeze %scatter3A_251 : memref<1x32x833xf32, #tpu.memory_space<vmem>> -> memref<32x833xf32, #tpu.memory_space<vmem>>
        tpu.vector_store_idx %scatter3A_252[%add3A_247, %broadcast_in_dim3A_229], %get3A_239 : memref<32x833xf32, #tpu.memory_space<vmem>>[vector<16xi32>, vector<16xi32>], vector<16xf32>,
      }
      %scan3A_124 = arith.constant 208 : i32
      %add3A_125 = arith.constant 1 : i32
      %add3A_126 = arith.addi %mul3A_48, %add3A_125 : i32
      %mul3A_127 = arith.constant 832 : i32
      %mul3A_128 = arith.muli %add3A_126, %mul3A_127 : i32
      %add3A_129 = arith.addi %mul3A_2, %mul3A_128 : i32
      %dma_start3A_130 = arith.constant 1 : i32
      %dma_start3A_131 = arith.constant 0 : i32
      %dma_start3A_132 = arith.constant 0 : i32
      %dma_start3A_133 = tpu.memref_slice %arg7[%dma_start3A_130, %dma_start3A_131, %dma_start3A_132] : memref<2x32x833xf32, #tpu.memory_space<vmem>> -> memref<1x32x832xf32, #tpu.memory_space<vmem>>
      %dma_start3A_134 = tpu.memref_squeeze %dma_start3A_133 : memref<1x32x832xf32, #tpu.memory_space<vmem>> -> memref<32x832xf32, #tpu.memory_space<vmem>>
      %dma_start3A_135 = arith.constant 0 : i32
      %dma_start3A_136 = tpu.memref_slice %arg4[%dma_start3A_135, %add3A_129] : memref<32x425984xf32, #tpu.memory_space<hbm>> -> memref<32x832xf32, #tpu.memory_space<hbm>>
      %dma_start3A_137 = arith.constant 0 : i32
      %dma_start3A_138 = tpu.memref_slice %arg4[%dma_start3A_137, %add3A_129] : memref<32x425984xf32, #tpu.memory_space<hbm>> -> memref<32x832xf32, #tpu.memory_space<hbm>>
      %dma_start3A_139 = arith.constant 0 : i32
      %dma_start3A_140 = arith.constant 0 : i32
      %dma_start3A_141 = tpu.memref_slice %arg7[%dma_start3A_130, %dma_start3A_139, %dma_start3A_140] : memref<2x32x833xf32, #tpu.memory_space<vmem>> -> memref<1x32x832xf32, #tpu.memory_space<vmem>>
      %dma_start3A_142 = tpu.memref_squeeze %dma_start3A_141 : memref<1x32x832xf32, #tpu.memory_space<vmem>> -> memref<32x832xf32, #tpu.memory_space<vmem>>
      tpu.enqueue_dma source(%dma_start3A_142 : memref<32x832xf32, #tpu.memory_space<vmem>>) target(%dma_start3A_138 : memref<32x832xf32, #tpu.memory_space<hbm>>) target_semaphore(%arg11 : memref<!tpu.dma_semaphore, #tpu.memory_space<semaphore_mem>>)
    }
    %scan3A_16 = arith.constant 8 : i32
    %add3A_17 = arith.constant 11648 : i32
    %add3A_18 = arith.addi %mul3A_2, %add3A_17 : i32
    %dma_wait3A = arith.constant 0 : i32
    %dma_wait3A_19 = arith.constant 0 : i32
    %dma_wait3A_20 = arith.constant 0 : i32
    %dma_wait3A_21 = tpu.memref_slice %arg7[%dma_wait3A, %dma_wait3A_19, %dma_wait3A_20] : memref<2x32x833xf32, #tpu.memory_space<vmem>> -> memref<1x32x832xf32, #tpu.memory_space<vmem>>
    %dma_wait3A_22 = tpu.memref_squeeze %dma_wait3A_21 : memref<1x32x832xf32, #tpu.memory_space<vmem>> -> memref<32x832xf32, #tpu.memory_space<vmem>>
    %dma_wait3A_23 = arith.constant 0 : i32
    %dma_wait3A_24 = tpu.memref_slice %arg4[%dma_wait3A_23, %add3A_18] : memref<32x425984xf32, #tpu.memory_space<hbm>> -> memref<32x832xf32, #tpu.memory_space<hbm>>
    %dma_wait3A_25 = arith.constant 0 : i32
    %dma_wait3A_26 = tpu.memref_slice %arg4[%dma_wait3A_25, %add3A_18] : memref<32x425984xf32, #tpu.memory_space<hbm>> -> memref<32x832xf32, #tpu.memory_space<hbm>>
    %dma_wait3A_27 = arith.constant 0 : i32
    %dma_wait3A_28 = arith.constant 0 : i32
    %dma_wait3A_29 = tpu.memref_slice %arg7[%dma_wait3A, %dma_wait3A_27, %dma_wait3A_28] : memref<2x32x833xf32, #tpu.memory_space<vmem>> -> memref<1x32x832xf32, #tpu.memory_space<vmem>>
    %dma_wait3A_30 = tpu.memref_squeeze %dma_wait3A_29 : memref<1x32x832xf32, #tpu.memory_space<vmem>> -> memref<32x832xf32, #tpu.memory_space<vmem>>
    tpu.wait_dma2 semaphore(%arg10 : memref<!tpu.dma_semaphore, #tpu.memory_space<semaphore_mem>>) src(%dma_wait3A_30 : memref<32x832xf32, #tpu.memory_space<vmem>>) dst(%dma_wait3A_26 : memref<32x832xf32, #tpu.memory_space<hbm>>)
    %add3A_31 = arith.constant 12480 : i32
    %add3A_32 = arith.addi %mul3A_2, %add3A_31 : i32
    %dma_wait3A_33 = arith.constant 1 : i32
    %dma_wait3A_34 = arith.constant 0 : i32
    %dma_wait3A_35 = arith.constant 0 : i32
    %dma_wait3A_36 = tpu.memref_slice %arg7[%dma_wait3A_33, %dma_wait3A_34, %dma_wait3A_35] : memref<2x32x833xf32, #tpu.memory_space<vmem>> -> memref<1x32x832xf32, #tpu.memory_space<vmem>>
    %dma_wait3A_37 = tpu.memref_squeeze %dma_wait3A_36 : memref<1x32x832xf32, #tpu.memory_space<vmem>> -> memref<32x832xf32, #tpu.memory_space<vmem>>
    %dma_wait3A_38 = arith.constant 0 : i32
    %dma_wait3A_39 = tpu.memref_slice %arg4[%dma_wait3A_38, %add3A_32] : memref<32x425984xf32, #tpu.memory_space<hbm>> -> memref<32x832xf32, #tpu.memory_space<hbm>>
    %dma_wait3A_40 = arith.constant 0 : i32
    %dma_wait3A_41 = tpu.memref_slice %arg4[%dma_wait3A_40, %add3A_32] : memref<32x425984xf32, #tpu.memory_space<hbm>> -> memref<32x832xf32, #tpu.memory_space<hbm>>
    %dma_wait3A_42 = arith.constant 0 : i32
    %dma_wait3A_43 = arith.constant 0 : i32
    %dma_wait3A_44 = tpu.memref_slice %arg7[%dma_wait3A_33, %dma_wait3A_42, %dma_wait3A_43] : memref<2x32x833xf32, #tpu.memory_space<vmem>> -> memref<1x32x832xf32, #tpu.memory_space<vmem>>
    %dma_wait3A_45 = tpu.memref_squeeze %dma_wait3A_44 : memref<1x32x832xf32, #tpu.memory_space<vmem>> -> memref<32x832xf32, #tpu.memory_space<vmem>>
    tpu.wait_dma2 semaphore(%arg11 : memref<!tpu.dma_semaphore, #tpu.memory_space<semaphore_mem>>) src(%dma_wait3A_45 : memref<32x832xf32, #tpu.memory_space<vmem>>) dst(%dma_wait3A_41 : memref<32x832xf32, #tpu.memory_space<hbm>>)
    return
  }
}

#map = affine_map<(d0, d1) -> (0, 0)>
#map1 = affine_map<(d0, d1) -> (0)>
module attributes {stable_mosaic.version = 14 : i64} {
  func.func @ka(%arg0: i32, %arg1: i32, %arg2: memref<32x1000000xf32, #tpu.memory_space<hbm>>, %arg3: memref<32000000xf32, #tpu.memory_space<hbm>>, %arg4: memref<2x32x768xf32, #tpu.memory_space<vmem>>, %arg5: memref<24576xf32, #tpu.memory_space<vmem>>, %arg6: memref<24576xf32, #tpu.memory_space<vmem>>, %arg7: memref<!tpu.dma_semaphore, #tpu.memory_space<semaphore_mem>>, %arg8: memref<!tpu.dma_semaphore, #tpu.memory_space<semaphore_mem>>, %arg9: memref<!tpu.dma_semaphore, #tpu.memory_space<semaphore_mem>>, %arg10: memref<!tpu.dma_semaphore, #tpu.memory_space<semaphore_mem>>) attributes {dimension_semantics = [#tpu.dimension_semantics<core_parallel>, #tpu.dimension_semantics<subcore_parallel>], iteration_bounds = array<i64: 2, 16>, scalar_prefetch = 0 : i64, scratch_operands = 7 : i64, tpu.core_type = #tpu.core_type<sc_vector_subcore>, window_params = [{transform_indices = #map}, {transform_indices = #map1}]} {
    %mul3A = arith.constant 2 : i32
    %mul3A_0 = arith.muli %arg1, %mul3A : i32
    %add3A = arith.addi %mul3A_0, %arg0 : i32
    %add3A_1 = arith.constant 0 : i32
    %add3A_2 = arith.addi %add3A, %add3A_1 : i32
    %mul3A_3 = arith.constant 768 : i32
    %mul3A_4 = arith.muli %add3A_2, %mul3A_3 : i32
    %dma_start3A = arith.constant 0 : i32
    %dma_start3A_5 = arith.constant 0 : i32
    %dma_start3A_6 = arith.constant 0 : i32
    %dma_start3A_7 = tpu.memref_slice %arg4[%dma_start3A, %dma_start3A_5, %dma_start3A_6] : memref<2x32x768xf32, #tpu.memory_space<vmem>> -> memref<1x32x768xf32, #tpu.memory_space<vmem>>
    %dma_start3A_8 = tpu.memref_squeeze %dma_start3A_7 : memref<1x32x768xf32, #tpu.memory_space<vmem>> -> memref<32x768xf32, #tpu.memory_space<vmem>>
    %dma_start3A_9 = arith.constant 0 : i32
    %dma_start3A_10 = tpu.memref_slice %arg2[%dma_start3A_9, %mul3A_4] : memref<32x1000000xf32, #tpu.memory_space<hbm>> -> memref<32x768xf32, #tpu.memory_space<hbm>>
    %dma_start3A_11 = arith.constant 0 : i32
    %dma_start3A_12 = arith.constant 0 : i32
    %dma_start3A_13 = tpu.memref_slice %arg4[%dma_start3A, %dma_start3A_11, %dma_start3A_12] : memref<2x32x768xf32, #tpu.memory_space<vmem>> -> memref<1x32x768xf32, #tpu.memory_space<vmem>>
    %dma_start3A_14 = tpu.memref_squeeze %dma_start3A_13 : memref<1x32x768xf32, #tpu.memory_space<vmem>> -> memref<32x768xf32, #tpu.memory_space<vmem>>
    %dma_start3A_15 = arith.constant 0 : i32
    %dma_start3A_16 = tpu.memref_slice %arg2[%dma_start3A_15, %mul3A_4] : memref<32x1000000xf32, #tpu.memory_space<hbm>> -> memref<32x768xf32, #tpu.memory_space<hbm>>
    tpu.enqueue_dma source(%dma_start3A_16 : memref<32x768xf32, #tpu.memory_space<hbm>>) target(%dma_start3A_14 : memref<32x768xf32, #tpu.memory_space<vmem>>) target_semaphore(%arg7 : memref<!tpu.dma_semaphore, #tpu.memory_space<semaphore_mem>>)
    %scan3A = arith.constant 0 : i32
    %scan3A_17 = arith.constant 0 : i32
    %scan3A_18 = arith.constant 20 : i32
    %scan3A_19 = arith.addi %scan3A_17, %scan3A_18 : i32
    %scan3A_20 = arith.constant 1 : i32
    scf.for %scan3A_35 = %scan3A_17 to %scan3A_19 step %scan3A_20  : i32 {
      %mul3A_36 = arith.constant 2 : i32
      %mul3A_37 = arith.muli %mul3A_36, %scan3A_35 : i32
      %mul3A_38 = arith.constant 32 : i32
      %mul3A_39 = arith.muli %mul3A_37, %mul3A_38 : i32
      %add3A_40 = arith.addi %add3A, %mul3A_39 : i32
      %mul3A_41 = arith.constant 768 : i32
      %mul3A_42 = arith.muli %add3A_40, %mul3A_41 : i32
      %dma_wait3A_43 = arith.constant 0 : i32
      %dma_wait3A_44 = arith.constant 0 : i32
      %dma_wait3A_45 = arith.constant 0 : i32
      %dma_wait3A_46 = tpu.memref_slice %arg4[%dma_wait3A_43, %dma_wait3A_44, %dma_wait3A_45] : memref<2x32x768xf32, #tpu.memory_space<vmem>> -> memref<1x32x768xf32, #tpu.memory_space<vmem>>
      %dma_wait3A_47 = tpu.memref_squeeze %dma_wait3A_46 : memref<1x32x768xf32, #tpu.memory_space<vmem>> -> memref<32x768xf32, #tpu.memory_space<vmem>>
      %dma_wait3A_48 = arith.constant 0 : i32
      %dma_wait3A_49 = tpu.memref_slice %arg2[%dma_wait3A_48, %mul3A_42] : memref<32x1000000xf32, #tpu.memory_space<hbm>> -> memref<32x768xf32, #tpu.memory_space<hbm>>
      %dma_wait3A_50 = arith.constant 0 : i32
      %dma_wait3A_51 = arith.constant 0 : i32
      %dma_wait3A_52 = tpu.memref_slice %arg4[%dma_wait3A_43, %dma_wait3A_50, %dma_wait3A_51] : memref<2x32x768xf32, #tpu.memory_space<vmem>> -> memref<1x32x768xf32, #tpu.memory_space<vmem>>
      %dma_wait3A_53 = tpu.memref_squeeze %dma_wait3A_52 : memref<1x32x768xf32, #tpu.memory_space<vmem>> -> memref<32x768xf32, #tpu.memory_space<vmem>>
      %dma_wait3A_54 = arith.constant 0 : i32
      %dma_wait3A_55 = tpu.memref_slice %arg2[%dma_wait3A_54, %mul3A_42] : memref<32x1000000xf32, #tpu.memory_space<hbm>> -> memref<32x768xf32, #tpu.memory_space<hbm>>
      tpu.wait_dma2 semaphore(%arg7 : memref<!tpu.dma_semaphore, #tpu.memory_space<semaphore_mem>>) src(%dma_wait3A_55 : memref<32x768xf32, #tpu.memory_space<hbm>>) dst(%dma_wait3A_53 : memref<32x768xf32, #tpu.memory_space<vmem>>)
      %add3A_56 = arith.constant 1 : i32
      %add3A_57 = arith.addi %mul3A_37, %add3A_56 : i32
      %mul3A_58 = arith.constant 32 : i32
      %mul3A_59 = arith.muli %add3A_57, %mul3A_58 : i32
      %add3A_60 = arith.addi %add3A, %mul3A_59 : i32
      %mul3A_61 = arith.constant 768 : i32
      %mul3A_62 = arith.muli %add3A_60, %mul3A_61 : i32
      %dma_start3A_63 = arith.constant 1 : i32
      %dma_start3A_64 = arith.constant 0 : i32
      %dma_start3A_65 = arith.constant 0 : i32
      %dma_start3A_66 = tpu.memref_slice %arg4[%dma_start3A_63, %dma_start3A_64, %dma_start3A_65] : memref<2x32x768xf32, #tpu.memory_space<vmem>> -> memref<1x32x768xf32, #tpu.memory_space<vmem>>
      %dma_start3A_67 = tpu.memref_squeeze %dma_start3A_66 : memref<1x32x768xf32, #tpu.memory_space<vmem>> -> memref<32x768xf32, #tpu.memory_space<vmem>>
      %dma_start3A_68 = arith.constant 0 : i32
      %dma_start3A_69 = tpu.memref_slice %arg2[%dma_start3A_68, %mul3A_62] : memref<32x1000000xf32, #tpu.memory_space<hbm>> -> memref<32x768xf32, #tpu.memory_space<hbm>>
      %dma_start3A_70 = arith.constant 0 : i32
      %dma_start3A_71 = arith.constant 0 : i32
      %dma_start3A_72 = tpu.memref_slice %arg4[%dma_start3A_63, %dma_start3A_70, %dma_start3A_71] : memref<2x32x768xf32, #tpu.memory_space<vmem>> -> memref<1x32x768xf32, #tpu.memory_space<vmem>>
      %dma_start3A_73 = tpu.memref_squeeze %dma_start3A_72 : memref<1x32x768xf32, #tpu.memory_space<vmem>> -> memref<32x768xf32, #tpu.memory_space<vmem>>
      %dma_start3A_74 = arith.constant 0 : i32
      %dma_start3A_75 = tpu.memref_slice %arg2[%dma_start3A_74, %mul3A_62] : memref<32x1000000xf32, #tpu.memory_space<hbm>> -> memref<32x768xf32, #tpu.memory_space<hbm>>
      tpu.enqueue_dma source(%dma_start3A_75 : memref<32x768xf32, #tpu.memory_space<hbm>>) target(%dma_start3A_73 : memref<32x768xf32, #tpu.memory_space<vmem>>) target_semaphore(%arg8 : memref<!tpu.dma_semaphore, #tpu.memory_space<semaphore_mem>>)
      %gt3A = arith.constant 0 : i32
      %gt3A_76 = arith.cmpi sgt, %scan3A_35, %gt3A : i32
      %convert_element_type3A_77 = arith.extui %gt3A_76 : i1 to i32
      %cond3A_78 = arith.constant 0 : i32
      %cond3A_79 = arith.cmpi ne, %convert_element_type3A_77, %cond3A_78 : i32
      scf.if %cond3A_79 {
        %sub3A = arith.constant 2 : i32
        %sub3A_525 = arith.subi %mul3A_37, %sub3A : i32
        %mul3A_526 = arith.constant 32 : i32
        %mul3A_527 = arith.muli %sub3A_525, %mul3A_526 : i32
        %add3A_528 = arith.addi %add3A, %mul3A_527 : i32
        %mul3A_529 = arith.constant 24576 : i32
        %mul3A_530 = arith.muli %add3A_528, %mul3A_529 : i32
        %dma_wait3A_531 = tpu.memref_slice %arg3[%mul3A_530] : memref<32000000xf32, #tpu.memory_space<hbm>> -> memref<24576xf32, #tpu.memory_space<hbm>>
        %dma_wait3A_532 = tpu.memref_slice %arg3[%mul3A_530] : memref<32000000xf32, #tpu.memory_space<hbm>> -> memref<24576xf32, #tpu.memory_space<hbm>>
        tpu.wait_dma2 semaphore(%arg9 : memref<!tpu.dma_semaphore, #tpu.memory_space<semaphore_mem>>) src(%arg5 : memref<24576xf32, #tpu.memory_space<vmem>>) dst(%dma_wait3A_532 : memref<24576xf32, #tpu.memory_space<hbm>>)
      } else {
      }
      %iota3A = tpu.iota {dimensions = array<i32: 0>} : vector<16xi32>
      %mul3A_80 = arith.constant 32 : i32
      %mul3A_81 = vector.broadcast %mul3A_80 : i32 to vector<16xi32>
      %mul3A_82 = arith.muli %iota3A, %mul3A_81 : vector<16xi32>
      %add3A_83 = arith.constant 0 : i32
      %add3A_84 = vector.broadcast %add3A_83 : i32 to vector<16xi32>
      %add3A_85 = arith.addi %mul3A_82, %add3A_84 : vector<16xi32>
      %mul3A_86 = arith.constant 32 : i32
      %mul3A_87 = vector.broadcast %mul3A_86 : i32 to vector<16xi32>
      %mul3A_88 = arith.muli %iota3A, %mul3A_87 : vector<16xi32>
      %add3A_89 = arith.constant 1 : i32
      %add3A_90 = vector.broadcast %add3A_89 : i32 to vector<16xi32>
      %add3A_91 = arith.addi %mul3A_88, %add3A_90 : vector<16xi32>
      %mul3A_92 = arith.constant 32 : i32
      %mul3A_93 = vector.broadcast %mul3A_92 : i32 to vector<16xi32>
      %mul3A_94 = arith.muli %iota3A, %mul3A_93 : vector<16xi32>
      %add3A_95 = arith.constant 2 : i32
      %add3A_96 = vector.broadcast %add3A_95 : i32 to vector<16xi32>
      %add3A_97 = arith.addi %mul3A_94, %add3A_96 : vector<16xi32>
      %mul3A_98 = arith.constant 32 : i32
      %mul3A_99 = vector.broadcast %mul3A_98 : i32 to vector<16xi32>
      %mul3A_100 = arith.muli %iota3A, %mul3A_99 : vector<16xi32>
      %add3A_101 = arith.constant 3 : i32
      %add3A_102 = vector.broadcast %add3A_101 : i32 to vector<16xi32>
      %add3A_103 = arith.addi %mul3A_100, %add3A_102 : vector<16xi32>
      %mul3A_104 = arith.constant 32 : i32
      %mul3A_105 = vector.broadcast %mul3A_104 : i32 to vector<16xi32>
      %mul3A_106 = arith.muli %iota3A, %mul3A_105 : vector<16xi32>
      %add3A_107 = arith.constant 4 : i32
      %add3A_108 = vector.broadcast %add3A_107 : i32 to vector<16xi32>
      %add3A_109 = arith.addi %mul3A_106, %add3A_108 : vector<16xi32>
      %mul3A_110 = arith.constant 32 : i32
      %mul3A_111 = vector.broadcast %mul3A_110 : i32 to vector<16xi32>
      %mul3A_112 = arith.muli %iota3A, %mul3A_111 : vector<16xi32>
      %add3A_113 = arith.constant 5 : i32
      %add3A_114 = vector.broadcast %add3A_113 : i32 to vector<16xi32>
      %add3A_115 = arith.addi %mul3A_112, %add3A_114 : vector<16xi32>
      %mul3A_116 = arith.constant 32 : i32
      %mul3A_117 = vector.broadcast %mul3A_116 : i32 to vector<16xi32>
      %mul3A_118 = arith.muli %iota3A, %mul3A_117 : vector<16xi32>
      %add3A_119 = arith.constant 6 : i32
      %add3A_120 = vector.broadcast %add3A_119 : i32 to vector<16xi32>
      %add3A_121 = arith.addi %mul3A_118, %add3A_120 : vector<16xi32>
      %mul3A_122 = arith.constant 32 : i32
      %mul3A_123 = vector.broadcast %mul3A_122 : i32 to vector<16xi32>
      %mul3A_124 = arith.muli %iota3A, %mul3A_123 : vector<16xi32>
      %add3A_125 = arith.constant 7 : i32
      %add3A_126 = vector.broadcast %add3A_125 : i32 to vector<16xi32>
      %add3A_127 = arith.addi %mul3A_124, %add3A_126 : vector<16xi32>
      %mul3A_128 = arith.constant 32 : i32
      %mul3A_129 = vector.broadcast %mul3A_128 : i32 to vector<16xi32>
      %mul3A_130 = arith.muli %iota3A, %mul3A_129 : vector<16xi32>
      %add3A_131 = arith.constant 8 : i32
      %add3A_132 = vector.broadcast %add3A_131 : i32 to vector<16xi32>
      %add3A_133 = arith.addi %mul3A_130, %add3A_132 : vector<16xi32>
      %mul3A_134 = arith.constant 32 : i32
      %mul3A_135 = vector.broadcast %mul3A_134 : i32 to vector<16xi32>
      %mul3A_136 = arith.muli %iota3A, %mul3A_135 : vector<16xi32>
      %add3A_137 = arith.constant 9 : i32
      %add3A_138 = vector.broadcast %add3A_137 : i32 to vector<16xi32>
      %add3A_139 = arith.addi %mul3A_136, %add3A_138 : vector<16xi32>
      %mul3A_140 = arith.constant 32 : i32
      %mul3A_141 = vector.broadcast %mul3A_140 : i32 to vector<16xi32>
      %mul3A_142 = arith.muli %iota3A, %mul3A_141 : vector<16xi32>
      %add3A_143 = arith.constant 10 : i32
      %add3A_144 = vector.broadcast %add3A_143 : i32 to vector<16xi32>
      %add3A_145 = arith.addi %mul3A_142, %add3A_144 : vector<16xi32>
      %mul3A_146 = arith.constant 32 : i32
      %mul3A_147 = vector.broadcast %mul3A_146 : i32 to vector<16xi32>
      %mul3A_148 = arith.muli %iota3A, %mul3A_147 : vector<16xi32>
      %add3A_149 = arith.constant 11 : i32
      %add3A_150 = vector.broadcast %add3A_149 : i32 to vector<16xi32>
      %add3A_151 = arith.addi %mul3A_148, %add3A_150 : vector<16xi32>
      %mul3A_152 = arith.constant 32 : i32
      %mul3A_153 = vector.broadcast %mul3A_152 : i32 to vector<16xi32>
      %mul3A_154 = arith.muli %iota3A, %mul3A_153 : vector<16xi32>
      %add3A_155 = arith.constant 12 : i32
      %add3A_156 = vector.broadcast %add3A_155 : i32 to vector<16xi32>
      %add3A_157 = arith.addi %mul3A_154, %add3A_156 : vector<16xi32>
      %mul3A_158 = arith.constant 32 : i32
      %mul3A_159 = vector.broadcast %mul3A_158 : i32 to vector<16xi32>
      %mul3A_160 = arith.muli %iota3A, %mul3A_159 : vector<16xi32>
      %add3A_161 = arith.constant 13 : i32
      %add3A_162 = vector.broadcast %add3A_161 : i32 to vector<16xi32>
      %add3A_163 = arith.addi %mul3A_160, %add3A_162 : vector<16xi32>
      %mul3A_164 = arith.constant 32 : i32
      %mul3A_165 = vector.broadcast %mul3A_164 : i32 to vector<16xi32>
      %mul3A_166 = arith.muli %iota3A, %mul3A_165 : vector<16xi32>
      %add3A_167 = arith.constant 14 : i32
      %add3A_168 = vector.broadcast %add3A_167 : i32 to vector<16xi32>
      %add3A_169 = arith.addi %mul3A_166, %add3A_168 : vector<16xi32>
      %mul3A_170 = arith.constant 32 : i32
      %mul3A_171 = vector.broadcast %mul3A_170 : i32 to vector<16xi32>
      %mul3A_172 = arith.muli %iota3A, %mul3A_171 : vector<16xi32>
      %add3A_173 = arith.constant 15 : i32
      %add3A_174 = vector.broadcast %add3A_173 : i32 to vector<16xi32>
      %add3A_175 = arith.addi %mul3A_172, %add3A_174 : vector<16xi32>
      %mul3A_176 = arith.constant 32 : i32
      %mul3A_177 = vector.broadcast %mul3A_176 : i32 to vector<16xi32>
      %mul3A_178 = arith.muli %iota3A, %mul3A_177 : vector<16xi32>
      %add3A_179 = arith.constant 16 : i32
      %add3A_180 = vector.broadcast %add3A_179 : i32 to vector<16xi32>
      %add3A_181 = arith.addi %mul3A_178, %add3A_180 : vector<16xi32>
      %mul3A_182 = arith.constant 32 : i32
      %mul3A_183 = vector.broadcast %mul3A_182 : i32 to vector<16xi32>
      %mul3A_184 = arith.muli %iota3A, %mul3A_183 : vector<16xi32>
      %add3A_185 = arith.constant 17 : i32
      %add3A_186 = vector.broadcast %add3A_185 : i32 to vector<16xi32>
      %add3A_187 = arith.addi %mul3A_184, %add3A_186 : vector<16xi32>
      %mul3A_188 = arith.constant 32 : i32
      %mul3A_189 = vector.broadcast %mul3A_188 : i32 to vector<16xi32>
      %mul3A_190 = arith.muli %iota3A, %mul3A_189 : vector<16xi32>
      %add3A_191 = arith.constant 18 : i32
      %add3A_192 = vector.broadcast %add3A_191 : i32 to vector<16xi32>
      %add3A_193 = arith.addi %mul3A_190, %add3A_192 : vector<16xi32>
      %mul3A_194 = arith.constant 32 : i32
      %mul3A_195 = vector.broadcast %mul3A_194 : i32 to vector<16xi32>
      %mul3A_196 = arith.muli %iota3A, %mul3A_195 : vector<16xi32>
      %add3A_197 = arith.constant 19 : i32
      %add3A_198 = vector.broadcast %add3A_197 : i32 to vector<16xi32>
      %add3A_199 = arith.addi %mul3A_196, %add3A_198 : vector<16xi32>
      %mul3A_200 = arith.constant 32 : i32
      %mul3A_201 = vector.broadcast %mul3A_200 : i32 to vector<16xi32>
      %mul3A_202 = arith.muli %iota3A, %mul3A_201 : vector<16xi32>
      %add3A_203 = arith.constant 20 : i32
      %add3A_204 = vector.broadcast %add3A_203 : i32 to vector<16xi32>
      %add3A_205 = arith.addi %mul3A_202, %add3A_204 : vector<16xi32>
      %mul3A_206 = arith.constant 32 : i32
      %mul3A_207 = vector.broadcast %mul3A_206 : i32 to vector<16xi32>
      %mul3A_208 = arith.muli %iota3A, %mul3A_207 : vector<16xi32>
      %add3A_209 = arith.constant 21 : i32
      %add3A_210 = vector.broadcast %add3A_209 : i32 to vector<16xi32>
      %add3A_211 = arith.addi %mul3A_208, %add3A_210 : vector<16xi32>
      %mul3A_212 = arith.constant 32 : i32
      %mul3A_213 = vector.broadcast %mul3A_212 : i32 to vector<16xi32>
      %mul3A_214 = arith.muli %iota3A, %mul3A_213 : vector<16xi32>
      %add3A_215 = arith.constant 22 : i32
      %add3A_216 = vector.broadcast %add3A_215 : i32 to vector<16xi32>
      %add3A_217 = arith.addi %mul3A_214, %add3A_216 : vector<16xi32>
      %mul3A_218 = arith.constant 32 : i32
      %mul3A_219 = vector.broadcast %mul3A_218 : i32 to vector<16xi32>
      %mul3A_220 = arith.muli %iota3A, %mul3A_219 : vector<16xi32>
      %add3A_221 = arith.constant 23 : i32
      %add3A_222 = vector.broadcast %add3A_221 : i32 to vector<16xi32>
      %add3A_223 = arith.addi %mul3A_220, %add3A_222 : vector<16xi32>
      %mul3A_224 = arith.constant 32 : i32
      %mul3A_225 = vector.broadcast %mul3A_224 : i32 to vector<16xi32>
      %mul3A_226 = arith.muli %iota3A, %mul3A_225 : vector<16xi32>
      %add3A_227 = arith.constant 24 : i32
      %add3A_228 = vector.broadcast %add3A_227 : i32 to vector<16xi32>
      %add3A_229 = arith.addi %mul3A_226, %add3A_228 : vector<16xi32>
      %mul3A_230 = arith.constant 32 : i32
      %mul3A_231 = vector.broadcast %mul3A_230 : i32 to vector<16xi32>
      %mul3A_232 = arith.muli %iota3A, %mul3A_231 : vector<16xi32>
      %add3A_233 = arith.constant 25 : i32
      %add3A_234 = vector.broadcast %add3A_233 : i32 to vector<16xi32>
      %add3A_235 = arith.addi %mul3A_232, %add3A_234 : vector<16xi32>
      %mul3A_236 = arith.constant 32 : i32
      %mul3A_237 = vector.broadcast %mul3A_236 : i32 to vector<16xi32>
      %mul3A_238 = arith.muli %iota3A, %mul3A_237 : vector<16xi32>
      %add3A_239 = arith.constant 26 : i32
      %add3A_240 = vector.broadcast %add3A_239 : i32 to vector<16xi32>
      %add3A_241 = arith.addi %mul3A_238, %add3A_240 : vector<16xi32>
      %mul3A_242 = arith.constant 32 : i32
      %mul3A_243 = vector.broadcast %mul3A_242 : i32 to vector<16xi32>
      %mul3A_244 = arith.muli %iota3A, %mul3A_243 : vector<16xi32>
      %add3A_245 = arith.constant 27 : i32
      %add3A_246 = vector.broadcast %add3A_245 : i32 to vector<16xi32>
      %add3A_247 = arith.addi %mul3A_244, %add3A_246 : vector<16xi32>
      %mul3A_248 = arith.constant 32 : i32
      %mul3A_249 = vector.broadcast %mul3A_248 : i32 to vector<16xi32>
      %mul3A_250 = arith.muli %iota3A, %mul3A_249 : vector<16xi32>
      %add3A_251 = arith.constant 28 : i32
      %add3A_252 = vector.broadcast %add3A_251 : i32 to vector<16xi32>
      %add3A_253 = arith.addi %mul3A_250, %add3A_252 : vector<16xi32>
      %mul3A_254 = arith.constant 32 : i32
      %mul3A_255 = vector.broadcast %mul3A_254 : i32 to vector<16xi32>
      %mul3A_256 = arith.muli %iota3A, %mul3A_255 : vector<16xi32>
      %add3A_257 = arith.constant 29 : i32
      %add3A_258 = vector.broadcast %add3A_257 : i32 to vector<16xi32>
      %add3A_259 = arith.addi %mul3A_256, %add3A_258 : vector<16xi32>
      %mul3A_260 = arith.constant 32 : i32
      %mul3A_261 = vector.broadcast %mul3A_260 : i32 to vector<16xi32>
      %mul3A_262 = arith.muli %iota3A, %mul3A_261 : vector<16xi32>
      %add3A_263 = arith.constant 30 : i32
      %add3A_264 = vector.broadcast %add3A_263 : i32 to vector<16xi32>
      %add3A_265 = arith.addi %mul3A_262, %add3A_264 : vector<16xi32>
      %mul3A_266 = arith.constant 32 : i32
      %mul3A_267 = vector.broadcast %mul3A_266 : i32 to vector<16xi32>
      %mul3A_268 = arith.muli %iota3A, %mul3A_267 : vector<16xi32>
      %add3A_269 = arith.constant 31 : i32
      %add3A_270 = vector.broadcast %add3A_269 : i32 to vector<16xi32>
      %add3A_271 = arith.addi %mul3A_268, %add3A_270 : vector<16xi32>
      %scan3A_272 = arith.constant 0 : i32
      %scan3A_273 = arith.constant 0 : i32
      %scan3A_274 = arith.constant 0 : i32
      %scan3A_275 = arith.constant 48 : i32
      %scan3A_276 = arith.addi %scan3A_274, %scan3A_275 : i32
      %scan3A_277 = arith.constant 1 : i32
      scf.for %scan3A_525 = %scan3A_274 to %scan3A_276 step %scan3A_277  : i32 {
        %mul3A_526 = arith.constant 512 : i32
        %mul3A_527 = arith.muli %mul3A_526, %scan3A_525 : i32
        %broadcast_in_dim3A = vector.broadcast %mul3A_527 : i32 to vector<16xi32>
        %mul3A_528 = arith.constant 16 : i32
        %mul3A_529 = arith.muli %mul3A_528, %scan3A_525 : i32
        %get3A = arith.constant 0 : i32
        %get3A_530 = arith.constant 0 : i32
        %get3A_531 = arith.constant 0 : i32
        %get3A_532 = tpu.memref_slice %arg4[%scan3A_273, %get3A_530, %get3A_531] : memref<2x32x768xf32, #tpu.memory_space<vmem>> -> memref<1x32x768xf32, #tpu.memory_space<vmem>>
        %get3A_533 = tpu.memref_squeeze %get3A_532 : memref<1x32x768xf32, #tpu.memory_space<vmem>> -> memref<32x768xf32, #tpu.memory_space<vmem>>
        %get3A_534 = arith.index_cast %get3A : i32 to index
        %get3A_535 = arith.index_cast %mul3A_529 : i32 to index
        %get3A_536 = tpu.vector_load %get3A_533[%get3A_534, %get3A_535] {strides = array<i32>} : memref<32x768xf32, #tpu.memory_space<vmem>>, vector<16xf32>,
        %add3A_537 = arith.addi %add3A_85, %broadcast_in_dim3A : vector<16xi32>
        tpu.vector_store_idx %arg5[%add3A_537], %get3A_536 : memref<24576xf32, #tpu.memory_space<vmem>>[vector<16xi32>], vector<16xf32>,
        %mul3A_538 = arith.constant 16 : i32
        %mul3A_539 = arith.muli %mul3A_538, %scan3A_525 : i32
        %get3A_540 = arith.constant 1 : i32
        %get3A_541 = arith.constant 0 : i32
        %get3A_542 = arith.constant 0 : i32
        %get3A_543 = tpu.memref_slice %arg4[%scan3A_273, %get3A_541, %get3A_542] : memref<2x32x768xf32, #tpu.memory_space<vmem>> -> memref<1x32x768xf32, #tpu.memory_space<vmem>>
        %get3A_544 = tpu.memref_squeeze %get3A_543 : memref<1x32x768xf32, #tpu.memory_space<vmem>> -> memref<32x768xf32, #tpu.memory_space<vmem>>
        %get3A_545 = arith.index_cast %get3A_540 : i32 to index
        %get3A_546 = arith.index_cast %mul3A_539 : i32 to index
        %get3A_547 = tpu.vector_load %get3A_544[%get3A_545, %get3A_546] {strides = array<i32>} : memref<32x768xf32, #tpu.memory_space<vmem>>, vector<16xf32>,
        %add3A_548 = arith.addi %add3A_91, %broadcast_in_dim3A : vector<16xi32>
        tpu.vector_store_idx %arg5[%add3A_548], %get3A_547 : memref<24576xf32, #tpu.memory_space<vmem>>[vector<16xi32>], vector<16xf32>,
        %mul3A_549 = arith.constant 16 : i32
        %mul3A_550 = arith.muli %mul3A_549, %scan3A_525 : i32
        %get3A_551 = arith.constant 2 : i32
        %get3A_552 = arith.constant 0 : i32
        %get3A_553 = arith.constant 0 : i32
        %get3A_554 = tpu.memref_slice %arg4[%scan3A_273, %get3A_552, %get3A_553] : memref<2x32x768xf32, #tpu.memory_space<vmem>> -> memref<1x32x768xf32, #tpu.memory_space<vmem>>
        %get3A_555 = tpu.memref_squeeze %get3A_554 : memref<1x32x768xf32, #tpu.memory_space<vmem>> -> memref<32x768xf32, #tpu.memory_space<vmem>>
        %get3A_556 = arith.index_cast %get3A_551 : i32 to index
        %get3A_557 = arith.index_cast %mul3A_550 : i32 to index
        %get3A_558 = tpu.vector_load %get3A_555[%get3A_556, %get3A_557] {strides = array<i32>} : memref<32x768xf32, #tpu.memory_space<vmem>>, vector<16xf32>,
        %add3A_559 = arith.addi %add3A_97, %broadcast_in_dim3A : vector<16xi32>
        tpu.vector_store_idx %arg5[%add3A_559], %get3A_558 : memref<24576xf32, #tpu.memory_space<vmem>>[vector<16xi32>], vector<16xf32>,
        %mul3A_560 = arith.constant 16 : i32
        %mul3A_561 = arith.muli %mul3A_560, %scan3A_525 : i32
        %get3A_562 = arith.constant 3 : i32
        %get3A_563 = arith.constant 0 : i32
        %get3A_564 = arith.constant 0 : i32
        %get3A_565 = tpu.memref_slice %arg4[%scan3A_273, %get3A_563, %get3A_564] : memref<2x32x768xf32, #tpu.memory_space<vmem>> -> memref<1x32x768xf32, #tpu.memory_space<vmem>>
        %get3A_566 = tpu.memref_squeeze %get3A_565 : memref<1x32x768xf32, #tpu.memory_space<vmem>> -> memref<32x768xf32, #tpu.memory_space<vmem>>
        %get3A_567 = arith.index_cast %get3A_562 : i32 to index
        %get3A_568 = arith.index_cast %mul3A_561 : i32 to index
        %get3A_569 = tpu.vector_load %get3A_566[%get3A_567, %get3A_568] {strides = array<i32>} : memref<32x768xf32, #tpu.memory_space<vmem>>, vector<16xf32>,
        %add3A_570 = arith.addi %add3A_103, %broadcast_in_dim3A : vector<16xi32>
        tpu.vector_store_idx %arg5[%add3A_570], %get3A_569 : memref<24576xf32, #tpu.memory_space<vmem>>[vector<16xi32>], vector<16xf32>,
        %mul3A_571 = arith.constant 16 : i32
        %mul3A_572 = arith.muli %mul3A_571, %scan3A_525 : i32
        %get3A_573 = arith.constant 4 : i32
        %get3A_574 = arith.constant 0 : i32
        %get3A_575 = arith.constant 0 : i32
        %get3A_576 = tpu.memref_slice %arg4[%scan3A_273, %get3A_574, %get3A_575] : memref<2x32x768xf32, #tpu.memory_space<vmem>> -> memref<1x32x768xf32, #tpu.memory_space<vmem>>
        %get3A_577 = tpu.memref_squeeze %get3A_576 : memref<1x32x768xf32, #tpu.memory_space<vmem>> -> memref<32x768xf32, #tpu.memory_space<vmem>>
        %get3A_578 = arith.index_cast %get3A_573 : i32 to index
        %get3A_579 = arith.index_cast %mul3A_572 : i32 to index
        %get3A_580 = tpu.vector_load %get3A_577[%get3A_578, %get3A_579] {strides = array<i32>} : memref<32x768xf32, #tpu.memory_space<vmem>>, vector<16xf32>,
        %add3A_581 = arith.addi %add3A_109, %broadcast_in_dim3A : vector<16xi32>
        tpu.vector_store_idx %arg5[%add3A_581], %get3A_580 : memref<24576xf32, #tpu.memory_space<vmem>>[vector<16xi32>], vector<16xf32>,
        %mul3A_582 = arith.constant 16 : i32
        %mul3A_583 = arith.muli %mul3A_582, %scan3A_525 : i32
        %get3A_584 = arith.constant 5 : i32
        %get3A_585 = arith.constant 0 : i32
        %get3A_586 = arith.constant 0 : i32
        %get3A_587 = tpu.memref_slice %arg4[%scan3A_273, %get3A_585, %get3A_586] : memref<2x32x768xf32, #tpu.memory_space<vmem>> -> memref<1x32x768xf32, #tpu.memory_space<vmem>>
        %get3A_588 = tpu.memref_squeeze %get3A_587 : memref<1x32x768xf32, #tpu.memory_space<vmem>> -> memref<32x768xf32, #tpu.memory_space<vmem>>
        %get3A_589 = arith.index_cast %get3A_584 : i32 to index
        %get3A_590 = arith.index_cast %mul3A_583 : i32 to index
        %get3A_591 = tpu.vector_load %get3A_588[%get3A_589, %get3A_590] {strides = array<i32>} : memref<32x768xf32, #tpu.memory_space<vmem>>, vector<16xf32>,
        %add3A_592 = arith.addi %add3A_115, %broadcast_in_dim3A : vector<16xi32>
        tpu.vector_store_idx %arg5[%add3A_592], %get3A_591 : memref<24576xf32, #tpu.memory_space<vmem>>[vector<16xi32>], vector<16xf32>,
        %mul3A_593 = arith.constant 16 : i32
        %mul3A_594 = arith.muli %mul3A_593, %scan3A_525 : i32
        %get3A_595 = arith.constant 6 : i32
        %get3A_596 = arith.constant 0 : i32
        %get3A_597 = arith.constant 0 : i32
        %get3A_598 = tpu.memref_slice %arg4[%scan3A_273, %get3A_596, %get3A_597] : memref<2x32x768xf32, #tpu.memory_space<vmem>> -> memref<1x32x768xf32, #tpu.memory_space<vmem>>
        %get3A_599 = tpu.memref_squeeze %get3A_598 : memref<1x32x768xf32, #tpu.memory_space<vmem>> -> memref<32x768xf32, #tpu.memory_space<vmem>>
        %get3A_600 = arith.index_cast %get3A_595 : i32 to index
        %get3A_601 = arith.index_cast %mul3A_594 : i32 to index
        %get3A_602 = tpu.vector_load %get3A_599[%get3A_600, %get3A_601] {strides = array<i32>} : memref<32x768xf32, #tpu.memory_space<vmem>>, vector<16xf32>,
        %add3A_603 = arith.addi %add3A_121, %broadcast_in_dim3A : vector<16xi32>
        tpu.vector_store_idx %arg5[%add3A_603], %get3A_602 : memref<24576xf32, #tpu.memory_space<vmem>>[vector<16xi32>], vector<16xf32>,
        %mul3A_604 = arith.constant 16 : i32
        %mul3A_605 = arith.muli %mul3A_604, %scan3A_525 : i32
        %get3A_606 = arith.constant 7 : i32
        %get3A_607 = arith.constant 0 : i32
        %get3A_608 = arith.constant 0 : i32
        %get3A_609 = tpu.memref_slice %arg4[%scan3A_273, %get3A_607, %get3A_608] : memref<2x32x768xf32, #tpu.memory_space<vmem>> -> memref<1x32x768xf32, #tpu.memory_space<vmem>>
        %get3A_610 = tpu.memref_squeeze %get3A_609 : memref<1x32x768xf32, #tpu.memory_space<vmem>> -> memref<32x768xf32, #tpu.memory_space<vmem>>
        %get3A_611 = arith.index_cast %get3A_606 : i32 to index
        %get3A_612 = arith.index_cast %mul3A_605 : i32 to index
        %get3A_613 = tpu.vector_load %get3A_610[%get3A_611, %get3A_612] {strides = array<i32>} : memref<32x768xf32, #tpu.memory_space<vmem>>, vector<16xf32>,
        %add3A_614 = arith.addi %add3A_127, %broadcast_in_dim3A : vector<16xi32>
        tpu.vector_store_idx %arg5[%add3A_614], %get3A_613 : memref<24576xf32, #tpu.memory_space<vmem>>[vector<16xi32>], vector<16xf32>,
        %mul3A_615 = arith.constant 16 : i32
        %mul3A_616 = arith.muli %mul3A_615, %scan3A_525 : i32
        %get3A_617 = arith.constant 8 : i32
        %get3A_618 = arith.constant 0 : i32
        %get3A_619 = arith.constant 0 : i32
        %get3A_620 = tpu.memref_slice %arg4[%scan3A_273, %get3A_618, %get3A_619] : memref<2x32x768xf32, #tpu.memory_space<vmem>> -> memref<1x32x768xf32, #tpu.memory_space<vmem>>
        %get3A_621 = tpu.memref_squeeze %get3A_620 : memref<1x32x768xf32, #tpu.memory_space<vmem>> -> memref<32x768xf32, #tpu.memory_space<vmem>>
        %get3A_622 = arith.index_cast %get3A_617 : i32 to index
        %get3A_623 = arith.index_cast %mul3A_616 : i32 to index
        %get3A_624 = tpu.vector_load %get3A_621[%get3A_622, %get3A_623] {strides = array<i32>} : memref<32x768xf32, #tpu.memory_space<vmem>>, vector<16xf32>,
        %add3A_625 = arith.addi %add3A_133, %broadcast_in_dim3A : vector<16xi32>
        tpu.vector_store_idx %arg5[%add3A_625], %get3A_624 : memref<24576xf32, #tpu.memory_space<vmem>>[vector<16xi32>], vector<16xf32>,
        %mul3A_626 = arith.constant 16 : i32
        %mul3A_627 = arith.muli %mul3A_626, %scan3A_525 : i32
        %get3A_628 = arith.constant 9 : i32
        %get3A_629 = arith.constant 0 : i32
        %get3A_630 = arith.constant 0 : i32
        %get3A_631 = tpu.memref_slice %arg4[%scan3A_273, %get3A_629, %get3A_630] : memref<2x32x768xf32, #tpu.memory_space<vmem>> -> memref<1x32x768xf32, #tpu.memory_space<vmem>>
        %get3A_632 = tpu.memref_squeeze %get3A_631 : memref<1x32x768xf32, #tpu.memory_space<vmem>> -> memref<32x768xf32, #tpu.memory_space<vmem>>
        %get3A_633 = arith.index_cast %get3A_628 : i32 to index
        %get3A_634 = arith.index_cast %mul3A_627 : i32 to index
        %get3A_635 = tpu.vector_load %get3A_632[%get3A_633, %get3A_634] {strides = array<i32>} : memref<32x768xf32, #tpu.memory_space<vmem>>, vector<16xf32>,
        %add3A_636 = arith.addi %add3A_139, %broadcast_in_dim3A : vector<16xi32>
        tpu.vector_store_idx %arg5[%add3A_636], %get3A_635 : memref<24576xf32, #tpu.memory_space<vmem>>[vector<16xi32>], vector<16xf32>,
        %mul3A_637 = arith.constant 16 : i32
        %mul3A_638 = arith.muli %mul3A_637, %scan3A_525 : i32
        %get3A_639 = arith.constant 10 : i32
        %get3A_640 = arith.constant 0 : i32
        %get3A_641 = arith.constant 0 : i32
        %get3A_642 = tpu.memref_slice %arg4[%scan3A_273, %get3A_640, %get3A_641] : memref<2x32x768xf32, #tpu.memory_space<vmem>> -> memref<1x32x768xf32, #tpu.memory_space<vmem>>
        %get3A_643 = tpu.memref_squeeze %get3A_642 : memref<1x32x768xf32, #tpu.memory_space<vmem>> -> memref<32x768xf32, #tpu.memory_space<vmem>>
        %get3A_644 = arith.index_cast %get3A_639 : i32 to index
        %get3A_645 = arith.index_cast %mul3A_638 : i32 to index
        %get3A_646 = tpu.vector_load %get3A_643[%get3A_644, %get3A_645] {strides = array<i32>} : memref<32x768xf32, #tpu.memory_space<vmem>>, vector<16xf32>,
        %add3A_647 = arith.addi %add3A_145, %broadcast_in_dim3A : vector<16xi32>
        tpu.vector_store_idx %arg5[%add3A_647], %get3A_646 : memref<24576xf32, #tpu.memory_space<vmem>>[vector<16xi32>], vector<16xf32>,
        %mul3A_648 = arith.constant 16 : i32
        %mul3A_649 = arith.muli %mul3A_648, %scan3A_525 : i32
        %get3A_650 = arith.constant 11 : i32
        %get3A_651 = arith.constant 0 : i32
        %get3A_652 = arith.constant 0 : i32
        %get3A_653 = tpu.memref_slice %arg4[%scan3A_273, %get3A_651, %get3A_652] : memref<2x32x768xf32, #tpu.memory_space<vmem>> -> memref<1x32x768xf32, #tpu.memory_space<vmem>>
        %get3A_654 = tpu.memref_squeeze %get3A_653 : memref<1x32x768xf32, #tpu.memory_space<vmem>> -> memref<32x768xf32, #tpu.memory_space<vmem>>
        %get3A_655 = arith.index_cast %get3A_650 : i32 to index
        %get3A_656 = arith.index_cast %mul3A_649 : i32 to index
        %get3A_657 = tpu.vector_load %get3A_654[%get3A_655, %get3A_656] {strides = array<i32>} : memref<32x768xf32, #tpu.memory_space<vmem>>, vector<16xf32>,
        %add3A_658 = arith.addi %add3A_151, %broadcast_in_dim3A : vector<16xi32>
        tpu.vector_store_idx %arg5[%add3A_658], %get3A_657 : memref<24576xf32, #tpu.memory_space<vmem>>[vector<16xi32>], vector<16xf32>,
        %mul3A_659 = arith.constant 16 : i32
        %mul3A_660 = arith.muli %mul3A_659, %scan3A_525 : i32
        %get3A_661 = arith.constant 12 : i32
        %get3A_662 = arith.constant 0 : i32
        %get3A_663 = arith.constant 0 : i32
        %get3A_664 = tpu.memref_slice %arg4[%scan3A_273, %get3A_662, %get3A_663] : memref<2x32x768xf32, #tpu.memory_space<vmem>> -> memref<1x32x768xf32, #tpu.memory_space<vmem>>
        %get3A_665 = tpu.memref_squeeze %get3A_664 : memref<1x32x768xf32, #tpu.memory_space<vmem>> -> memref<32x768xf32, #tpu.memory_space<vmem>>
        %get3A_666 = arith.index_cast %get3A_661 : i32 to index
        %get3A_667 = arith.index_cast %mul3A_660 : i32 to index
        %get3A_668 = tpu.vector_load %get3A_665[%get3A_666, %get3A_667] {strides = array<i32>} : memref<32x768xf32, #tpu.memory_space<vmem>>, vector<16xf32>,
        %add3A_669 = arith.addi %add3A_157, %broadcast_in_dim3A : vector<16xi32>
        tpu.vector_store_idx %arg5[%add3A_669], %get3A_668 : memref<24576xf32, #tpu.memory_space<vmem>>[vector<16xi32>], vector<16xf32>,
        %mul3A_670 = arith.constant 16 : i32
        %mul3A_671 = arith.muli %mul3A_670, %scan3A_525 : i32
        %get3A_672 = arith.constant 13 : i32
        %get3A_673 = arith.constant 0 : i32
        %get3A_674 = arith.constant 0 : i32
        %get3A_675 = tpu.memref_slice %arg4[%scan3A_273, %get3A_673, %get3A_674] : memref<2x32x768xf32, #tpu.memory_space<vmem>> -> memref<1x32x768xf32, #tpu.memory_space<vmem>>
        %get3A_676 = tpu.memref_squeeze %get3A_675 : memref<1x32x768xf32, #tpu.memory_space<vmem>> -> memref<32x768xf32, #tpu.memory_space<vmem>>
        %get3A_677 = arith.index_cast %get3A_672 : i32 to index
        %get3A_678 = arith.index_cast %mul3A_671 : i32 to index
        %get3A_679 = tpu.vector_load %get3A_676[%get3A_677, %get3A_678] {strides = array<i32>} : memref<32x768xf32, #tpu.memory_space<vmem>>, vector<16xf32>,
        %add3A_680 = arith.addi %add3A_163, %broadcast_in_dim3A : vector<16xi32>
        tpu.vector_store_idx %arg5[%add3A_680], %get3A_679 : memref<24576xf32, #tpu.memory_space<vmem>>[vector<16xi32>], vector<16xf32>,
        %mul3A_681 = arith.constant 16 : i32
        %mul3A_682 = arith.muli %mul3A_681, %scan3A_525 : i32
        %get3A_683 = arith.constant 14 : i32
        %get3A_684 = arith.constant 0 : i32
        %get3A_685 = arith.constant 0 : i32
        %get3A_686 = tpu.memref_slice %arg4[%scan3A_273, %get3A_684, %get3A_685] : memref<2x32x768xf32, #tpu.memory_space<vmem>> -> memref<1x32x768xf32, #tpu.memory_space<vmem>>
        %get3A_687 = tpu.memref_squeeze %get3A_686 : memref<1x32x768xf32, #tpu.memory_space<vmem>> -> memref<32x768xf32, #tpu.memory_space<vmem>>
        %get3A_688 = arith.index_cast %get3A_683 : i32 to index
        %get3A_689 = arith.index_cast %mul3A_682 : i32 to index
        %get3A_690 = tpu.vector_load %get3A_687[%get3A_688, %get3A_689] {strides = array<i32>} : memref<32x768xf32, #tpu.memory_space<vmem>>, vector<16xf32>,
        %add3A_691 = arith.addi %add3A_169, %broadcast_in_dim3A : vector<16xi32>
        tpu.vector_store_idx %arg5[%add3A_691], %get3A_690 : memref<24576xf32, #tpu.memory_space<vmem>>[vector<16xi32>], vector<16xf32>,
        %mul3A_692 = arith.constant 16 : i32
        %mul3A_693 = arith.muli %mul3A_692, %scan3A_525 : i32
        %get3A_694 = arith.constant 15 : i32
        %get3A_695 = arith.constant 0 : i32
        %get3A_696 = arith.constant 0 : i32
        %get3A_697 = tpu.memref_slice %arg4[%scan3A_273, %get3A_695, %get3A_696] : memref<2x32x768xf32, #tpu.memory_space<vmem>> -> memref<1x32x768xf32, #tpu.memory_space<vmem>>
        %get3A_698 = tpu.memref_squeeze %get3A_697 : memref<1x32x768xf32, #tpu.memory_space<vmem>> -> memref<32x768xf32, #tpu.memory_space<vmem>>
        %get3A_699 = arith.index_cast %get3A_694 : i32 to index
        %get3A_700 = arith.index_cast %mul3A_693 : i32 to index
        %get3A_701 = tpu.vector_load %get3A_698[%get3A_699, %get3A_700] {strides = array<i32>} : memref<32x768xf32, #tpu.memory_space<vmem>>, vector<16xf32>,
        %add3A_702 = arith.addi %add3A_175, %broadcast_in_dim3A : vector<16xi32>
        tpu.vector_store_idx %arg5[%add3A_702], %get3A_701 : memref<24576xf32, #tpu.memory_space<vmem>>[vector<16xi32>], vector<16xf32>,
        %mul3A_703 = arith.constant 16 : i32
        %mul3A_704 = arith.muli %mul3A_703, %scan3A_525 : i32
        %get3A_705 = arith.constant 16 : i32
        %get3A_706 = arith.constant 0 : i32
        %get3A_707 = arith.constant 0 : i32
        %get3A_708 = tpu.memref_slice %arg4[%scan3A_273, %get3A_706, %get3A_707] : memref<2x32x768xf32, #tpu.memory_space<vmem>> -> memref<1x32x768xf32, #tpu.memory_space<vmem>>
        %get3A_709 = tpu.memref_squeeze %get3A_708 : memref<1x32x768xf32, #tpu.memory_space<vmem>> -> memref<32x768xf32, #tpu.memory_space<vmem>>
        %get3A_710 = arith.index_cast %get3A_705 : i32 to index
        %get3A_711 = arith.index_cast %mul3A_704 : i32 to index
        %get3A_712 = tpu.vector_load %get3A_709[%get3A_710, %get3A_711] {strides = array<i32>} : memref<32x768xf32, #tpu.memory_space<vmem>>, vector<16xf32>,
        %add3A_713 = arith.addi %add3A_181, %broadcast_in_dim3A : vector<16xi32>
        tpu.vector_store_idx %arg5[%add3A_713], %get3A_712 : memref<24576xf32, #tpu.memory_space<vmem>>[vector<16xi32>], vector<16xf32>,
        %mul3A_714 = arith.constant 16 : i32
        %mul3A_715 = arith.muli %mul3A_714, %scan3A_525 : i32
        %get3A_716 = arith.constant 17 : i32
        %get3A_717 = arith.constant 0 : i32
        %get3A_718 = arith.constant 0 : i32
        %get3A_719 = tpu.memref_slice %arg4[%scan3A_273, %get3A_717, %get3A_718] : memref<2x32x768xf32, #tpu.memory_space<vmem>> -> memref<1x32x768xf32, #tpu.memory_space<vmem>>
        %get3A_720 = tpu.memref_squeeze %get3A_719 : memref<1x32x768xf32, #tpu.memory_space<vmem>> -> memref<32x768xf32, #tpu.memory_space<vmem>>
        %get3A_721 = arith.index_cast %get3A_716 : i32 to index
        %get3A_722 = arith.index_cast %mul3A_715 : i32 to index
        %get3A_723 = tpu.vector_load %get3A_720[%get3A_721, %get3A_722] {strides = array<i32>} : memref<32x768xf32, #tpu.memory_space<vmem>>, vector<16xf32>,
        %add3A_724 = arith.addi %add3A_187, %broadcast_in_dim3A : vector<16xi32>
        tpu.vector_store_idx %arg5[%add3A_724], %get3A_723 : memref<24576xf32, #tpu.memory_space<vmem>>[vector<16xi32>], vector<16xf32>,
        %mul3A_725 = arith.constant 16 : i32
        %mul3A_726 = arith.muli %mul3A_725, %scan3A_525 : i32
        %get3A_727 = arith.constant 18 : i32
        %get3A_728 = arith.constant 0 : i32
        %get3A_729 = arith.constant 0 : i32
        %get3A_730 = tpu.memref_slice %arg4[%scan3A_273, %get3A_728, %get3A_729] : memref<2x32x768xf32, #tpu.memory_space<vmem>> -> memref<1x32x768xf32, #tpu.memory_space<vmem>>
        %get3A_731 = tpu.memref_squeeze %get3A_730 : memref<1x32x768xf32, #tpu.memory_space<vmem>> -> memref<32x768xf32, #tpu.memory_space<vmem>>
        %get3A_732 = arith.index_cast %get3A_727 : i32 to index
        %get3A_733 = arith.index_cast %mul3A_726 : i32 to index
        %get3A_734 = tpu.vector_load %get3A_731[%get3A_732, %get3A_733] {strides = array<i32>} : memref<32x768xf32, #tpu.memory_space<vmem>>, vector<16xf32>,
        %add3A_735 = arith.addi %add3A_193, %broadcast_in_dim3A : vector<16xi32>
        tpu.vector_store_idx %arg5[%add3A_735], %get3A_734 : memref<24576xf32, #tpu.memory_space<vmem>>[vector<16xi32>], vector<16xf32>,
        %mul3A_736 = arith.constant 16 : i32
        %mul3A_737 = arith.muli %mul3A_736, %scan3A_525 : i32
        %get3A_738 = arith.constant 19 : i32
        %get3A_739 = arith.constant 0 : i32
        %get3A_740 = arith.constant 0 : i32
        %get3A_741 = tpu.memref_slice %arg4[%scan3A_273, %get3A_739, %get3A_740] : memref<2x32x768xf32, #tpu.memory_space<vmem>> -> memref<1x32x768xf32, #tpu.memory_space<vmem>>
        %get3A_742 = tpu.memref_squeeze %get3A_741 : memref<1x32x768xf32, #tpu.memory_space<vmem>> -> memref<32x768xf32, #tpu.memory_space<vmem>>
        %get3A_743 = arith.index_cast %get3A_738 : i32 to index
        %get3A_744 = arith.index_cast %mul3A_737 : i32 to index
        %get3A_745 = tpu.vector_load %get3A_742[%get3A_743, %get3A_744] {strides = array<i32>} : memref<32x768xf32, #tpu.memory_space<vmem>>, vector<16xf32>,
        %add3A_746 = arith.addi %add3A_199, %broadcast_in_dim3A : vector<16xi32>
        tpu.vector_store_idx %arg5[%add3A_746], %get3A_745 : memref<24576xf32, #tpu.memory_space<vmem>>[vector<16xi32>], vector<16xf32>,
        %mul3A_747 = arith.constant 16 : i32
        %mul3A_748 = arith.muli %mul3A_747, %scan3A_525 : i32
        %get3A_749 = arith.constant 20 : i32
        %get3A_750 = arith.constant 0 : i32
        %get3A_751 = arith.constant 0 : i32
        %get3A_752 = tpu.memref_slice %arg4[%scan3A_273, %get3A_750, %get3A_751] : memref<2x32x768xf32, #tpu.memory_space<vmem>> -> memref<1x32x768xf32, #tpu.memory_space<vmem>>
        %get3A_753 = tpu.memref_squeeze %get3A_752 : memref<1x32x768xf32, #tpu.memory_space<vmem>> -> memref<32x768xf32, #tpu.memory_space<vmem>>
        %get3A_754 = arith.index_cast %get3A_749 : i32 to index
        %get3A_755 = arith.index_cast %mul3A_748 : i32 to index
        %get3A_756 = tpu.vector_load %get3A_753[%get3A_754, %get3A_755] {strides = array<i32>} : memref<32x768xf32, #tpu.memory_space<vmem>>, vector<16xf32>,
        %add3A_757 = arith.addi %add3A_205, %broadcast_in_dim3A : vector<16xi32>
        tpu.vector_store_idx %arg5[%add3A_757], %get3A_756 : memref<24576xf32, #tpu.memory_space<vmem>>[vector<16xi32>], vector<16xf32>,
        %mul3A_758 = arith.constant 16 : i32
        %mul3A_759 = arith.muli %mul3A_758, %scan3A_525 : i32
        %get3A_760 = arith.constant 21 : i32
        %get3A_761 = arith.constant 0 : i32
        %get3A_762 = arith.constant 0 : i32
        %get3A_763 = tpu.memref_slice %arg4[%scan3A_273, %get3A_761, %get3A_762] : memref<2x32x768xf32, #tpu.memory_space<vmem>> -> memref<1x32x768xf32, #tpu.memory_space<vmem>>
        %get3A_764 = tpu.memref_squeeze %get3A_763 : memref<1x32x768xf32, #tpu.memory_space<vmem>> -> memref<32x768xf32, #tpu.memory_space<vmem>>
        %get3A_765 = arith.index_cast %get3A_760 : i32 to index
        %get3A_766 = arith.index_cast %mul3A_759 : i32 to index
        %get3A_767 = tpu.vector_load %get3A_764[%get3A_765, %get3A_766] {strides = array<i32>} : memref<32x768xf32, #tpu.memory_space<vmem>>, vector<16xf32>,
        %add3A_768 = arith.addi %add3A_211, %broadcast_in_dim3A : vector<16xi32>
        tpu.vector_store_idx %arg5[%add3A_768], %get3A_767 : memref<24576xf32, #tpu.memory_space<vmem>>[vector<16xi32>], vector<16xf32>,
        %mul3A_769 = arith.constant 16 : i32
        %mul3A_770 = arith.muli %mul3A_769, %scan3A_525 : i32
        %get3A_771 = arith.constant 22 : i32
        %get3A_772 = arith.constant 0 : i32
        %get3A_773 = arith.constant 0 : i32
        %get3A_774 = tpu.memref_slice %arg4[%scan3A_273, %get3A_772, %get3A_773] : memref<2x32x768xf32, #tpu.memory_space<vmem>> -> memref<1x32x768xf32, #tpu.memory_space<vmem>>
        %get3A_775 = tpu.memref_squeeze %get3A_774 : memref<1x32x768xf32, #tpu.memory_space<vmem>> -> memref<32x768xf32, #tpu.memory_space<vmem>>
        %get3A_776 = arith.index_cast %get3A_771 : i32 to index
        %get3A_777 = arith.index_cast %mul3A_770 : i32 to index
        %get3A_778 = tpu.vector_load %get3A_775[%get3A_776, %get3A_777] {strides = array<i32>} : memref<32x768xf32, #tpu.memory_space<vmem>>, vector<16xf32>,
        %add3A_779 = arith.addi %add3A_217, %broadcast_in_dim3A : vector<16xi32>
        tpu.vector_store_idx %arg5[%add3A_779], %get3A_778 : memref<24576xf32, #tpu.memory_space<vmem>>[vector<16xi32>], vector<16xf32>,
        %mul3A_780 = arith.constant 16 : i32
        %mul3A_781 = arith.muli %mul3A_780, %scan3A_525 : i32
        %get3A_782 = arith.constant 23 : i32
        %get3A_783 = arith.constant 0 : i32
        %get3A_784 = arith.constant 0 : i32
        %get3A_785 = tpu.memref_slice %arg4[%scan3A_273, %get3A_783, %get3A_784] : memref<2x32x768xf32, #tpu.memory_space<vmem>> -> memref<1x32x768xf32, #tpu.memory_space<vmem>>
        %get3A_786 = tpu.memref_squeeze %get3A_785 : memref<1x32x768xf32, #tpu.memory_space<vmem>> -> memref<32x768xf32, #tpu.memory_space<vmem>>
        %get3A_787 = arith.index_cast %get3A_782 : i32 to index
        %get3A_788 = arith.index_cast %mul3A_781 : i32 to index
        %get3A_789 = tpu.vector_load %get3A_786[%get3A_787, %get3A_788] {strides = array<i32>} : memref<32x768xf32, #tpu.memory_space<vmem>>, vector<16xf32>,
        %add3A_790 = arith.addi %add3A_223, %broadcast_in_dim3A : vector<16xi32>
        tpu.vector_store_idx %arg5[%add3A_790], %get3A_789 : memref<24576xf32, #tpu.memory_space<vmem>>[vector<16xi32>], vector<16xf32>,
        %mul3A_791 = arith.constant 16 : i32
        %mul3A_792 = arith.muli %mul3A_791, %scan3A_525 : i32
        %get3A_793 = arith.constant 24 : i32
        %get3A_794 = arith.constant 0 : i32
        %get3A_795 = arith.constant 0 : i32
        %get3A_796 = tpu.memref_slice %arg4[%scan3A_273, %get3A_794, %get3A_795] : memref<2x32x768xf32, #tpu.memory_space<vmem>> -> memref<1x32x768xf32, #tpu.memory_space<vmem>>
        %get3A_797 = tpu.memref_squeeze %get3A_796 : memref<1x32x768xf32, #tpu.memory_space<vmem>> -> memref<32x768xf32, #tpu.memory_space<vmem>>
        %get3A_798 = arith.index_cast %get3A_793 : i32 to index
        %get3A_799 = arith.index_cast %mul3A_792 : i32 to index
        %get3A_800 = tpu.vector_load %get3A_797[%get3A_798, %get3A_799] {strides = array<i32>} : memref<32x768xf32, #tpu.memory_space<vmem>>, vector<16xf32>,
        %add3A_801 = arith.addi %add3A_229, %broadcast_in_dim3A : vector<16xi32>
        tpu.vector_store_idx %arg5[%add3A_801], %get3A_800 : memref<24576xf32, #tpu.memory_space<vmem>>[vector<16xi32>], vector<16xf32>,
        %mul3A_802 = arith.constant 16 : i32
        %mul3A_803 = arith.muli %mul3A_802, %scan3A_525 : i32
        %get3A_804 = arith.constant 25 : i32
        %get3A_805 = arith.constant 0 : i32
        %get3A_806 = arith.constant 0 : i32
        %get3A_807 = tpu.memref_slice %arg4[%scan3A_273, %get3A_805, %get3A_806] : memref<2x32x768xf32, #tpu.memory_space<vmem>> -> memref<1x32x768xf32, #tpu.memory_space<vmem>>
        %get3A_808 = tpu.memref_squeeze %get3A_807 : memref<1x32x768xf32, #tpu.memory_space<vmem>> -> memref<32x768xf32, #tpu.memory_space<vmem>>
        %get3A_809 = arith.index_cast %get3A_804 : i32 to index
        %get3A_810 = arith.index_cast %mul3A_803 : i32 to index
        %get3A_811 = tpu.vector_load %get3A_808[%get3A_809, %get3A_810] {strides = array<i32>} : memref<32x768xf32, #tpu.memory_space<vmem>>, vector<16xf32>,
        %add3A_812 = arith.addi %add3A_235, %broadcast_in_dim3A : vector<16xi32>
        tpu.vector_store_idx %arg5[%add3A_812], %get3A_811 : memref<24576xf32, #tpu.memory_space<vmem>>[vector<16xi32>], vector<16xf32>,
        %mul3A_813 = arith.constant 16 : i32
        %mul3A_814 = arith.muli %mul3A_813, %scan3A_525 : i32
        %get3A_815 = arith.constant 26 : i32
        %get3A_816 = arith.constant 0 : i32
        %get3A_817 = arith.constant 0 : i32
        %get3A_818 = tpu.memref_slice %arg4[%scan3A_273, %get3A_816, %get3A_817] : memref<2x32x768xf32, #tpu.memory_space<vmem>> -> memref<1x32x768xf32, #tpu.memory_space<vmem>>
        %get3A_819 = tpu.memref_squeeze %get3A_818 : memref<1x32x768xf32, #tpu.memory_space<vmem>> -> memref<32x768xf32, #tpu.memory_space<vmem>>
        %get3A_820 = arith.index_cast %get3A_815 : i32 to index
        %get3A_821 = arith.index_cast %mul3A_814 : i32 to index
        %get3A_822 = tpu.vector_load %get3A_819[%get3A_820, %get3A_821] {strides = array<i32>} : memref<32x768xf32, #tpu.memory_space<vmem>>, vector<16xf32>,
        %add3A_823 = arith.addi %add3A_241, %broadcast_in_dim3A : vector<16xi32>
        tpu.vector_store_idx %arg5[%add3A_823], %get3A_822 : memref<24576xf32, #tpu.memory_space<vmem>>[vector<16xi32>], vector<16xf32>,
        %mul3A_824 = arith.constant 16 : i32
        %mul3A_825 = arith.muli %mul3A_824, %scan3A_525 : i32
        %get3A_826 = arith.constant 27 : i32
        %get3A_827 = arith.constant 0 : i32
        %get3A_828 = arith.constant 0 : i32
        %get3A_829 = tpu.memref_slice %arg4[%scan3A_273, %get3A_827, %get3A_828] : memref<2x32x768xf32, #tpu.memory_space<vmem>> -> memref<1x32x768xf32, #tpu.memory_space<vmem>>
        %get3A_830 = tpu.memref_squeeze %get3A_829 : memref<1x32x768xf32, #tpu.memory_space<vmem>> -> memref<32x768xf32, #tpu.memory_space<vmem>>
        %get3A_831 = arith.index_cast %get3A_826 : i32 to index
        %get3A_832 = arith.index_cast %mul3A_825 : i32 to index
        %get3A_833 = tpu.vector_load %get3A_830[%get3A_831, %get3A_832] {strides = array<i32>} : memref<32x768xf32, #tpu.memory_space<vmem>>, vector<16xf32>,
        %add3A_834 = arith.addi %add3A_247, %broadcast_in_dim3A : vector<16xi32>
        tpu.vector_store_idx %arg5[%add3A_834], %get3A_833 : memref<24576xf32, #tpu.memory_space<vmem>>[vector<16xi32>], vector<16xf32>,
        %mul3A_835 = arith.constant 16 : i32
        %mul3A_836 = arith.muli %mul3A_835, %scan3A_525 : i32
        %get3A_837 = arith.constant 28 : i32
        %get3A_838 = arith.constant 0 : i32
        %get3A_839 = arith.constant 0 : i32
        %get3A_840 = tpu.memref_slice %arg4[%scan3A_273, %get3A_838, %get3A_839] : memref<2x32x768xf32, #tpu.memory_space<vmem>> -> memref<1x32x768xf32, #tpu.memory_space<vmem>>
        %get3A_841 = tpu.memref_squeeze %get3A_840 : memref<1x32x768xf32, #tpu.memory_space<vmem>> -> memref<32x768xf32, #tpu.memory_space<vmem>>
        %get3A_842 = arith.index_cast %get3A_837 : i32 to index
        %get3A_843 = arith.index_cast %mul3A_836 : i32 to index
        %get3A_844 = tpu.vector_load %get3A_841[%get3A_842, %get3A_843] {strides = array<i32>} : memref<32x768xf32, #tpu.memory_space<vmem>>, vector<16xf32>,
        %add3A_845 = arith.addi %add3A_253, %broadcast_in_dim3A : vector<16xi32>
        tpu.vector_store_idx %arg5[%add3A_845], %get3A_844 : memref<24576xf32, #tpu.memory_space<vmem>>[vector<16xi32>], vector<16xf32>,
        %mul3A_846 = arith.constant 16 : i32
        %mul3A_847 = arith.muli %mul3A_846, %scan3A_525 : i32
        %get3A_848 = arith.constant 29 : i32
        %get3A_849 = arith.constant 0 : i32
        %get3A_850 = arith.constant 0 : i32
        %get3A_851 = tpu.memref_slice %arg4[%scan3A_273, %get3A_849, %get3A_850] : memref<2x32x768xf32, #tpu.memory_space<vmem>> -> memref<1x32x768xf32, #tpu.memory_space<vmem>>
        %get3A_852 = tpu.memref_squeeze %get3A_851 : memref<1x32x768xf32, #tpu.memory_space<vmem>> -> memref<32x768xf32, #tpu.memory_space<vmem>>
        %get3A_853 = arith.index_cast %get3A_848 : i32 to index
        %get3A_854 = arith.index_cast %mul3A_847 : i32 to index
        %get3A_855 = tpu.vector_load %get3A_852[%get3A_853, %get3A_854] {strides = array<i32>} : memref<32x768xf32, #tpu.memory_space<vmem>>, vector<16xf32>,
        %add3A_856 = arith.addi %add3A_259, %broadcast_in_dim3A : vector<16xi32>
        tpu.vector_store_idx %arg5[%add3A_856], %get3A_855 : memref<24576xf32, #tpu.memory_space<vmem>>[vector<16xi32>], vector<16xf32>,
        %mul3A_857 = arith.constant 16 : i32
        %mul3A_858 = arith.muli %mul3A_857, %scan3A_525 : i32
        %get3A_859 = arith.constant 30 : i32
        %get3A_860 = arith.constant 0 : i32
        %get3A_861 = arith.constant 0 : i32
        %get3A_862 = tpu.memref_slice %arg4[%scan3A_273, %get3A_860, %get3A_861] : memref<2x32x768xf32, #tpu.memory_space<vmem>> -> memref<1x32x768xf32, #tpu.memory_space<vmem>>
        %get3A_863 = tpu.memref_squeeze %get3A_862 : memref<1x32x768xf32, #tpu.memory_space<vmem>> -> memref<32x768xf32, #tpu.memory_space<vmem>>
        %get3A_864 = arith.index_cast %get3A_859 : i32 to index
        %get3A_865 = arith.index_cast %mul3A_858 : i32 to index
        %get3A_866 = tpu.vector_load %get3A_863[%get3A_864, %get3A_865] {strides = array<i32>} : memref<32x768xf32, #tpu.memory_space<vmem>>, vector<16xf32>,
        %add3A_867 = arith.addi %add3A_265, %broadcast_in_dim3A : vector<16xi32>
        tpu.vector_store_idx %arg5[%add3A_867], %get3A_866 : memref<24576xf32, #tpu.memory_space<vmem>>[vector<16xi32>], vector<16xf32>,
        %mul3A_868 = arith.constant 16 : i32
        %mul3A_869 = arith.muli %mul3A_868, %scan3A_525 : i32
        %get3A_870 = arith.constant 31 : i32
        %get3A_871 = arith.constant 0 : i32
        %get3A_872 = arith.constant 0 : i32
        %get3A_873 = tpu.memref_slice %arg4[%scan3A_273, %get3A_871, %get3A_872] : memref<2x32x768xf32, #tpu.memory_space<vmem>> -> memref<1x32x768xf32, #tpu.memory_space<vmem>>
        %get3A_874 = tpu.memref_squeeze %get3A_873 : memref<1x32x768xf32, #tpu.memory_space<vmem>> -> memref<32x768xf32, #tpu.memory_space<vmem>>
        %get3A_875 = arith.index_cast %get3A_870 : i32 to index
        %get3A_876 = arith.index_cast %mul3A_869 : i32 to index
        %get3A_877 = tpu.vector_load %get3A_874[%get3A_875, %get3A_876] {strides = array<i32>} : memref<32x768xf32, #tpu.memory_space<vmem>>, vector<16xf32>,
        %add3A_878 = arith.addi %add3A_271, %broadcast_in_dim3A : vector<16xi32>
        tpu.vector_store_idx %arg5[%add3A_878], %get3A_877 : memref<24576xf32, #tpu.memory_space<vmem>>[vector<16xi32>], vector<16xf32>,
      }
      %scan3A_278 = arith.constant 48 : i32
      %mul3A_279 = arith.constant 32 : i32
      %mul3A_280 = arith.muli %mul3A_37, %mul3A_279 : i32
      %add3A_281 = arith.addi %add3A, %mul3A_280 : i32
      %mul3A_282 = arith.constant 24576 : i32
      %mul3A_283 = arith.muli %add3A_281, %mul3A_282 : i32
      %dma_start3A_284 = tpu.memref_slice %arg3[%mul3A_283] : memref<32000000xf32, #tpu.memory_space<hbm>> -> memref<24576xf32, #tpu.memory_space<hbm>>
      %dma_start3A_285 = tpu.memref_slice %arg3[%mul3A_283] : memref<32000000xf32, #tpu.memory_space<hbm>> -> memref<24576xf32, #tpu.memory_space<hbm>>
      tpu.enqueue_dma source(%arg5 : memref<24576xf32, #tpu.memory_space<vmem>>) target(%dma_start3A_285 : memref<24576xf32, #tpu.memory_space<hbm>>) target_semaphore(%arg9 : memref<!tpu.dma_semaphore, #tpu.memory_space<semaphore_mem>>)
      %add3A_286 = arith.constant 1 : i32
      %add3A_287 = arith.addi %mul3A_37, %add3A_286 : i32
      %mul3A_288 = arith.constant 32 : i32
      %mul3A_289 = arith.muli %add3A_287, %mul3A_288 : i32
      %add3A_290 = arith.addi %add3A, %mul3A_289 : i32
      %mul3A_291 = arith.constant 768 : i32
      %mul3A_292 = arith.muli %add3A_290, %mul3A_291 : i32
      %dma_wait3A_293 = arith.constant 1 : i32
      %dma_wait3A_294 = arith.constant 0 : i32
      %dma_wait3A_295 = arith.constant 0 : i32
      %dma_wait3A_296 = tpu.memref_slice %arg4[%dma_wait3A_293, %dma_wait3A_294, %dma_wait3A_295] : memref<2x32x768xf32, #tpu.memory_space<vmem>> -> memref<1x32x768xf32, #tpu.memory_space<vmem>>
      %dma_wait3A_297 = tpu.memref_squeeze %dma_wait3A_296 : memref<1x32x768xf32, #tpu.memory_space<vmem>> -> memref<32x768xf32, #tpu.memory_space<vmem>>
      %dma_wait3A_298 = arith.constant 0 : i32
      %dma_wait3A_299 = tpu.memref_slice %arg2[%dma_wait3A_298, %mul3A_292] : memref<32x1000000xf32, #tpu.memory_space<hbm>> -> memref<32x768xf32, #tpu.memory_space<hbm>>
      %dma_wait3A_300 = arith.constant 0 : i32
      %dma_wait3A_301 = arith.constant 0 : i32
      %dma_wait3A_302 = tpu.memref_slice %arg4[%dma_wait3A_293, %dma_wait3A_300, %dma_wait3A_301] : memref<2x32x768xf32, #tpu.memory_space<vmem>> -> memref<1x32x768xf32, #tpu.memory_space<vmem>>
      %dma_wait3A_303 = tpu.memref_squeeze %dma_wait3A_302 : memref<1x32x768xf32, #tpu.memory_space<vmem>> -> memref<32x768xf32, #tpu.memory_space<vmem>>
      %dma_wait3A_304 = arith.constant 0 : i32
      %dma_wait3A_305 = tpu.memref_slice %arg2[%dma_wait3A_304, %mul3A_292] : memref<32x1000000xf32, #tpu.memory_space<hbm>> -> memref<32x768xf32, #tpu.memory_space<hbm>>
      tpu.wait_dma2 semaphore(%arg8 : memref<!tpu.dma_semaphore, #tpu.memory_space<semaphore_mem>>) src(%dma_wait3A_305 : memref<32x768xf32, #tpu.memory_space<hbm>>) dst(%dma_wait3A_303 : memref<32x768xf32, #tpu.memory_space<vmem>>)
      %lt3A_306 = arith.constant 19 : i32
      %lt3A_307 = arith.cmpi slt, %scan3A_35, %lt3A_306 : i32
      %convert_element_type3A_308 = arith.extui %lt3A_307 : i1 to i32
      %cond3A_309 = arith.constant 0 : i32
      %cond3A_310 = arith.cmpi ne, %convert_element_type3A_308, %cond3A_309 : i32
      scf.if %cond3A_310 {
        %add3A_525 = arith.constant 2 : i32
        %add3A_526 = arith.addi %mul3A_37, %add3A_525 : i32
        %mul3A_527 = arith.constant 32 : i32
        %mul3A_528 = arith.muli %add3A_526, %mul3A_527 : i32
        %add3A_529 = arith.addi %add3A, %mul3A_528 : i32
        %mul3A_530 = arith.constant 768 : i32
        %mul3A_531 = arith.muli %add3A_529, %mul3A_530 : i32
        %dma_start3A_532 = arith.constant 0 : i32
        %dma_start3A_533 = arith.constant 0 : i32
        %dma_start3A_534 = arith.constant 0 : i32
        %dma_start3A_535 = tpu.memref_slice %arg4[%dma_start3A_532, %dma_start3A_533, %dma_start3A_534] : memref<2x32x768xf32, #tpu.memory_space<vmem>> -> memref<1x32x768xf32, #tpu.memory_space<vmem>>
        %dma_start3A_536 = tpu.memref_squeeze %dma_start3A_535 : memref<1x32x768xf32, #tpu.memory_space<vmem>> -> memref<32x768xf32, #tpu.memory_space<vmem>>
        %dma_start3A_537 = arith.constant 0 : i32
        %dma_start3A_538 = tpu.memref_slice %arg2[%dma_start3A_537, %mul3A_531] : memref<32x1000000xf32, #tpu.memory_space<hbm>> -> memref<32x768xf32, #tpu.memory_space<hbm>>
        %dma_start3A_539 = arith.constant 0 : i32
        %dma_start3A_540 = arith.constant 0 : i32
        %dma_start3A_541 = tpu.memref_slice %arg4[%dma_start3A_532, %dma_start3A_539, %dma_start3A_540] : memref<2x32x768xf32, #tpu.memory_space<vmem>> -> memref<1x32x768xf32, #tpu.memory_space<vmem>>
        %dma_start3A_542 = tpu.memref_squeeze %dma_start3A_541 : memref<1x32x768xf32, #tpu.memory_space<vmem>> -> memref<32x768xf32, #tpu.memory_space<vmem>>
        %dma_start3A_543 = arith.constant 0 : i32
        %dma_start3A_544 = tpu.memref_slice %arg2[%dma_start3A_543, %mul3A_531] : memref<32x1000000xf32, #tpu.memory_space<hbm>> -> memref<32x768xf32, #tpu.memory_space<hbm>>
        tpu.enqueue_dma source(%dma_start3A_544 : memref<32x768xf32, #tpu.memory_space<hbm>>) target(%dma_start3A_542 : memref<32x768xf32, #tpu.memory_space<vmem>>) target_semaphore(%arg7 : memref<!tpu.dma_semaphore, #tpu.memory_space<semaphore_mem>>)
      } else {
      }
      %gt3A_311 = arith.constant 0 : i32
      %gt3A_312 = arith.cmpi sgt, %scan3A_35, %gt3A_311 : i32
      %convert_element_type3A_313 = arith.extui %gt3A_312 : i1 to i32
      %cond3A_314 = arith.constant 0 : i32
      %cond3A_315 = arith.cmpi ne, %convert_element_type3A_313, %cond3A_314 : i32
      scf.if %cond3A_315 {
        %sub3A = arith.constant 1 : i32
        %sub3A_525 = arith.subi %mul3A_37, %sub3A : i32
        %mul3A_526 = arith.constant 32 : i32
        %mul3A_527 = arith.muli %sub3A_525, %mul3A_526 : i32
        %add3A_528 = arith.addi %add3A, %mul3A_527 : i32
        %mul3A_529 = arith.constant 24576 : i32
        %mul3A_530 = arith.muli %add3A_528, %mul3A_529 : i32
        %dma_wait3A_531 = tpu.memref_slice %arg3[%mul3A_530] : memref<32000000xf32, #tpu.memory_space<hbm>> -> memref<24576xf32, #tpu.memory_space<hbm>>
        %dma_wait3A_532 = tpu.memref_slice %arg3[%mul3A_530] : memref<32000000xf32, #tpu.memory_space<hbm>> -> memref<24576xf32, #tpu.memory_space<hbm>>
        tpu.wait_dma2 semaphore(%arg10 : memref<!tpu.dma_semaphore, #tpu.memory_space<semaphore_mem>>) src(%arg6 : memref<24576xf32, #tpu.memory_space<vmem>>) dst(%dma_wait3A_532 : memref<24576xf32, #tpu.memory_space<hbm>>)
      } else {
      }
      %iota3A_316 = tpu.iota {dimensions = array<i32: 0>} : vector<16xi32>
      %mul3A_317 = arith.constant 32 : i32
      %mul3A_318 = vector.broadcast %mul3A_317 : i32 to vector<16xi32>
      %mul3A_319 = arith.muli %iota3A_316, %mul3A_318 : vector<16xi32>
      %add3A_320 = arith.constant 0 : i32
      %add3A_321 = vector.broadcast %add3A_320 : i32 to vector<16xi32>
      %add3A_322 = arith.addi %mul3A_319, %add3A_321 : vector<16xi32>
      %mul3A_323 = arith.constant 32 : i32
      %mul3A_324 = vector.broadcast %mul3A_323 : i32 to vector<16xi32>
      %mul3A_325 = arith.muli %iota3A_316, %mul3A_324 : vector<16xi32>
      %add3A_326 = arith.constant 1 : i32
      %add3A_327 = vector.broadcast %add3A_326 : i32 to vector<16xi32>
      %add3A_328 = arith.addi %mul3A_325, %add3A_327 : vector<16xi32>
      %mul3A_329 = arith.constant 32 : i32
      %mul3A_330 = vector.broadcast %mul3A_329 : i32 to vector<16xi32>
      %mul3A_331 = arith.muli %iota3A_316, %mul3A_330 : vector<16xi32>
      %add3A_332 = arith.constant 2 : i32
      %add3A_333 = vector.broadcast %add3A_332 : i32 to vector<16xi32>
      %add3A_334 = arith.addi %mul3A_331, %add3A_333 : vector<16xi32>
      %mul3A_335 = arith.constant 32 : i32
      %mul3A_336 = vector.broadcast %mul3A_335 : i32 to vector<16xi32>
      %mul3A_337 = arith.muli %iota3A_316, %mul3A_336 : vector<16xi32>
      %add3A_338 = arith.constant 3 : i32
      %add3A_339 = vector.broadcast %add3A_338 : i32 to vector<16xi32>
      %add3A_340 = arith.addi %mul3A_337, %add3A_339 : vector<16xi32>
      %mul3A_341 = arith.constant 32 : i32
      %mul3A_342 = vector.broadcast %mul3A_341 : i32 to vector<16xi32>
      %mul3A_343 = arith.muli %iota3A_316, %mul3A_342 : vector<16xi32>
      %add3A_344 = arith.constant 4 : i32
      %add3A_345 = vector.broadcast %add3A_344 : i32 to vector<16xi32>
      %add3A_346 = arith.addi %mul3A_343, %add3A_345 : vector<16xi32>
      %mul3A_347 = arith.constant 32 : i32
      %mul3A_348 = vector.broadcast %mul3A_347 : i32 to vector<16xi32>
      %mul3A_349 = arith.muli %iota3A_316, %mul3A_348 : vector<16xi32>
      %add3A_350 = arith.constant 5 : i32
      %add3A_351 = vector.broadcast %add3A_350 : i32 to vector<16xi32>
      %add3A_352 = arith.addi %mul3A_349, %add3A_351 : vector<16xi32>
      %mul3A_353 = arith.constant 32 : i32
      %mul3A_354 = vector.broadcast %mul3A_353 : i32 to vector<16xi32>
      %mul3A_355 = arith.muli %iota3A_316, %mul3A_354 : vector<16xi32>
      %add3A_356 = arith.constant 6 : i32
      %add3A_357 = vector.broadcast %add3A_356 : i32 to vector<16xi32>
      %add3A_358 = arith.addi %mul3A_355, %add3A_357 : vector<16xi32>
      %mul3A_359 = arith.constant 32 : i32
      %mul3A_360 = vector.broadcast %mul3A_359 : i32 to vector<16xi32>
      %mul3A_361 = arith.muli %iota3A_316, %mul3A_360 : vector<16xi32>
      %add3A_362 = arith.constant 7 : i32
      %add3A_363 = vector.broadcast %add3A_362 : i32 to vector<16xi32>
      %add3A_364 = arith.addi %mul3A_361, %add3A_363 : vector<16xi32>
      %mul3A_365 = arith.constant 32 : i32
      %mul3A_366 = vector.broadcast %mul3A_365 : i32 to vector<16xi32>
      %mul3A_367 = arith.muli %iota3A_316, %mul3A_366 : vector<16xi32>
      %add3A_368 = arith.constant 8 : i32
      %add3A_369 = vector.broadcast %add3A_368 : i32 to vector<16xi32>
      %add3A_370 = arith.addi %mul3A_367, %add3A_369 : vector<16xi32>
      %mul3A_371 = arith.constant 32 : i32
      %mul3A_372 = vector.broadcast %mul3A_371 : i32 to vector<16xi32>
      %mul3A_373 = arith.muli %iota3A_316, %mul3A_372 : vector<16xi32>
      %add3A_374 = arith.constant 9 : i32
      %add3A_375 = vector.broadcast %add3A_374 : i32 to vector<16xi32>
      %add3A_376 = arith.addi %mul3A_373, %add3A_375 : vector<16xi32>
      %mul3A_377 = arith.constant 32 : i32
      %mul3A_378 = vector.broadcast %mul3A_377 : i32 to vector<16xi32>
      %mul3A_379 = arith.muli %iota3A_316, %mul3A_378 : vector<16xi32>
      %add3A_380 = arith.constant 10 : i32
      %add3A_381 = vector.broadcast %add3A_380 : i32 to vector<16xi32>
      %add3A_382 = arith.addi %mul3A_379, %add3A_381 : vector<16xi32>
      %mul3A_383 = arith.constant 32 : i32
      %mul3A_384 = vector.broadcast %mul3A_383 : i32 to vector<16xi32>
      %mul3A_385 = arith.muli %iota3A_316, %mul3A_384 : vector<16xi32>
      %add3A_386 = arith.constant 11 : i32
      %add3A_387 = vector.broadcast %add3A_386 : i32 to vector<16xi32>
      %add3A_388 = arith.addi %mul3A_385, %add3A_387 : vector<16xi32>
      %mul3A_389 = arith.constant 32 : i32
      %mul3A_390 = vector.broadcast %mul3A_389 : i32 to vector<16xi32>
      %mul3A_391 = arith.muli %iota3A_316, %mul3A_390 : vector<16xi32>
      %add3A_392 = arith.constant 12 : i32
      %add3A_393 = vector.broadcast %add3A_392 : i32 to vector<16xi32>
      %add3A_394 = arith.addi %mul3A_391, %add3A_393 : vector<16xi32>
      %mul3A_395 = arith.constant 32 : i32
      %mul3A_396 = vector.broadcast %mul3A_395 : i32 to vector<16xi32>
      %mul3A_397 = arith.muli %iota3A_316, %mul3A_396 : vector<16xi32>
      %add3A_398 = arith.constant 13 : i32
      %add3A_399 = vector.broadcast %add3A_398 : i32 to vector<16xi32>
      %add3A_400 = arith.addi %mul3A_397, %add3A_399 : vector<16xi32>
      %mul3A_401 = arith.constant 32 : i32
      %mul3A_402 = vector.broadcast %mul3A_401 : i32 to vector<16xi32>
      %mul3A_403 = arith.muli %iota3A_316, %mul3A_402 : vector<16xi32>
      %add3A_404 = arith.constant 14 : i32
      %add3A_405 = vector.broadcast %add3A_404 : i32 to vector<16xi32>
      %add3A_406 = arith.addi %mul3A_403, %add3A_405 : vector<16xi32>
      %mul3A_407 = arith.constant 32 : i32
      %mul3A_408 = vector.broadcast %mul3A_407 : i32 to vector<16xi32>
      %mul3A_409 = arith.muli %iota3A_316, %mul3A_408 : vector<16xi32>
      %add3A_410 = arith.constant 15 : i32
      %add3A_411 = vector.broadcast %add3A_410 : i32 to vector<16xi32>
      %add3A_412 = arith.addi %mul3A_409, %add3A_411 : vector<16xi32>
      %mul3A_413 = arith.constant 32 : i32
      %mul3A_414 = vector.broadcast %mul3A_413 : i32 to vector<16xi32>
      %mul3A_415 = arith.muli %iota3A_316, %mul3A_414 : vector<16xi32>
      %add3A_416 = arith.constant 16 : i32
      %add3A_417 = vector.broadcast %add3A_416 : i32 to vector<16xi32>
      %add3A_418 = arith.addi %mul3A_415, %add3A_417 : vector<16xi32>
      %mul3A_419 = arith.constant 32 : i32
      %mul3A_420 = vector.broadcast %mul3A_419 : i32 to vector<16xi32>
      %mul3A_421 = arith.muli %iota3A_316, %mul3A_420 : vector<16xi32>
      %add3A_422 = arith.constant 17 : i32
      %add3A_423 = vector.broadcast %add3A_422 : i32 to vector<16xi32>
      %add3A_424 = arith.addi %mul3A_421, %add3A_423 : vector<16xi32>
      %mul3A_425 = arith.constant 32 : i32
      %mul3A_426 = vector.broadcast %mul3A_425 : i32 to vector<16xi32>
      %mul3A_427 = arith.muli %iota3A_316, %mul3A_426 : vector<16xi32>
      %add3A_428 = arith.constant 18 : i32
      %add3A_429 = vector.broadcast %add3A_428 : i32 to vector<16xi32>
      %add3A_430 = arith.addi %mul3A_427, %add3A_429 : vector<16xi32>
      %mul3A_431 = arith.constant 32 : i32
      %mul3A_432 = vector.broadcast %mul3A_431 : i32 to vector<16xi32>
      %mul3A_433 = arith.muli %iota3A_316, %mul3A_432 : vector<16xi32>
      %add3A_434 = arith.constant 19 : i32
      %add3A_435 = vector.broadcast %add3A_434 : i32 to vector<16xi32>
      %add3A_436 = arith.addi %mul3A_433, %add3A_435 : vector<16xi32>
      %mul3A_437 = arith.constant 32 : i32
      %mul3A_438 = vector.broadcast %mul3A_437 : i32 to vector<16xi32>
      %mul3A_439 = arith.muli %iota3A_316, %mul3A_438 : vector<16xi32>
      %add3A_440 = arith.constant 20 : i32
      %add3A_441 = vector.broadcast %add3A_440 : i32 to vector<16xi32>
      %add3A_442 = arith.addi %mul3A_439, %add3A_441 : vector<16xi32>
      %mul3A_443 = arith.constant 32 : i32
      %mul3A_444 = vector.broadcast %mul3A_443 : i32 to vector<16xi32>
      %mul3A_445 = arith.muli %iota3A_316, %mul3A_444 : vector<16xi32>
      %add3A_446 = arith.constant 21 : i32
      %add3A_447 = vector.broadcast %add3A_446 : i32 to vector<16xi32>
      %add3A_448 = arith.addi %mul3A_445, %add3A_447 : vector<16xi32>
      %mul3A_449 = arith.constant 32 : i32
      %mul3A_450 = vector.broadcast %mul3A_449 : i32 to vector<16xi32>
      %mul3A_451 = arith.muli %iota3A_316, %mul3A_450 : vector<16xi32>
      %add3A_452 = arith.constant 22 : i32
      %add3A_453 = vector.broadcast %add3A_452 : i32 to vector<16xi32>
      %add3A_454 = arith.addi %mul3A_451, %add3A_453 : vector<16xi32>
      %mul3A_455 = arith.constant 32 : i32
      %mul3A_456 = vector.broadcast %mul3A_455 : i32 to vector<16xi32>
      %mul3A_457 = arith.muli %iota3A_316, %mul3A_456 : vector<16xi32>
      %add3A_458 = arith.constant 23 : i32
      %add3A_459 = vector.broadcast %add3A_458 : i32 to vector<16xi32>
      %add3A_460 = arith.addi %mul3A_457, %add3A_459 : vector<16xi32>
      %mul3A_461 = arith.constant 32 : i32
      %mul3A_462 = vector.broadcast %mul3A_461 : i32 to vector<16xi32>
      %mul3A_463 = arith.muli %iota3A_316, %mul3A_462 : vector<16xi32>
      %add3A_464 = arith.constant 24 : i32
      %add3A_465 = vector.broadcast %add3A_464 : i32 to vector<16xi32>
      %add3A_466 = arith.addi %mul3A_463, %add3A_465 : vector<16xi32>
      %mul3A_467 = arith.constant 32 : i32
      %mul3A_468 = vector.broadcast %mul3A_467 : i32 to vector<16xi32>
      %mul3A_469 = arith.muli %iota3A_316, %mul3A_468 : vector<16xi32>
      %add3A_470 = arith.constant 25 : i32
      %add3A_471 = vector.broadcast %add3A_470 : i32 to vector<16xi32>
      %add3A_472 = arith.addi %mul3A_469, %add3A_471 : vector<16xi32>
      %mul3A_473 = arith.constant 32 : i32
      %mul3A_474 = vector.broadcast %mul3A_473 : i32 to vector<16xi32>
      %mul3A_475 = arith.muli %iota3A_316, %mul3A_474 : vector<16xi32>
      %add3A_476 = arith.constant 26 : i32
      %add3A_477 = vector.broadcast %add3A_476 : i32 to vector<16xi32>
      %add3A_478 = arith.addi %mul3A_475, %add3A_477 : vector<16xi32>
      %mul3A_479 = arith.constant 32 : i32
      %mul3A_480 = vector.broadcast %mul3A_479 : i32 to vector<16xi32>
      %mul3A_481 = arith.muli %iota3A_316, %mul3A_480 : vector<16xi32>
      %add3A_482 = arith.constant 27 : i32
      %add3A_483 = vector.broadcast %add3A_482 : i32 to vector<16xi32>
      %add3A_484 = arith.addi %mul3A_481, %add3A_483 : vector<16xi32>
      %mul3A_485 = arith.constant 32 : i32
      %mul3A_486 = vector.broadcast %mul3A_485 : i32 to vector<16xi32>
      %mul3A_487 = arith.muli %iota3A_316, %mul3A_486 : vector<16xi32>
      %add3A_488 = arith.constant 28 : i32
      %add3A_489 = vector.broadcast %add3A_488 : i32 to vector<16xi32>
      %add3A_490 = arith.addi %mul3A_487, %add3A_489 : vector<16xi32>
      %mul3A_491 = arith.constant 32 : i32
      %mul3A_492 = vector.broadcast %mul3A_491 : i32 to vector<16xi32>
      %mul3A_493 = arith.muli %iota3A_316, %mul3A_492 : vector<16xi32>
      %add3A_494 = arith.constant 29 : i32
      %add3A_495 = vector.broadcast %add3A_494 : i32 to vector<16xi32>
      %add3A_496 = arith.addi %mul3A_493, %add3A_495 : vector<16xi32>
      %mul3A_497 = arith.constant 32 : i32
      %mul3A_498 = vector.broadcast %mul3A_497 : i32 to vector<16xi32>
      %mul3A_499 = arith.muli %iota3A_316, %mul3A_498 : vector<16xi32>
      %add3A_500 = arith.constant 30 : i32
      %add3A_501 = vector.broadcast %add3A_500 : i32 to vector<16xi32>
      %add3A_502 = arith.addi %mul3A_499, %add3A_501 : vector<16xi32>
      %mul3A_503 = arith.constant 32 : i32
      %mul3A_504 = vector.broadcast %mul3A_503 : i32 to vector<16xi32>
      %mul3A_505 = arith.muli %iota3A_316, %mul3A_504 : vector<16xi32>
      %add3A_506 = arith.constant 31 : i32
      %add3A_507 = vector.broadcast %add3A_506 : i32 to vector<16xi32>
      %add3A_508 = arith.addi %mul3A_505, %add3A_507 : vector<16xi32>
      %scan3A_509 = arith.constant 0 : i32
      %scan3A_510 = arith.constant 1 : i32
      %scan3A_511 = arith.constant 0 : i32
      %scan3A_512 = arith.constant 48 : i32
      %scan3A_513 = arith.addi %scan3A_511, %scan3A_512 : i32
      %scan3A_514 = arith.constant 1 : i32
      scf.for %scan3A_525 = %scan3A_511 to %scan3A_513 step %scan3A_514  : i32 {
        %mul3A_526 = arith.constant 512 : i32
        %mul3A_527 = arith.muli %mul3A_526, %scan3A_525 : i32
        %broadcast_in_dim3A = vector.broadcast %mul3A_527 : i32 to vector<16xi32>
        %mul3A_528 = arith.constant 16 : i32
        %mul3A_529 = arith.muli %mul3A_528, %scan3A_525 : i32
        %get3A = arith.constant 0 : i32
        %get3A_530 = arith.constant 0 : i32
        %get3A_531 = arith.constant 0 : i32
        %get3A_532 = tpu.memref_slice %arg4[%scan3A_510, %get3A_530, %get3A_531] : memref<2x32x768xf32, #tpu.memory_space<vmem>> -> memref<1x32x768xf32, #tpu.memory_space<vmem>>
        %get3A_533 = tpu.memref_squeeze %get3A_532 : memref<1x32x768xf32, #tpu.memory_space<vmem>> -> memref<32x768xf32, #tpu.memory_space<vmem>>
        %get3A_534 = arith.index_cast %get3A : i32 to index
        %get3A_535 = arith.index_cast %mul3A_529 : i32 to index
        %get3A_536 = tpu.vector_load %get3A_533[%get3A_534, %get3A_535] {strides = array<i32>} : memref<32x768xf32, #tpu.memory_space<vmem>>, vector<16xf32>,
        %add3A_537 = arith.addi %add3A_322, %broadcast_in_dim3A : vector<16xi32>
        tpu.vector_store_idx %arg6[%add3A_537], %get3A_536 : memref<24576xf32, #tpu.memory_space<vmem>>[vector<16xi32>], vector<16xf32>,
        %mul3A_538 = arith.constant 16 : i32
        %mul3A_539 = arith.muli %mul3A_538, %scan3A_525 : i32
        %get3A_540 = arith.constant 1 : i32
        %get3A_541 = arith.constant 0 : i32
        %get3A_542 = arith.constant 0 : i32
        %get3A_543 = tpu.memref_slice %arg4[%scan3A_510, %get3A_541, %get3A_542] : memref<2x32x768xf32, #tpu.memory_space<vmem>> -> memref<1x32x768xf32, #tpu.memory_space<vmem>>
        %get3A_544 = tpu.memref_squeeze %get3A_543 : memref<1x32x768xf32, #tpu.memory_space<vmem>> -> memref<32x768xf32, #tpu.memory_space<vmem>>
        %get3A_545 = arith.index_cast %get3A_540 : i32 to index
        %get3A_546 = arith.index_cast %mul3A_539 : i32 to index
        %get3A_547 = tpu.vector_load %get3A_544[%get3A_545, %get3A_546] {strides = array<i32>} : memref<32x768xf32, #tpu.memory_space<vmem>>, vector<16xf32>,
        %add3A_548 = arith.addi %add3A_328, %broadcast_in_dim3A : vector<16xi32>
        tpu.vector_store_idx %arg6[%add3A_548], %get3A_547 : memref<24576xf32, #tpu.memory_space<vmem>>[vector<16xi32>], vector<16xf32>,
        %mul3A_549 = arith.constant 16 : i32
        %mul3A_550 = arith.muli %mul3A_549, %scan3A_525 : i32
        %get3A_551 = arith.constant 2 : i32
        %get3A_552 = arith.constant 0 : i32
        %get3A_553 = arith.constant 0 : i32
        %get3A_554 = tpu.memref_slice %arg4[%scan3A_510, %get3A_552, %get3A_553] : memref<2x32x768xf32, #tpu.memory_space<vmem>> -> memref<1x32x768xf32, #tpu.memory_space<vmem>>
        %get3A_555 = tpu.memref_squeeze %get3A_554 : memref<1x32x768xf32, #tpu.memory_space<vmem>> -> memref<32x768xf32, #tpu.memory_space<vmem>>
        %get3A_556 = arith.index_cast %get3A_551 : i32 to index
        %get3A_557 = arith.index_cast %mul3A_550 : i32 to index
        %get3A_558 = tpu.vector_load %get3A_555[%get3A_556, %get3A_557] {strides = array<i32>} : memref<32x768xf32, #tpu.memory_space<vmem>>, vector<16xf32>,
        %add3A_559 = arith.addi %add3A_334, %broadcast_in_dim3A : vector<16xi32>
        tpu.vector_store_idx %arg6[%add3A_559], %get3A_558 : memref<24576xf32, #tpu.memory_space<vmem>>[vector<16xi32>], vector<16xf32>,
        %mul3A_560 = arith.constant 16 : i32
        %mul3A_561 = arith.muli %mul3A_560, %scan3A_525 : i32
        %get3A_562 = arith.constant 3 : i32
        %get3A_563 = arith.constant 0 : i32
        %get3A_564 = arith.constant 0 : i32
        %get3A_565 = tpu.memref_slice %arg4[%scan3A_510, %get3A_563, %get3A_564] : memref<2x32x768xf32, #tpu.memory_space<vmem>> -> memref<1x32x768xf32, #tpu.memory_space<vmem>>
        %get3A_566 = tpu.memref_squeeze %get3A_565 : memref<1x32x768xf32, #tpu.memory_space<vmem>> -> memref<32x768xf32, #tpu.memory_space<vmem>>
        %get3A_567 = arith.index_cast %get3A_562 : i32 to index
        %get3A_568 = arith.index_cast %mul3A_561 : i32 to index
        %get3A_569 = tpu.vector_load %get3A_566[%get3A_567, %get3A_568] {strides = array<i32>} : memref<32x768xf32, #tpu.memory_space<vmem>>, vector<16xf32>,
        %add3A_570 = arith.addi %add3A_340, %broadcast_in_dim3A : vector<16xi32>
        tpu.vector_store_idx %arg6[%add3A_570], %get3A_569 : memref<24576xf32, #tpu.memory_space<vmem>>[vector<16xi32>], vector<16xf32>,
        %mul3A_571 = arith.constant 16 : i32
        %mul3A_572 = arith.muli %mul3A_571, %scan3A_525 : i32
        %get3A_573 = arith.constant 4 : i32
        %get3A_574 = arith.constant 0 : i32
        %get3A_575 = arith.constant 0 : i32
        %get3A_576 = tpu.memref_slice %arg4[%scan3A_510, %get3A_574, %get3A_575] : memref<2x32x768xf32, #tpu.memory_space<vmem>> -> memref<1x32x768xf32, #tpu.memory_space<vmem>>
        %get3A_577 = tpu.memref_squeeze %get3A_576 : memref<1x32x768xf32, #tpu.memory_space<vmem>> -> memref<32x768xf32, #tpu.memory_space<vmem>>
        %get3A_578 = arith.index_cast %get3A_573 : i32 to index
        %get3A_579 = arith.index_cast %mul3A_572 : i32 to index
        %get3A_580 = tpu.vector_load %get3A_577[%get3A_578, %get3A_579] {strides = array<i32>} : memref<32x768xf32, #tpu.memory_space<vmem>>, vector<16xf32>,
        %add3A_581 = arith.addi %add3A_346, %broadcast_in_dim3A : vector<16xi32>
        tpu.vector_store_idx %arg6[%add3A_581], %get3A_580 : memref<24576xf32, #tpu.memory_space<vmem>>[vector<16xi32>], vector<16xf32>,
        %mul3A_582 = arith.constant 16 : i32
        %mul3A_583 = arith.muli %mul3A_582, %scan3A_525 : i32
        %get3A_584 = arith.constant 5 : i32
        %get3A_585 = arith.constant 0 : i32
        %get3A_586 = arith.constant 0 : i32
        %get3A_587 = tpu.memref_slice %arg4[%scan3A_510, %get3A_585, %get3A_586] : memref<2x32x768xf32, #tpu.memory_space<vmem>> -> memref<1x32x768xf32, #tpu.memory_space<vmem>>
        %get3A_588 = tpu.memref_squeeze %get3A_587 : memref<1x32x768xf32, #tpu.memory_space<vmem>> -> memref<32x768xf32, #tpu.memory_space<vmem>>
        %get3A_589 = arith.index_cast %get3A_584 : i32 to index
        %get3A_590 = arith.index_cast %mul3A_583 : i32 to index
        %get3A_591 = tpu.vector_load %get3A_588[%get3A_589, %get3A_590] {strides = array<i32>} : memref<32x768xf32, #tpu.memory_space<vmem>>, vector<16xf32>,
        %add3A_592 = arith.addi %add3A_352, %broadcast_in_dim3A : vector<16xi32>
        tpu.vector_store_idx %arg6[%add3A_592], %get3A_591 : memref<24576xf32, #tpu.memory_space<vmem>>[vector<16xi32>], vector<16xf32>,
        %mul3A_593 = arith.constant 16 : i32
        %mul3A_594 = arith.muli %mul3A_593, %scan3A_525 : i32
        %get3A_595 = arith.constant 6 : i32
        %get3A_596 = arith.constant 0 : i32
        %get3A_597 = arith.constant 0 : i32
        %get3A_598 = tpu.memref_slice %arg4[%scan3A_510, %get3A_596, %get3A_597] : memref<2x32x768xf32, #tpu.memory_space<vmem>> -> memref<1x32x768xf32, #tpu.memory_space<vmem>>
        %get3A_599 = tpu.memref_squeeze %get3A_598 : memref<1x32x768xf32, #tpu.memory_space<vmem>> -> memref<32x768xf32, #tpu.memory_space<vmem>>
        %get3A_600 = arith.index_cast %get3A_595 : i32 to index
        %get3A_601 = arith.index_cast %mul3A_594 : i32 to index
        %get3A_602 = tpu.vector_load %get3A_599[%get3A_600, %get3A_601] {strides = array<i32>} : memref<32x768xf32, #tpu.memory_space<vmem>>, vector<16xf32>,
        %add3A_603 = arith.addi %add3A_358, %broadcast_in_dim3A : vector<16xi32>
        tpu.vector_store_idx %arg6[%add3A_603], %get3A_602 : memref<24576xf32, #tpu.memory_space<vmem>>[vector<16xi32>], vector<16xf32>,
        %mul3A_604 = arith.constant 16 : i32
        %mul3A_605 = arith.muli %mul3A_604, %scan3A_525 : i32
        %get3A_606 = arith.constant 7 : i32
        %get3A_607 = arith.constant 0 : i32
        %get3A_608 = arith.constant 0 : i32
        %get3A_609 = tpu.memref_slice %arg4[%scan3A_510, %get3A_607, %get3A_608] : memref<2x32x768xf32, #tpu.memory_space<vmem>> -> memref<1x32x768xf32, #tpu.memory_space<vmem>>
        %get3A_610 = tpu.memref_squeeze %get3A_609 : memref<1x32x768xf32, #tpu.memory_space<vmem>> -> memref<32x768xf32, #tpu.memory_space<vmem>>
        %get3A_611 = arith.index_cast %get3A_606 : i32 to index
        %get3A_612 = arith.index_cast %mul3A_605 : i32 to index
        %get3A_613 = tpu.vector_load %get3A_610[%get3A_611, %get3A_612] {strides = array<i32>} : memref<32x768xf32, #tpu.memory_space<vmem>>, vector<16xf32>,
        %add3A_614 = arith.addi %add3A_364, %broadcast_in_dim3A : vector<16xi32>
        tpu.vector_store_idx %arg6[%add3A_614], %get3A_613 : memref<24576xf32, #tpu.memory_space<vmem>>[vector<16xi32>], vector<16xf32>,
        %mul3A_615 = arith.constant 16 : i32
        %mul3A_616 = arith.muli %mul3A_615, %scan3A_525 : i32
        %get3A_617 = arith.constant 8 : i32
        %get3A_618 = arith.constant 0 : i32
        %get3A_619 = arith.constant 0 : i32
        %get3A_620 = tpu.memref_slice %arg4[%scan3A_510, %get3A_618, %get3A_619] : memref<2x32x768xf32, #tpu.memory_space<vmem>> -> memref<1x32x768xf32, #tpu.memory_space<vmem>>
        %get3A_621 = tpu.memref_squeeze %get3A_620 : memref<1x32x768xf32, #tpu.memory_space<vmem>> -> memref<32x768xf32, #tpu.memory_space<vmem>>
        %get3A_622 = arith.index_cast %get3A_617 : i32 to index
        %get3A_623 = arith.index_cast %mul3A_616 : i32 to index
        %get3A_624 = tpu.vector_load %get3A_621[%get3A_622, %get3A_623] {strides = array<i32>} : memref<32x768xf32, #tpu.memory_space<vmem>>, vector<16xf32>,
        %add3A_625 = arith.addi %add3A_370, %broadcast_in_dim3A : vector<16xi32>
        tpu.vector_store_idx %arg6[%add3A_625], %get3A_624 : memref<24576xf32, #tpu.memory_space<vmem>>[vector<16xi32>], vector<16xf32>,
        %mul3A_626 = arith.constant 16 : i32
        %mul3A_627 = arith.muli %mul3A_626, %scan3A_525 : i32
        %get3A_628 = arith.constant 9 : i32
        %get3A_629 = arith.constant 0 : i32
        %get3A_630 = arith.constant 0 : i32
        %get3A_631 = tpu.memref_slice %arg4[%scan3A_510, %get3A_629, %get3A_630] : memref<2x32x768xf32, #tpu.memory_space<vmem>> -> memref<1x32x768xf32, #tpu.memory_space<vmem>>
        %get3A_632 = tpu.memref_squeeze %get3A_631 : memref<1x32x768xf32, #tpu.memory_space<vmem>> -> memref<32x768xf32, #tpu.memory_space<vmem>>
        %get3A_633 = arith.index_cast %get3A_628 : i32 to index
        %get3A_634 = arith.index_cast %mul3A_627 : i32 to index
        %get3A_635 = tpu.vector_load %get3A_632[%get3A_633, %get3A_634] {strides = array<i32>} : memref<32x768xf32, #tpu.memory_space<vmem>>, vector<16xf32>,
        %add3A_636 = arith.addi %add3A_376, %broadcast_in_dim3A : vector<16xi32>
        tpu.vector_store_idx %arg6[%add3A_636], %get3A_635 : memref<24576xf32, #tpu.memory_space<vmem>>[vector<16xi32>], vector<16xf32>,
        %mul3A_637 = arith.constant 16 : i32
        %mul3A_638 = arith.muli %mul3A_637, %scan3A_525 : i32
        %get3A_639 = arith.constant 10 : i32
        %get3A_640 = arith.constant 0 : i32
        %get3A_641 = arith.constant 0 : i32
        %get3A_642 = tpu.memref_slice %arg4[%scan3A_510, %get3A_640, %get3A_641] : memref<2x32x768xf32, #tpu.memory_space<vmem>> -> memref<1x32x768xf32, #tpu.memory_space<vmem>>
        %get3A_643 = tpu.memref_squeeze %get3A_642 : memref<1x32x768xf32, #tpu.memory_space<vmem>> -> memref<32x768xf32, #tpu.memory_space<vmem>>
        %get3A_644 = arith.index_cast %get3A_639 : i32 to index
        %get3A_645 = arith.index_cast %mul3A_638 : i32 to index
        %get3A_646 = tpu.vector_load %get3A_643[%get3A_644, %get3A_645] {strides = array<i32>} : memref<32x768xf32, #tpu.memory_space<vmem>>, vector<16xf32>,
        %add3A_647 = arith.addi %add3A_382, %broadcast_in_dim3A : vector<16xi32>
        tpu.vector_store_idx %arg6[%add3A_647], %get3A_646 : memref<24576xf32, #tpu.memory_space<vmem>>[vector<16xi32>], vector<16xf32>,
        %mul3A_648 = arith.constant 16 : i32
        %mul3A_649 = arith.muli %mul3A_648, %scan3A_525 : i32
        %get3A_650 = arith.constant 11 : i32
        %get3A_651 = arith.constant 0 : i32
        %get3A_652 = arith.constant 0 : i32
        %get3A_653 = tpu.memref_slice %arg4[%scan3A_510, %get3A_651, %get3A_652] : memref<2x32x768xf32, #tpu.memory_space<vmem>> -> memref<1x32x768xf32, #tpu.memory_space<vmem>>
        %get3A_654 = tpu.memref_squeeze %get3A_653 : memref<1x32x768xf32, #tpu.memory_space<vmem>> -> memref<32x768xf32, #tpu.memory_space<vmem>>
        %get3A_655 = arith.index_cast %get3A_650 : i32 to index
        %get3A_656 = arith.index_cast %mul3A_649 : i32 to index
        %get3A_657 = tpu.vector_load %get3A_654[%get3A_655, %get3A_656] {strides = array<i32>} : memref<32x768xf32, #tpu.memory_space<vmem>>, vector<16xf32>,
        %add3A_658 = arith.addi %add3A_388, %broadcast_in_dim3A : vector<16xi32>
        tpu.vector_store_idx %arg6[%add3A_658], %get3A_657 : memref<24576xf32, #tpu.memory_space<vmem>>[vector<16xi32>], vector<16xf32>,
        %mul3A_659 = arith.constant 16 : i32
        %mul3A_660 = arith.muli %mul3A_659, %scan3A_525 : i32
        %get3A_661 = arith.constant 12 : i32
        %get3A_662 = arith.constant 0 : i32
        %get3A_663 = arith.constant 0 : i32
        %get3A_664 = tpu.memref_slice %arg4[%scan3A_510, %get3A_662, %get3A_663] : memref<2x32x768xf32, #tpu.memory_space<vmem>> -> memref<1x32x768xf32, #tpu.memory_space<vmem>>
        %get3A_665 = tpu.memref_squeeze %get3A_664 : memref<1x32x768xf32, #tpu.memory_space<vmem>> -> memref<32x768xf32, #tpu.memory_space<vmem>>
        %get3A_666 = arith.index_cast %get3A_661 : i32 to index
        %get3A_667 = arith.index_cast %mul3A_660 : i32 to index
        %get3A_668 = tpu.vector_load %get3A_665[%get3A_666, %get3A_667] {strides = array<i32>} : memref<32x768xf32, #tpu.memory_space<vmem>>, vector<16xf32>,
        %add3A_669 = arith.addi %add3A_394, %broadcast_in_dim3A : vector<16xi32>
        tpu.vector_store_idx %arg6[%add3A_669], %get3A_668 : memref<24576xf32, #tpu.memory_space<vmem>>[vector<16xi32>], vector<16xf32>,
        %mul3A_670 = arith.constant 16 : i32
        %mul3A_671 = arith.muli %mul3A_670, %scan3A_525 : i32
        %get3A_672 = arith.constant 13 : i32
        %get3A_673 = arith.constant 0 : i32
        %get3A_674 = arith.constant 0 : i32
        %get3A_675 = tpu.memref_slice %arg4[%scan3A_510, %get3A_673, %get3A_674] : memref<2x32x768xf32, #tpu.memory_space<vmem>> -> memref<1x32x768xf32, #tpu.memory_space<vmem>>
        %get3A_676 = tpu.memref_squeeze %get3A_675 : memref<1x32x768xf32, #tpu.memory_space<vmem>> -> memref<32x768xf32, #tpu.memory_space<vmem>>
        %get3A_677 = arith.index_cast %get3A_672 : i32 to index
        %get3A_678 = arith.index_cast %mul3A_671 : i32 to index
        %get3A_679 = tpu.vector_load %get3A_676[%get3A_677, %get3A_678] {strides = array<i32>} : memref<32x768xf32, #tpu.memory_space<vmem>>, vector<16xf32>,
        %add3A_680 = arith.addi %add3A_400, %broadcast_in_dim3A : vector<16xi32>
        tpu.vector_store_idx %arg6[%add3A_680], %get3A_679 : memref<24576xf32, #tpu.memory_space<vmem>>[vector<16xi32>], vector<16xf32>,
        %mul3A_681 = arith.constant 16 : i32
        %mul3A_682 = arith.muli %mul3A_681, %scan3A_525 : i32
        %get3A_683 = arith.constant 14 : i32
        %get3A_684 = arith.constant 0 : i32
        %get3A_685 = arith.constant 0 : i32
        %get3A_686 = tpu.memref_slice %arg4[%scan3A_510, %get3A_684, %get3A_685] : memref<2x32x768xf32, #tpu.memory_space<vmem>> -> memref<1x32x768xf32, #tpu.memory_space<vmem>>
        %get3A_687 = tpu.memref_squeeze %get3A_686 : memref<1x32x768xf32, #tpu.memory_space<vmem>> -> memref<32x768xf32, #tpu.memory_space<vmem>>
        %get3A_688 = arith.index_cast %get3A_683 : i32 to index
        %get3A_689 = arith.index_cast %mul3A_682 : i32 to index
        %get3A_690 = tpu.vector_load %get3A_687[%get3A_688, %get3A_689] {strides = array<i32>} : memref<32x768xf32, #tpu.memory_space<vmem>>, vector<16xf32>,
        %add3A_691 = arith.addi %add3A_406, %broadcast_in_dim3A : vector<16xi32>
        tpu.vector_store_idx %arg6[%add3A_691], %get3A_690 : memref<24576xf32, #tpu.memory_space<vmem>>[vector<16xi32>], vector<16xf32>,
        %mul3A_692 = arith.constant 16 : i32
        %mul3A_693 = arith.muli %mul3A_692, %scan3A_525 : i32
        %get3A_694 = arith.constant 15 : i32
        %get3A_695 = arith.constant 0 : i32
        %get3A_696 = arith.constant 0 : i32
        %get3A_697 = tpu.memref_slice %arg4[%scan3A_510, %get3A_695, %get3A_696] : memref<2x32x768xf32, #tpu.memory_space<vmem>> -> memref<1x32x768xf32, #tpu.memory_space<vmem>>
        %get3A_698 = tpu.memref_squeeze %get3A_697 : memref<1x32x768xf32, #tpu.memory_space<vmem>> -> memref<32x768xf32, #tpu.memory_space<vmem>>
        %get3A_699 = arith.index_cast %get3A_694 : i32 to index
        %get3A_700 = arith.index_cast %mul3A_693 : i32 to index
        %get3A_701 = tpu.vector_load %get3A_698[%get3A_699, %get3A_700] {strides = array<i32>} : memref<32x768xf32, #tpu.memory_space<vmem>>, vector<16xf32>,
        %add3A_702 = arith.addi %add3A_412, %broadcast_in_dim3A : vector<16xi32>
        tpu.vector_store_idx %arg6[%add3A_702], %get3A_701 : memref<24576xf32, #tpu.memory_space<vmem>>[vector<16xi32>], vector<16xf32>,
        %mul3A_703 = arith.constant 16 : i32
        %mul3A_704 = arith.muli %mul3A_703, %scan3A_525 : i32
        %get3A_705 = arith.constant 16 : i32
        %get3A_706 = arith.constant 0 : i32
        %get3A_707 = arith.constant 0 : i32
        %get3A_708 = tpu.memref_slice %arg4[%scan3A_510, %get3A_706, %get3A_707] : memref<2x32x768xf32, #tpu.memory_space<vmem>> -> memref<1x32x768xf32, #tpu.memory_space<vmem>>
        %get3A_709 = tpu.memref_squeeze %get3A_708 : memref<1x32x768xf32, #tpu.memory_space<vmem>> -> memref<32x768xf32, #tpu.memory_space<vmem>>
        %get3A_710 = arith.index_cast %get3A_705 : i32 to index
        %get3A_711 = arith.index_cast %mul3A_704 : i32 to index
        %get3A_712 = tpu.vector_load %get3A_709[%get3A_710, %get3A_711] {strides = array<i32>} : memref<32x768xf32, #tpu.memory_space<vmem>>, vector<16xf32>,
        %add3A_713 = arith.addi %add3A_418, %broadcast_in_dim3A : vector<16xi32>
        tpu.vector_store_idx %arg6[%add3A_713], %get3A_712 : memref<24576xf32, #tpu.memory_space<vmem>>[vector<16xi32>], vector<16xf32>,
        %mul3A_714 = arith.constant 16 : i32
        %mul3A_715 = arith.muli %mul3A_714, %scan3A_525 : i32
        %get3A_716 = arith.constant 17 : i32
        %get3A_717 = arith.constant 0 : i32
        %get3A_718 = arith.constant 0 : i32
        %get3A_719 = tpu.memref_slice %arg4[%scan3A_510, %get3A_717, %get3A_718] : memref<2x32x768xf32, #tpu.memory_space<vmem>> -> memref<1x32x768xf32, #tpu.memory_space<vmem>>
        %get3A_720 = tpu.memref_squeeze %get3A_719 : memref<1x32x768xf32, #tpu.memory_space<vmem>> -> memref<32x768xf32, #tpu.memory_space<vmem>>
        %get3A_721 = arith.index_cast %get3A_716 : i32 to index
        %get3A_722 = arith.index_cast %mul3A_715 : i32 to index
        %get3A_723 = tpu.vector_load %get3A_720[%get3A_721, %get3A_722] {strides = array<i32>} : memref<32x768xf32, #tpu.memory_space<vmem>>, vector<16xf32>,
        %add3A_724 = arith.addi %add3A_424, %broadcast_in_dim3A : vector<16xi32>
        tpu.vector_store_idx %arg6[%add3A_724], %get3A_723 : memref<24576xf32, #tpu.memory_space<vmem>>[vector<16xi32>], vector<16xf32>,
        %mul3A_725 = arith.constant 16 : i32
        %mul3A_726 = arith.muli %mul3A_725, %scan3A_525 : i32
        %get3A_727 = arith.constant 18 : i32
        %get3A_728 = arith.constant 0 : i32
        %get3A_729 = arith.constant 0 : i32
        %get3A_730 = tpu.memref_slice %arg4[%scan3A_510, %get3A_728, %get3A_729] : memref<2x32x768xf32, #tpu.memory_space<vmem>> -> memref<1x32x768xf32, #tpu.memory_space<vmem>>
        %get3A_731 = tpu.memref_squeeze %get3A_730 : memref<1x32x768xf32, #tpu.memory_space<vmem>> -> memref<32x768xf32, #tpu.memory_space<vmem>>
        %get3A_732 = arith.index_cast %get3A_727 : i32 to index
        %get3A_733 = arith.index_cast %mul3A_726 : i32 to index
        %get3A_734 = tpu.vector_load %get3A_731[%get3A_732, %get3A_733] {strides = array<i32>} : memref<32x768xf32, #tpu.memory_space<vmem>>, vector<16xf32>,
        %add3A_735 = arith.addi %add3A_430, %broadcast_in_dim3A : vector<16xi32>
        tpu.vector_store_idx %arg6[%add3A_735], %get3A_734 : memref<24576xf32, #tpu.memory_space<vmem>>[vector<16xi32>], vector<16xf32>,
        %mul3A_736 = arith.constant 16 : i32
        %mul3A_737 = arith.muli %mul3A_736, %scan3A_525 : i32
        %get3A_738 = arith.constant 19 : i32
        %get3A_739 = arith.constant 0 : i32
        %get3A_740 = arith.constant 0 : i32
        %get3A_741 = tpu.memref_slice %arg4[%scan3A_510, %get3A_739, %get3A_740] : memref<2x32x768xf32, #tpu.memory_space<vmem>> -> memref<1x32x768xf32, #tpu.memory_space<vmem>>
        %get3A_742 = tpu.memref_squeeze %get3A_741 : memref<1x32x768xf32, #tpu.memory_space<vmem>> -> memref<32x768xf32, #tpu.memory_space<vmem>>
        %get3A_743 = arith.index_cast %get3A_738 : i32 to index
        %get3A_744 = arith.index_cast %mul3A_737 : i32 to index
        %get3A_745 = tpu.vector_load %get3A_742[%get3A_743, %get3A_744] {strides = array<i32>} : memref<32x768xf32, #tpu.memory_space<vmem>>, vector<16xf32>,
        %add3A_746 = arith.addi %add3A_436, %broadcast_in_dim3A : vector<16xi32>
        tpu.vector_store_idx %arg6[%add3A_746], %get3A_745 : memref<24576xf32, #tpu.memory_space<vmem>>[vector<16xi32>], vector<16xf32>,
        %mul3A_747 = arith.constant 16 : i32
        %mul3A_748 = arith.muli %mul3A_747, %scan3A_525 : i32
        %get3A_749 = arith.constant 20 : i32
        %get3A_750 = arith.constant 0 : i32
        %get3A_751 = arith.constant 0 : i32
        %get3A_752 = tpu.memref_slice %arg4[%scan3A_510, %get3A_750, %get3A_751] : memref<2x32x768xf32, #tpu.memory_space<vmem>> -> memref<1x32x768xf32, #tpu.memory_space<vmem>>
        %get3A_753 = tpu.memref_squeeze %get3A_752 : memref<1x32x768xf32, #tpu.memory_space<vmem>> -> memref<32x768xf32, #tpu.memory_space<vmem>>
        %get3A_754 = arith.index_cast %get3A_749 : i32 to index
        %get3A_755 = arith.index_cast %mul3A_748 : i32 to index
        %get3A_756 = tpu.vector_load %get3A_753[%get3A_754, %get3A_755] {strides = array<i32>} : memref<32x768xf32, #tpu.memory_space<vmem>>, vector<16xf32>,
        %add3A_757 = arith.addi %add3A_442, %broadcast_in_dim3A : vector<16xi32>
        tpu.vector_store_idx %arg6[%add3A_757], %get3A_756 : memref<24576xf32, #tpu.memory_space<vmem>>[vector<16xi32>], vector<16xf32>,
        %mul3A_758 = arith.constant 16 : i32
        %mul3A_759 = arith.muli %mul3A_758, %scan3A_525 : i32
        %get3A_760 = arith.constant 21 : i32
        %get3A_761 = arith.constant 0 : i32
        %get3A_762 = arith.constant 0 : i32
        %get3A_763 = tpu.memref_slice %arg4[%scan3A_510, %get3A_761, %get3A_762] : memref<2x32x768xf32, #tpu.memory_space<vmem>> -> memref<1x32x768xf32, #tpu.memory_space<vmem>>
        %get3A_764 = tpu.memref_squeeze %get3A_763 : memref<1x32x768xf32, #tpu.memory_space<vmem>> -> memref<32x768xf32, #tpu.memory_space<vmem>>
        %get3A_765 = arith.index_cast %get3A_760 : i32 to index
        %get3A_766 = arith.index_cast %mul3A_759 : i32 to index
        %get3A_767 = tpu.vector_load %get3A_764[%get3A_765, %get3A_766] {strides = array<i32>} : memref<32x768xf32, #tpu.memory_space<vmem>>, vector<16xf32>,
        %add3A_768 = arith.addi %add3A_448, %broadcast_in_dim3A : vector<16xi32>
        tpu.vector_store_idx %arg6[%add3A_768], %get3A_767 : memref<24576xf32, #tpu.memory_space<vmem>>[vector<16xi32>], vector<16xf32>,
        %mul3A_769 = arith.constant 16 : i32
        %mul3A_770 = arith.muli %mul3A_769, %scan3A_525 : i32
        %get3A_771 = arith.constant 22 : i32
        %get3A_772 = arith.constant 0 : i32
        %get3A_773 = arith.constant 0 : i32
        %get3A_774 = tpu.memref_slice %arg4[%scan3A_510, %get3A_772, %get3A_773] : memref<2x32x768xf32, #tpu.memory_space<vmem>> -> memref<1x32x768xf32, #tpu.memory_space<vmem>>
        %get3A_775 = tpu.memref_squeeze %get3A_774 : memref<1x32x768xf32, #tpu.memory_space<vmem>> -> memref<32x768xf32, #tpu.memory_space<vmem>>
        %get3A_776 = arith.index_cast %get3A_771 : i32 to index
        %get3A_777 = arith.index_cast %mul3A_770 : i32 to index
        %get3A_778 = tpu.vector_load %get3A_775[%get3A_776, %get3A_777] {strides = array<i32>} : memref<32x768xf32, #tpu.memory_space<vmem>>, vector<16xf32>,
        %add3A_779 = arith.addi %add3A_454, %broadcast_in_dim3A : vector<16xi32>
        tpu.vector_store_idx %arg6[%add3A_779], %get3A_778 : memref<24576xf32, #tpu.memory_space<vmem>>[vector<16xi32>], vector<16xf32>,
        %mul3A_780 = arith.constant 16 : i32
        %mul3A_781 = arith.muli %mul3A_780, %scan3A_525 : i32
        %get3A_782 = arith.constant 23 : i32
        %get3A_783 = arith.constant 0 : i32
        %get3A_784 = arith.constant 0 : i32
        %get3A_785 = tpu.memref_slice %arg4[%scan3A_510, %get3A_783, %get3A_784] : memref<2x32x768xf32, #tpu.memory_space<vmem>> -> memref<1x32x768xf32, #tpu.memory_space<vmem>>
        %get3A_786 = tpu.memref_squeeze %get3A_785 : memref<1x32x768xf32, #tpu.memory_space<vmem>> -> memref<32x768xf32, #tpu.memory_space<vmem>>
        %get3A_787 = arith.index_cast %get3A_782 : i32 to index
        %get3A_788 = arith.index_cast %mul3A_781 : i32 to index
        %get3A_789 = tpu.vector_load %get3A_786[%get3A_787, %get3A_788] {strides = array<i32>} : memref<32x768xf32, #tpu.memory_space<vmem>>, vector<16xf32>,
        %add3A_790 = arith.addi %add3A_460, %broadcast_in_dim3A : vector<16xi32>
        tpu.vector_store_idx %arg6[%add3A_790], %get3A_789 : memref<24576xf32, #tpu.memory_space<vmem>>[vector<16xi32>], vector<16xf32>,
        %mul3A_791 = arith.constant 16 : i32
        %mul3A_792 = arith.muli %mul3A_791, %scan3A_525 : i32
        %get3A_793 = arith.constant 24 : i32
        %get3A_794 = arith.constant 0 : i32
        %get3A_795 = arith.constant 0 : i32
        %get3A_796 = tpu.memref_slice %arg4[%scan3A_510, %get3A_794, %get3A_795] : memref<2x32x768xf32, #tpu.memory_space<vmem>> -> memref<1x32x768xf32, #tpu.memory_space<vmem>>
        %get3A_797 = tpu.memref_squeeze %get3A_796 : memref<1x32x768xf32, #tpu.memory_space<vmem>> -> memref<32x768xf32, #tpu.memory_space<vmem>>
        %get3A_798 = arith.index_cast %get3A_793 : i32 to index
        %get3A_799 = arith.index_cast %mul3A_792 : i32 to index
        %get3A_800 = tpu.vector_load %get3A_797[%get3A_798, %get3A_799] {strides = array<i32>} : memref<32x768xf32, #tpu.memory_space<vmem>>, vector<16xf32>,
        %add3A_801 = arith.addi %add3A_466, %broadcast_in_dim3A : vector<16xi32>
        tpu.vector_store_idx %arg6[%add3A_801], %get3A_800 : memref<24576xf32, #tpu.memory_space<vmem>>[vector<16xi32>], vector<16xf32>,
        %mul3A_802 = arith.constant 16 : i32
        %mul3A_803 = arith.muli %mul3A_802, %scan3A_525 : i32
        %get3A_804 = arith.constant 25 : i32
        %get3A_805 = arith.constant 0 : i32
        %get3A_806 = arith.constant 0 : i32
        %get3A_807 = tpu.memref_slice %arg4[%scan3A_510, %get3A_805, %get3A_806] : memref<2x32x768xf32, #tpu.memory_space<vmem>> -> memref<1x32x768xf32, #tpu.memory_space<vmem>>
        %get3A_808 = tpu.memref_squeeze %get3A_807 : memref<1x32x768xf32, #tpu.memory_space<vmem>> -> memref<32x768xf32, #tpu.memory_space<vmem>>
        %get3A_809 = arith.index_cast %get3A_804 : i32 to index
        %get3A_810 = arith.index_cast %mul3A_803 : i32 to index
        %get3A_811 = tpu.vector_load %get3A_808[%get3A_809, %get3A_810] {strides = array<i32>} : memref<32x768xf32, #tpu.memory_space<vmem>>, vector<16xf32>,
        %add3A_812 = arith.addi %add3A_472, %broadcast_in_dim3A : vector<16xi32>
        tpu.vector_store_idx %arg6[%add3A_812], %get3A_811 : memref<24576xf32, #tpu.memory_space<vmem>>[vector<16xi32>], vector<16xf32>,
        %mul3A_813 = arith.constant 16 : i32
        %mul3A_814 = arith.muli %mul3A_813, %scan3A_525 : i32
        %get3A_815 = arith.constant 26 : i32
        %get3A_816 = arith.constant 0 : i32
        %get3A_817 = arith.constant 0 : i32
        %get3A_818 = tpu.memref_slice %arg4[%scan3A_510, %get3A_816, %get3A_817] : memref<2x32x768xf32, #tpu.memory_space<vmem>> -> memref<1x32x768xf32, #tpu.memory_space<vmem>>
        %get3A_819 = tpu.memref_squeeze %get3A_818 : memref<1x32x768xf32, #tpu.memory_space<vmem>> -> memref<32x768xf32, #tpu.memory_space<vmem>>
        %get3A_820 = arith.index_cast %get3A_815 : i32 to index
        %get3A_821 = arith.index_cast %mul3A_814 : i32 to index
        %get3A_822 = tpu.vector_load %get3A_819[%get3A_820, %get3A_821] {strides = array<i32>} : memref<32x768xf32, #tpu.memory_space<vmem>>, vector<16xf32>,
        %add3A_823 = arith.addi %add3A_478, %broadcast_in_dim3A : vector<16xi32>
        tpu.vector_store_idx %arg6[%add3A_823], %get3A_822 : memref<24576xf32, #tpu.memory_space<vmem>>[vector<16xi32>], vector<16xf32>,
        %mul3A_824 = arith.constant 16 : i32
        %mul3A_825 = arith.muli %mul3A_824, %scan3A_525 : i32
        %get3A_826 = arith.constant 27 : i32
        %get3A_827 = arith.constant 0 : i32
        %get3A_828 = arith.constant 0 : i32
        %get3A_829 = tpu.memref_slice %arg4[%scan3A_510, %get3A_827, %get3A_828] : memref<2x32x768xf32, #tpu.memory_space<vmem>> -> memref<1x32x768xf32, #tpu.memory_space<vmem>>
        %get3A_830 = tpu.memref_squeeze %get3A_829 : memref<1x32x768xf32, #tpu.memory_space<vmem>> -> memref<32x768xf32, #tpu.memory_space<vmem>>
        %get3A_831 = arith.index_cast %get3A_826 : i32 to index
        %get3A_832 = arith.index_cast %mul3A_825 : i32 to index
        %get3A_833 = tpu.vector_load %get3A_830[%get3A_831, %get3A_832] {strides = array<i32>} : memref<32x768xf32, #tpu.memory_space<vmem>>, vector<16xf32>,
        %add3A_834 = arith.addi %add3A_484, %broadcast_in_dim3A : vector<16xi32>
        tpu.vector_store_idx %arg6[%add3A_834], %get3A_833 : memref<24576xf32, #tpu.memory_space<vmem>>[vector<16xi32>], vector<16xf32>,
        %mul3A_835 = arith.constant 16 : i32
        %mul3A_836 = arith.muli %mul3A_835, %scan3A_525 : i32
        %get3A_837 = arith.constant 28 : i32
        %get3A_838 = arith.constant 0 : i32
        %get3A_839 = arith.constant 0 : i32
        %get3A_840 = tpu.memref_slice %arg4[%scan3A_510, %get3A_838, %get3A_839] : memref<2x32x768xf32, #tpu.memory_space<vmem>> -> memref<1x32x768xf32, #tpu.memory_space<vmem>>
        %get3A_841 = tpu.memref_squeeze %get3A_840 : memref<1x32x768xf32, #tpu.memory_space<vmem>> -> memref<32x768xf32, #tpu.memory_space<vmem>>
        %get3A_842 = arith.index_cast %get3A_837 : i32 to index
        %get3A_843 = arith.index_cast %mul3A_836 : i32 to index
        %get3A_844 = tpu.vector_load %get3A_841[%get3A_842, %get3A_843] {strides = array<i32>} : memref<32x768xf32, #tpu.memory_space<vmem>>, vector<16xf32>,
        %add3A_845 = arith.addi %add3A_490, %broadcast_in_dim3A : vector<16xi32>
        tpu.vector_store_idx %arg6[%add3A_845], %get3A_844 : memref<24576xf32, #tpu.memory_space<vmem>>[vector<16xi32>], vector<16xf32>,
        %mul3A_846 = arith.constant 16 : i32
        %mul3A_847 = arith.muli %mul3A_846, %scan3A_525 : i32
        %get3A_848 = arith.constant 29 : i32
        %get3A_849 = arith.constant 0 : i32
        %get3A_850 = arith.constant 0 : i32
        %get3A_851 = tpu.memref_slice %arg4[%scan3A_510, %get3A_849, %get3A_850] : memref<2x32x768xf32, #tpu.memory_space<vmem>> -> memref<1x32x768xf32, #tpu.memory_space<vmem>>
        %get3A_852 = tpu.memref_squeeze %get3A_851 : memref<1x32x768xf32, #tpu.memory_space<vmem>> -> memref<32x768xf32, #tpu.memory_space<vmem>>
        %get3A_853 = arith.index_cast %get3A_848 : i32 to index
        %get3A_854 = arith.index_cast %mul3A_847 : i32 to index
        %get3A_855 = tpu.vector_load %get3A_852[%get3A_853, %get3A_854] {strides = array<i32>} : memref<32x768xf32, #tpu.memory_space<vmem>>, vector<16xf32>,
        %add3A_856 = arith.addi %add3A_496, %broadcast_in_dim3A : vector<16xi32>
        tpu.vector_store_idx %arg6[%add3A_856], %get3A_855 : memref<24576xf32, #tpu.memory_space<vmem>>[vector<16xi32>], vector<16xf32>,
        %mul3A_857 = arith.constant 16 : i32
        %mul3A_858 = arith.muli %mul3A_857, %scan3A_525 : i32
        %get3A_859 = arith.constant 30 : i32
        %get3A_860 = arith.constant 0 : i32
        %get3A_861 = arith.constant 0 : i32
        %get3A_862 = tpu.memref_slice %arg4[%scan3A_510, %get3A_860, %get3A_861] : memref<2x32x768xf32, #tpu.memory_space<vmem>> -> memref<1x32x768xf32, #tpu.memory_space<vmem>>
        %get3A_863 = tpu.memref_squeeze %get3A_862 : memref<1x32x768xf32, #tpu.memory_space<vmem>> -> memref<32x768xf32, #tpu.memory_space<vmem>>
        %get3A_864 = arith.index_cast %get3A_859 : i32 to index
        %get3A_865 = arith.index_cast %mul3A_858 : i32 to index
        %get3A_866 = tpu.vector_load %get3A_863[%get3A_864, %get3A_865] {strides = array<i32>} : memref<32x768xf32, #tpu.memory_space<vmem>>, vector<16xf32>,
        %add3A_867 = arith.addi %add3A_502, %broadcast_in_dim3A : vector<16xi32>
        tpu.vector_store_idx %arg6[%add3A_867], %get3A_866 : memref<24576xf32, #tpu.memory_space<vmem>>[vector<16xi32>], vector<16xf32>,
        %mul3A_868 = arith.constant 16 : i32
        %mul3A_869 = arith.muli %mul3A_868, %scan3A_525 : i32
        %get3A_870 = arith.constant 31 : i32
        %get3A_871 = arith.constant 0 : i32
        %get3A_872 = arith.constant 0 : i32
        %get3A_873 = tpu.memref_slice %arg4[%scan3A_510, %get3A_871, %get3A_872] : memref<2x32x768xf32, #tpu.memory_space<vmem>> -> memref<1x32x768xf32, #tpu.memory_space<vmem>>
        %get3A_874 = tpu.memref_squeeze %get3A_873 : memref<1x32x768xf32, #tpu.memory_space<vmem>> -> memref<32x768xf32, #tpu.memory_space<vmem>>
        %get3A_875 = arith.index_cast %get3A_870 : i32 to index
        %get3A_876 = arith.index_cast %mul3A_869 : i32 to index
        %get3A_877 = tpu.vector_load %get3A_874[%get3A_875, %get3A_876] {strides = array<i32>} : memref<32x768xf32, #tpu.memory_space<vmem>>, vector<16xf32>,
        %add3A_878 = arith.addi %add3A_508, %broadcast_in_dim3A : vector<16xi32>
        tpu.vector_store_idx %arg6[%add3A_878], %get3A_877 : memref<24576xf32, #tpu.memory_space<vmem>>[vector<16xi32>], vector<16xf32>,
      }
      %scan3A_515 = arith.constant 48 : i32
      %add3A_516 = arith.constant 1 : i32
      %add3A_517 = arith.addi %mul3A_37, %add3A_516 : i32
      %mul3A_518 = arith.constant 32 : i32
      %mul3A_519 = arith.muli %add3A_517, %mul3A_518 : i32
      %add3A_520 = arith.addi %add3A, %mul3A_519 : i32
      %mul3A_521 = arith.constant 24576 : i32
      %mul3A_522 = arith.muli %add3A_520, %mul3A_521 : i32
      %dma_start3A_523 = tpu.memref_slice %arg3[%mul3A_522] : memref<32000000xf32, #tpu.memory_space<hbm>> -> memref<24576xf32, #tpu.memory_space<hbm>>
      %dma_start3A_524 = tpu.memref_slice %arg3[%mul3A_522] : memref<32000000xf32, #tpu.memory_space<hbm>> -> memref<24576xf32, #tpu.memory_space<hbm>>
      tpu.enqueue_dma source(%arg6 : memref<24576xf32, #tpu.memory_space<vmem>>) target(%dma_start3A_524 : memref<24576xf32, #tpu.memory_space<hbm>>) target_semaphore(%arg10 : memref<!tpu.dma_semaphore, #tpu.memory_space<semaphore_mem>>)
    }
    %scan3A_21 = arith.constant 20 : i32
    %add3A_22 = arith.constant 1216 : i32
    %add3A_23 = arith.addi %add3A, %add3A_22 : i32
    %mul3A_24 = arith.constant 24576 : i32
    %mul3A_25 = arith.muli %add3A_23, %mul3A_24 : i32
    %dma_wait3A = tpu.memref_slice %arg3[%mul3A_25] : memref<32000000xf32, #tpu.memory_space<hbm>> -> memref<24576xf32, #tpu.memory_space<hbm>>
    %dma_wait3A_26 = tpu.memref_slice %arg3[%mul3A_25] : memref<32000000xf32, #tpu.memory_space<hbm>> -> memref<24576xf32, #tpu.memory_space<hbm>>
    tpu.wait_dma2 semaphore(%arg9 : memref<!tpu.dma_semaphore, #tpu.memory_space<semaphore_mem>>) src(%arg5 : memref<24576xf32, #tpu.memory_space<vmem>>) dst(%dma_wait3A_26 : memref<24576xf32, #tpu.memory_space<hbm>>)
    %add3A_27 = arith.constant 1248 : i32
    %add3A_28 = arith.addi %add3A, %add3A_27 : i32
    %mul3A_29 = arith.constant 24576 : i32
    %mul3A_30 = arith.muli %add3A_28, %mul3A_29 : i32
    %dma_wait3A_31 = tpu.memref_slice %arg3[%mul3A_30] : memref<32000000xf32, #tpu.memory_space<hbm>> -> memref<24576xf32, #tpu.memory_space<hbm>>
    %dma_wait3A_32 = tpu.memref_slice %arg3[%mul3A_30] : memref<32000000xf32, #tpu.memory_space<hbm>> -> memref<24576xf32, #tpu.memory_space<hbm>>
    tpu.wait_dma2 semaphore(%arg10 : memref<!tpu.dma_semaphore, #tpu.memory_space<semaphore_mem>>) src(%arg6 : memref<24576xf32, #tpu.memory_space<vmem>>) dst(%dma_wait3A_32 : memref<24576xf32, #tpu.memory_space<hbm>>)
    %lt3A = arith.constant 22 : i32
    %lt3A_33 = arith.cmpi slt, %add3A, %lt3A : i32
    %convert_element_type3A = arith.extui %lt3A_33 : i1 to i32
    %cond3A = arith.constant 0 : i32
    %cond3A_34 = arith.cmpi ne, %convert_element_type3A, %cond3A : i32
    scf.if %cond3A_34 {
      %add3A_35 = arith.constant 1280 : i32
      %add3A_36 = arith.addi %add3A, %add3A_35 : i32
      %mul3A_37 = arith.constant 768 : i32
      %mul3A_38 = arith.muli %add3A_36, %mul3A_37 : i32
      %dma_start3A_39 = arith.constant 0 : i32
      %dma_start3A_40 = arith.constant 0 : i32
      %dma_start3A_41 = arith.constant 0 : i32
      %dma_start3A_42 = tpu.memref_slice %arg4[%dma_start3A_39, %dma_start3A_40, %dma_start3A_41] : memref<2x32x768xf32, #tpu.memory_space<vmem>> -> memref<1x32x768xf32, #tpu.memory_space<vmem>>
      %dma_start3A_43 = tpu.memref_squeeze %dma_start3A_42 : memref<1x32x768xf32, #tpu.memory_space<vmem>> -> memref<32x768xf32, #tpu.memory_space<vmem>>
      %dma_start3A_44 = arith.constant 0 : i32
      %dma_start3A_45 = tpu.memref_slice %arg2[%dma_start3A_44, %mul3A_38] : memref<32x1000000xf32, #tpu.memory_space<hbm>> -> memref<32x768xf32, #tpu.memory_space<hbm>>
      %dma_start3A_46 = arith.constant 0 : i32
      %dma_start3A_47 = arith.constant 0 : i32
      %dma_start3A_48 = tpu.memref_slice %arg4[%dma_start3A_39, %dma_start3A_46, %dma_start3A_47] : memref<2x32x768xf32, #tpu.memory_space<vmem>> -> memref<1x32x768xf32, #tpu.memory_space<vmem>>
      %dma_start3A_49 = tpu.memref_squeeze %dma_start3A_48 : memref<1x32x768xf32, #tpu.memory_space<vmem>> -> memref<32x768xf32, #tpu.memory_space<vmem>>
      %dma_start3A_50 = arith.constant 0 : i32
      %dma_start3A_51 = tpu.memref_slice %arg2[%dma_start3A_50, %mul3A_38] : memref<32x1000000xf32, #tpu.memory_space<hbm>> -> memref<32x768xf32, #tpu.memory_space<hbm>>
      tpu.enqueue_dma source(%dma_start3A_51 : memref<32x768xf32, #tpu.memory_space<hbm>>) target(%dma_start3A_49 : memref<32x768xf32, #tpu.memory_space<vmem>>) target_semaphore(%arg7 : memref<!tpu.dma_semaphore, #tpu.memory_space<semaphore_mem>>)
      %add3A_52 = arith.constant 1280 : i32
      %add3A_53 = arith.addi %add3A, %add3A_52 : i32
      %mul3A_54 = arith.constant 768 : i32
      %mul3A_55 = arith.muli %add3A_53, %mul3A_54 : i32
      %dma_wait3A_56 = arith.constant 0 : i32
      %dma_wait3A_57 = arith.constant 0 : i32
      %dma_wait3A_58 = arith.constant 0 : i32
      %dma_wait3A_59 = tpu.memref_slice %arg4[%dma_wait3A_56, %dma_wait3A_57, %dma_wait3A_58] : memref<2x32x768xf32, #tpu.memory_space<vmem>> -> memref<1x32x768xf32, #tpu.memory_space<vmem>>
      %dma_wait3A_60 = tpu.memref_squeeze %dma_wait3A_59 : memref<1x32x768xf32, #tpu.memory_space<vmem>> -> memref<32x768xf32, #tpu.memory_space<vmem>>
      %dma_wait3A_61 = arith.constant 0 : i32
      %dma_wait3A_62 = tpu.memref_slice %arg2[%dma_wait3A_61, %mul3A_55] : memref<32x1000000xf32, #tpu.memory_space<hbm>> -> memref<32x768xf32, #tpu.memory_space<hbm>>
      %dma_wait3A_63 = arith.constant 0 : i32
      %dma_wait3A_64 = arith.constant 0 : i32
      %dma_wait3A_65 = tpu.memref_slice %arg4[%dma_wait3A_56, %dma_wait3A_63, %dma_wait3A_64] : memref<2x32x768xf32, #tpu.memory_space<vmem>> -> memref<1x32x768xf32, #tpu.memory_space<vmem>>
      %dma_wait3A_66 = tpu.memref_squeeze %dma_wait3A_65 : memref<1x32x768xf32, #tpu.memory_space<vmem>> -> memref<32x768xf32, #tpu.memory_space<vmem>>
      %dma_wait3A_67 = arith.constant 0 : i32
      %dma_wait3A_68 = tpu.memref_slice %arg2[%dma_wait3A_67, %mul3A_55] : memref<32x1000000xf32, #tpu.memory_space<hbm>> -> memref<32x768xf32, #tpu.memory_space<hbm>>
      tpu.wait_dma2 semaphore(%arg7 : memref<!tpu.dma_semaphore, #tpu.memory_space<semaphore_mem>>) src(%dma_wait3A_68 : memref<32x768xf32, #tpu.memory_space<hbm>>) dst(%dma_wait3A_66 : memref<32x768xf32, #tpu.memory_space<vmem>>)
      %iota3A = tpu.iota {dimensions = array<i32: 0>} : vector<16xi32>
      %mul3A_69 = arith.constant 32 : i32
      %mul3A_70 = vector.broadcast %mul3A_69 : i32 to vector<16xi32>
      %mul3A_71 = arith.muli %iota3A, %mul3A_70 : vector<16xi32>
      %add3A_72 = arith.constant 0 : i32
      %add3A_73 = vector.broadcast %add3A_72 : i32 to vector<16xi32>
      %add3A_74 = arith.addi %mul3A_71, %add3A_73 : vector<16xi32>
      %mul3A_75 = arith.constant 32 : i32
      %mul3A_76 = vector.broadcast %mul3A_75 : i32 to vector<16xi32>
      %mul3A_77 = arith.muli %iota3A, %mul3A_76 : vector<16xi32>
      %add3A_78 = arith.constant 1 : i32
      %add3A_79 = vector.broadcast %add3A_78 : i32 to vector<16xi32>
      %add3A_80 = arith.addi %mul3A_77, %add3A_79 : vector<16xi32>
      %mul3A_81 = arith.constant 32 : i32
      %mul3A_82 = vector.broadcast %mul3A_81 : i32 to vector<16xi32>
      %mul3A_83 = arith.muli %iota3A, %mul3A_82 : vector<16xi32>
      %add3A_84 = arith.constant 2 : i32
      %add3A_85 = vector.broadcast %add3A_84 : i32 to vector<16xi32>
      %add3A_86 = arith.addi %mul3A_83, %add3A_85 : vector<16xi32>
      %mul3A_87 = arith.constant 32 : i32
      %mul3A_88 = vector.broadcast %mul3A_87 : i32 to vector<16xi32>
      %mul3A_89 = arith.muli %iota3A, %mul3A_88 : vector<16xi32>
      %add3A_90 = arith.constant 3 : i32
      %add3A_91 = vector.broadcast %add3A_90 : i32 to vector<16xi32>
      %add3A_92 = arith.addi %mul3A_89, %add3A_91 : vector<16xi32>
      %mul3A_93 = arith.constant 32 : i32
      %mul3A_94 = vector.broadcast %mul3A_93 : i32 to vector<16xi32>
      %mul3A_95 = arith.muli %iota3A, %mul3A_94 : vector<16xi32>
      %add3A_96 = arith.constant 4 : i32
      %add3A_97 = vector.broadcast %add3A_96 : i32 to vector<16xi32>
      %add3A_98 = arith.addi %mul3A_95, %add3A_97 : vector<16xi32>
      %mul3A_99 = arith.constant 32 : i32
      %mul3A_100 = vector.broadcast %mul3A_99 : i32 to vector<16xi32>
      %mul3A_101 = arith.muli %iota3A, %mul3A_100 : vector<16xi32>
      %add3A_102 = arith.constant 5 : i32
      %add3A_103 = vector.broadcast %add3A_102 : i32 to vector<16xi32>
      %add3A_104 = arith.addi %mul3A_101, %add3A_103 : vector<16xi32>
      %mul3A_105 = arith.constant 32 : i32
      %mul3A_106 = vector.broadcast %mul3A_105 : i32 to vector<16xi32>
      %mul3A_107 = arith.muli %iota3A, %mul3A_106 : vector<16xi32>
      %add3A_108 = arith.constant 6 : i32
      %add3A_109 = vector.broadcast %add3A_108 : i32 to vector<16xi32>
      %add3A_110 = arith.addi %mul3A_107, %add3A_109 : vector<16xi32>
      %mul3A_111 = arith.constant 32 : i32
      %mul3A_112 = vector.broadcast %mul3A_111 : i32 to vector<16xi32>
      %mul3A_113 = arith.muli %iota3A, %mul3A_112 : vector<16xi32>
      %add3A_114 = arith.constant 7 : i32
      %add3A_115 = vector.broadcast %add3A_114 : i32 to vector<16xi32>
      %add3A_116 = arith.addi %mul3A_113, %add3A_115 : vector<16xi32>
      %mul3A_117 = arith.constant 32 : i32
      %mul3A_118 = vector.broadcast %mul3A_117 : i32 to vector<16xi32>
      %mul3A_119 = arith.muli %iota3A, %mul3A_118 : vector<16xi32>
      %add3A_120 = arith.constant 8 : i32
      %add3A_121 = vector.broadcast %add3A_120 : i32 to vector<16xi32>
      %add3A_122 = arith.addi %mul3A_119, %add3A_121 : vector<16xi32>
      %mul3A_123 = arith.constant 32 : i32
      %mul3A_124 = vector.broadcast %mul3A_123 : i32 to vector<16xi32>
      %mul3A_125 = arith.muli %iota3A, %mul3A_124 : vector<16xi32>
      %add3A_126 = arith.constant 9 : i32
      %add3A_127 = vector.broadcast %add3A_126 : i32 to vector<16xi32>
      %add3A_128 = arith.addi %mul3A_125, %add3A_127 : vector<16xi32>
      %mul3A_129 = arith.constant 32 : i32
      %mul3A_130 = vector.broadcast %mul3A_129 : i32 to vector<16xi32>
      %mul3A_131 = arith.muli %iota3A, %mul3A_130 : vector<16xi32>
      %add3A_132 = arith.constant 10 : i32
      %add3A_133 = vector.broadcast %add3A_132 : i32 to vector<16xi32>
      %add3A_134 = arith.addi %mul3A_131, %add3A_133 : vector<16xi32>
      %mul3A_135 = arith.constant 32 : i32
      %mul3A_136 = vector.broadcast %mul3A_135 : i32 to vector<16xi32>
      %mul3A_137 = arith.muli %iota3A, %mul3A_136 : vector<16xi32>
      %add3A_138 = arith.constant 11 : i32
      %add3A_139 = vector.broadcast %add3A_138 : i32 to vector<16xi32>
      %add3A_140 = arith.addi %mul3A_137, %add3A_139 : vector<16xi32>
      %mul3A_141 = arith.constant 32 : i32
      %mul3A_142 = vector.broadcast %mul3A_141 : i32 to vector<16xi32>
      %mul3A_143 = arith.muli %iota3A, %mul3A_142 : vector<16xi32>
      %add3A_144 = arith.constant 12 : i32
      %add3A_145 = vector.broadcast %add3A_144 : i32 to vector<16xi32>
      %add3A_146 = arith.addi %mul3A_143, %add3A_145 : vector<16xi32>
      %mul3A_147 = arith.constant 32 : i32
      %mul3A_148 = vector.broadcast %mul3A_147 : i32 to vector<16xi32>
      %mul3A_149 = arith.muli %iota3A, %mul3A_148 : vector<16xi32>
      %add3A_150 = arith.constant 13 : i32
      %add3A_151 = vector.broadcast %add3A_150 : i32 to vector<16xi32>
      %add3A_152 = arith.addi %mul3A_149, %add3A_151 : vector<16xi32>
      %mul3A_153 = arith.constant 32 : i32
      %mul3A_154 = vector.broadcast %mul3A_153 : i32 to vector<16xi32>
      %mul3A_155 = arith.muli %iota3A, %mul3A_154 : vector<16xi32>
      %add3A_156 = arith.constant 14 : i32
      %add3A_157 = vector.broadcast %add3A_156 : i32 to vector<16xi32>
      %add3A_158 = arith.addi %mul3A_155, %add3A_157 : vector<16xi32>
      %mul3A_159 = arith.constant 32 : i32
      %mul3A_160 = vector.broadcast %mul3A_159 : i32 to vector<16xi32>
      %mul3A_161 = arith.muli %iota3A, %mul3A_160 : vector<16xi32>
      %add3A_162 = arith.constant 15 : i32
      %add3A_163 = vector.broadcast %add3A_162 : i32 to vector<16xi32>
      %add3A_164 = arith.addi %mul3A_161, %add3A_163 : vector<16xi32>
      %mul3A_165 = arith.constant 32 : i32
      %mul3A_166 = vector.broadcast %mul3A_165 : i32 to vector<16xi32>
      %mul3A_167 = arith.muli %iota3A, %mul3A_166 : vector<16xi32>
      %add3A_168 = arith.constant 16 : i32
      %add3A_169 = vector.broadcast %add3A_168 : i32 to vector<16xi32>
      %add3A_170 = arith.addi %mul3A_167, %add3A_169 : vector<16xi32>
      %mul3A_171 = arith.constant 32 : i32
      %mul3A_172 = vector.broadcast %mul3A_171 : i32 to vector<16xi32>
      %mul3A_173 = arith.muli %iota3A, %mul3A_172 : vector<16xi32>
      %add3A_174 = arith.constant 17 : i32
      %add3A_175 = vector.broadcast %add3A_174 : i32 to vector<16xi32>
      %add3A_176 = arith.addi %mul3A_173, %add3A_175 : vector<16xi32>
      %mul3A_177 = arith.constant 32 : i32
      %mul3A_178 = vector.broadcast %mul3A_177 : i32 to vector<16xi32>
      %mul3A_179 = arith.muli %iota3A, %mul3A_178 : vector<16xi32>
      %add3A_180 = arith.constant 18 : i32
      %add3A_181 = vector.broadcast %add3A_180 : i32 to vector<16xi32>
      %add3A_182 = arith.addi %mul3A_179, %add3A_181 : vector<16xi32>
      %mul3A_183 = arith.constant 32 : i32
      %mul3A_184 = vector.broadcast %mul3A_183 : i32 to vector<16xi32>
      %mul3A_185 = arith.muli %iota3A, %mul3A_184 : vector<16xi32>
      %add3A_186 = arith.constant 19 : i32
      %add3A_187 = vector.broadcast %add3A_186 : i32 to vector<16xi32>
      %add3A_188 = arith.addi %mul3A_185, %add3A_187 : vector<16xi32>
      %mul3A_189 = arith.constant 32 : i32
      %mul3A_190 = vector.broadcast %mul3A_189 : i32 to vector<16xi32>
      %mul3A_191 = arith.muli %iota3A, %mul3A_190 : vector<16xi32>
      %add3A_192 = arith.constant 20 : i32
      %add3A_193 = vector.broadcast %add3A_192 : i32 to vector<16xi32>
      %add3A_194 = arith.addi %mul3A_191, %add3A_193 : vector<16xi32>
      %mul3A_195 = arith.constant 32 : i32
      %mul3A_196 = vector.broadcast %mul3A_195 : i32 to vector<16xi32>
      %mul3A_197 = arith.muli %iota3A, %mul3A_196 : vector<16xi32>
      %add3A_198 = arith.constant 21 : i32
      %add3A_199 = vector.broadcast %add3A_198 : i32 to vector<16xi32>
      %add3A_200 = arith.addi %mul3A_197, %add3A_199 : vector<16xi32>
      %mul3A_201 = arith.constant 32 : i32
      %mul3A_202 = vector.broadcast %mul3A_201 : i32 to vector<16xi32>
      %mul3A_203 = arith.muli %iota3A, %mul3A_202 : vector<16xi32>
      %add3A_204 = arith.constant 22 : i32
      %add3A_205 = vector.broadcast %add3A_204 : i32 to vector<16xi32>
      %add3A_206 = arith.addi %mul3A_203, %add3A_205 : vector<16xi32>
      %mul3A_207 = arith.constant 32 : i32
      %mul3A_208 = vector.broadcast %mul3A_207 : i32 to vector<16xi32>
      %mul3A_209 = arith.muli %iota3A, %mul3A_208 : vector<16xi32>
      %add3A_210 = arith.constant 23 : i32
      %add3A_211 = vector.broadcast %add3A_210 : i32 to vector<16xi32>
      %add3A_212 = arith.addi %mul3A_209, %add3A_211 : vector<16xi32>
      %mul3A_213 = arith.constant 32 : i32
      %mul3A_214 = vector.broadcast %mul3A_213 : i32 to vector<16xi32>
      %mul3A_215 = arith.muli %iota3A, %mul3A_214 : vector<16xi32>
      %add3A_216 = arith.constant 24 : i32
      %add3A_217 = vector.broadcast %add3A_216 : i32 to vector<16xi32>
      %add3A_218 = arith.addi %mul3A_215, %add3A_217 : vector<16xi32>
      %mul3A_219 = arith.constant 32 : i32
      %mul3A_220 = vector.broadcast %mul3A_219 : i32 to vector<16xi32>
      %mul3A_221 = arith.muli %iota3A, %mul3A_220 : vector<16xi32>
      %add3A_222 = arith.constant 25 : i32
      %add3A_223 = vector.broadcast %add3A_222 : i32 to vector<16xi32>
      %add3A_224 = arith.addi %mul3A_221, %add3A_223 : vector<16xi32>
      %mul3A_225 = arith.constant 32 : i32
      %mul3A_226 = vector.broadcast %mul3A_225 : i32 to vector<16xi32>
      %mul3A_227 = arith.muli %iota3A, %mul3A_226 : vector<16xi32>
      %add3A_228 = arith.constant 26 : i32
      %add3A_229 = vector.broadcast %add3A_228 : i32 to vector<16xi32>
      %add3A_230 = arith.addi %mul3A_227, %add3A_229 : vector<16xi32>
      %mul3A_231 = arith.constant 32 : i32
      %mul3A_232 = vector.broadcast %mul3A_231 : i32 to vector<16xi32>
      %mul3A_233 = arith.muli %iota3A, %mul3A_232 : vector<16xi32>
      %add3A_234 = arith.constant 27 : i32
      %add3A_235 = vector.broadcast %add3A_234 : i32 to vector<16xi32>
      %add3A_236 = arith.addi %mul3A_233, %add3A_235 : vector<16xi32>
      %mul3A_237 = arith.constant 32 : i32
      %mul3A_238 = vector.broadcast %mul3A_237 : i32 to vector<16xi32>
      %mul3A_239 = arith.muli %iota3A, %mul3A_238 : vector<16xi32>
      %add3A_240 = arith.constant 28 : i32
      %add3A_241 = vector.broadcast %add3A_240 : i32 to vector<16xi32>
      %add3A_242 = arith.addi %mul3A_239, %add3A_241 : vector<16xi32>
      %mul3A_243 = arith.constant 32 : i32
      %mul3A_244 = vector.broadcast %mul3A_243 : i32 to vector<16xi32>
      %mul3A_245 = arith.muli %iota3A, %mul3A_244 : vector<16xi32>
      %add3A_246 = arith.constant 29 : i32
      %add3A_247 = vector.broadcast %add3A_246 : i32 to vector<16xi32>
      %add3A_248 = arith.addi %mul3A_245, %add3A_247 : vector<16xi32>
      %mul3A_249 = arith.constant 32 : i32
      %mul3A_250 = vector.broadcast %mul3A_249 : i32 to vector<16xi32>
      %mul3A_251 = arith.muli %iota3A, %mul3A_250 : vector<16xi32>
      %add3A_252 = arith.constant 30 : i32
      %add3A_253 = vector.broadcast %add3A_252 : i32 to vector<16xi32>
      %add3A_254 = arith.addi %mul3A_251, %add3A_253 : vector<16xi32>
      %mul3A_255 = arith.constant 32 : i32
      %mul3A_256 = vector.broadcast %mul3A_255 : i32 to vector<16xi32>
      %mul3A_257 = arith.muli %iota3A, %mul3A_256 : vector<16xi32>
      %add3A_258 = arith.constant 31 : i32
      %add3A_259 = vector.broadcast %add3A_258 : i32 to vector<16xi32>
      %add3A_260 = arith.addi %mul3A_257, %add3A_259 : vector<16xi32>
      %scan3A_261 = arith.constant 0 : i32
      %scan3A_262 = arith.constant 0 : i32
      %scan3A_263 = arith.constant 0 : i32
      %scan3A_264 = arith.constant 48 : i32
      %scan3A_265 = arith.addi %scan3A_263, %scan3A_264 : i32
      %scan3A_266 = arith.constant 1 : i32
      scf.for %scan3A_280 = %scan3A_263 to %scan3A_265 step %scan3A_266  : i32 {
        %mul3A_281 = arith.constant 512 : i32
        %mul3A_282 = arith.muli %mul3A_281, %scan3A_280 : i32
        %broadcast_in_dim3A = vector.broadcast %mul3A_282 : i32 to vector<16xi32>
        %mul3A_283 = arith.constant 16 : i32
        %mul3A_284 = arith.muli %mul3A_283, %scan3A_280 : i32
        %get3A = arith.constant 0 : i32
        %get3A_285 = arith.constant 0 : i32
        %get3A_286 = arith.constant 0 : i32
        %get3A_287 = tpu.memref_slice %arg4[%scan3A_262, %get3A_285, %get3A_286] : memref<2x32x768xf32, #tpu.memory_space<vmem>> -> memref<1x32x768xf32, #tpu.memory_space<vmem>>
        %get3A_288 = tpu.memref_squeeze %get3A_287 : memref<1x32x768xf32, #tpu.memory_space<vmem>> -> memref<32x768xf32, #tpu.memory_space<vmem>>
        %get3A_289 = arith.index_cast %get3A : i32 to index
        %get3A_290 = arith.index_cast %mul3A_284 : i32 to index
        %get3A_291 = tpu.vector_load %get3A_288[%get3A_289, %get3A_290] {strides = array<i32>} : memref<32x768xf32, #tpu.memory_space<vmem>>, vector<16xf32>,
        %add3A_292 = arith.addi %add3A_74, %broadcast_in_dim3A : vector<16xi32>
        tpu.vector_store_idx %arg5[%add3A_292], %get3A_291 : memref<24576xf32, #tpu.memory_space<vmem>>[vector<16xi32>], vector<16xf32>,
        %mul3A_293 = arith.constant 16 : i32
        %mul3A_294 = arith.muli %mul3A_293, %scan3A_280 : i32
        %get3A_295 = arith.constant 1 : i32
        %get3A_296 = arith.constant 0 : i32
        %get3A_297 = arith.constant 0 : i32
        %get3A_298 = tpu.memref_slice %arg4[%scan3A_262, %get3A_296, %get3A_297] : memref<2x32x768xf32, #tpu.memory_space<vmem>> -> memref<1x32x768xf32, #tpu.memory_space<vmem>>
        %get3A_299 = tpu.memref_squeeze %get3A_298 : memref<1x32x768xf32, #tpu.memory_space<vmem>> -> memref<32x768xf32, #tpu.memory_space<vmem>>
        %get3A_300 = arith.index_cast %get3A_295 : i32 to index
        %get3A_301 = arith.index_cast %mul3A_294 : i32 to index
        %get3A_302 = tpu.vector_load %get3A_299[%get3A_300, %get3A_301] {strides = array<i32>} : memref<32x768xf32, #tpu.memory_space<vmem>>, vector<16xf32>,
        %add3A_303 = arith.addi %add3A_80, %broadcast_in_dim3A : vector<16xi32>
        tpu.vector_store_idx %arg5[%add3A_303], %get3A_302 : memref<24576xf32, #tpu.memory_space<vmem>>[vector<16xi32>], vector<16xf32>,
        %mul3A_304 = arith.constant 16 : i32
        %mul3A_305 = arith.muli %mul3A_304, %scan3A_280 : i32
        %get3A_306 = arith.constant 2 : i32
        %get3A_307 = arith.constant 0 : i32
        %get3A_308 = arith.constant 0 : i32
        %get3A_309 = tpu.memref_slice %arg4[%scan3A_262, %get3A_307, %get3A_308] : memref<2x32x768xf32, #tpu.memory_space<vmem>> -> memref<1x32x768xf32, #tpu.memory_space<vmem>>
        %get3A_310 = tpu.memref_squeeze %get3A_309 : memref<1x32x768xf32, #tpu.memory_space<vmem>> -> memref<32x768xf32, #tpu.memory_space<vmem>>
        %get3A_311 = arith.index_cast %get3A_306 : i32 to index
        %get3A_312 = arith.index_cast %mul3A_305 : i32 to index
        %get3A_313 = tpu.vector_load %get3A_310[%get3A_311, %get3A_312] {strides = array<i32>} : memref<32x768xf32, #tpu.memory_space<vmem>>, vector<16xf32>,
        %add3A_314 = arith.addi %add3A_86, %broadcast_in_dim3A : vector<16xi32>
        tpu.vector_store_idx %arg5[%add3A_314], %get3A_313 : memref<24576xf32, #tpu.memory_space<vmem>>[vector<16xi32>], vector<16xf32>,
        %mul3A_315 = arith.constant 16 : i32
        %mul3A_316 = arith.muli %mul3A_315, %scan3A_280 : i32
        %get3A_317 = arith.constant 3 : i32
        %get3A_318 = arith.constant 0 : i32
        %get3A_319 = arith.constant 0 : i32
        %get3A_320 = tpu.memref_slice %arg4[%scan3A_262, %get3A_318, %get3A_319] : memref<2x32x768xf32, #tpu.memory_space<vmem>> -> memref<1x32x768xf32, #tpu.memory_space<vmem>>
        %get3A_321 = tpu.memref_squeeze %get3A_320 : memref<1x32x768xf32, #tpu.memory_space<vmem>> -> memref<32x768xf32, #tpu.memory_space<vmem>>
        %get3A_322 = arith.index_cast %get3A_317 : i32 to index
        %get3A_323 = arith.index_cast %mul3A_316 : i32 to index
        %get3A_324 = tpu.vector_load %get3A_321[%get3A_322, %get3A_323] {strides = array<i32>} : memref<32x768xf32, #tpu.memory_space<vmem>>, vector<16xf32>,
        %add3A_325 = arith.addi %add3A_92, %broadcast_in_dim3A : vector<16xi32>
        tpu.vector_store_idx %arg5[%add3A_325], %get3A_324 : memref<24576xf32, #tpu.memory_space<vmem>>[vector<16xi32>], vector<16xf32>,
        %mul3A_326 = arith.constant 16 : i32
        %mul3A_327 = arith.muli %mul3A_326, %scan3A_280 : i32
        %get3A_328 = arith.constant 4 : i32
        %get3A_329 = arith.constant 0 : i32
        %get3A_330 = arith.constant 0 : i32
        %get3A_331 = tpu.memref_slice %arg4[%scan3A_262, %get3A_329, %get3A_330] : memref<2x32x768xf32, #tpu.memory_space<vmem>> -> memref<1x32x768xf32, #tpu.memory_space<vmem>>
        %get3A_332 = tpu.memref_squeeze %get3A_331 : memref<1x32x768xf32, #tpu.memory_space<vmem>> -> memref<32x768xf32, #tpu.memory_space<vmem>>
        %get3A_333 = arith.index_cast %get3A_328 : i32 to index
        %get3A_334 = arith.index_cast %mul3A_327 : i32 to index
        %get3A_335 = tpu.vector_load %get3A_332[%get3A_333, %get3A_334] {strides = array<i32>} : memref<32x768xf32, #tpu.memory_space<vmem>>, vector<16xf32>,
        %add3A_336 = arith.addi %add3A_98, %broadcast_in_dim3A : vector<16xi32>
        tpu.vector_store_idx %arg5[%add3A_336], %get3A_335 : memref<24576xf32, #tpu.memory_space<vmem>>[vector<16xi32>], vector<16xf32>,
        %mul3A_337 = arith.constant 16 : i32
        %mul3A_338 = arith.muli %mul3A_337, %scan3A_280 : i32
        %get3A_339 = arith.constant 5 : i32
        %get3A_340 = arith.constant 0 : i32
        %get3A_341 = arith.constant 0 : i32
        %get3A_342 = tpu.memref_slice %arg4[%scan3A_262, %get3A_340, %get3A_341] : memref<2x32x768xf32, #tpu.memory_space<vmem>> -> memref<1x32x768xf32, #tpu.memory_space<vmem>>
        %get3A_343 = tpu.memref_squeeze %get3A_342 : memref<1x32x768xf32, #tpu.memory_space<vmem>> -> memref<32x768xf32, #tpu.memory_space<vmem>>
        %get3A_344 = arith.index_cast %get3A_339 : i32 to index
        %get3A_345 = arith.index_cast %mul3A_338 : i32 to index
        %get3A_346 = tpu.vector_load %get3A_343[%get3A_344, %get3A_345] {strides = array<i32>} : memref<32x768xf32, #tpu.memory_space<vmem>>, vector<16xf32>,
        %add3A_347 = arith.addi %add3A_104, %broadcast_in_dim3A : vector<16xi32>
        tpu.vector_store_idx %arg5[%add3A_347], %get3A_346 : memref<24576xf32, #tpu.memory_space<vmem>>[vector<16xi32>], vector<16xf32>,
        %mul3A_348 = arith.constant 16 : i32
        %mul3A_349 = arith.muli %mul3A_348, %scan3A_280 : i32
        %get3A_350 = arith.constant 6 : i32
        %get3A_351 = arith.constant 0 : i32
        %get3A_352 = arith.constant 0 : i32
        %get3A_353 = tpu.memref_slice %arg4[%scan3A_262, %get3A_351, %get3A_352] : memref<2x32x768xf32, #tpu.memory_space<vmem>> -> memref<1x32x768xf32, #tpu.memory_space<vmem>>
        %get3A_354 = tpu.memref_squeeze %get3A_353 : memref<1x32x768xf32, #tpu.memory_space<vmem>> -> memref<32x768xf32, #tpu.memory_space<vmem>>
        %get3A_355 = arith.index_cast %get3A_350 : i32 to index
        %get3A_356 = arith.index_cast %mul3A_349 : i32 to index
        %get3A_357 = tpu.vector_load %get3A_354[%get3A_355, %get3A_356] {strides = array<i32>} : memref<32x768xf32, #tpu.memory_space<vmem>>, vector<16xf32>,
        %add3A_358 = arith.addi %add3A_110, %broadcast_in_dim3A : vector<16xi32>
        tpu.vector_store_idx %arg5[%add3A_358], %get3A_357 : memref<24576xf32, #tpu.memory_space<vmem>>[vector<16xi32>], vector<16xf32>,
        %mul3A_359 = arith.constant 16 : i32
        %mul3A_360 = arith.muli %mul3A_359, %scan3A_280 : i32
        %get3A_361 = arith.constant 7 : i32
        %get3A_362 = arith.constant 0 : i32
        %get3A_363 = arith.constant 0 : i32
        %get3A_364 = tpu.memref_slice %arg4[%scan3A_262, %get3A_362, %get3A_363] : memref<2x32x768xf32, #tpu.memory_space<vmem>> -> memref<1x32x768xf32, #tpu.memory_space<vmem>>
        %get3A_365 = tpu.memref_squeeze %get3A_364 : memref<1x32x768xf32, #tpu.memory_space<vmem>> -> memref<32x768xf32, #tpu.memory_space<vmem>>
        %get3A_366 = arith.index_cast %get3A_361 : i32 to index
        %get3A_367 = arith.index_cast %mul3A_360 : i32 to index
        %get3A_368 = tpu.vector_load %get3A_365[%get3A_366, %get3A_367] {strides = array<i32>} : memref<32x768xf32, #tpu.memory_space<vmem>>, vector<16xf32>,
        %add3A_369 = arith.addi %add3A_116, %broadcast_in_dim3A : vector<16xi32>
        tpu.vector_store_idx %arg5[%add3A_369], %get3A_368 : memref<24576xf32, #tpu.memory_space<vmem>>[vector<16xi32>], vector<16xf32>,
        %mul3A_370 = arith.constant 16 : i32
        %mul3A_371 = arith.muli %mul3A_370, %scan3A_280 : i32
        %get3A_372 = arith.constant 8 : i32
        %get3A_373 = arith.constant 0 : i32
        %get3A_374 = arith.constant 0 : i32
        %get3A_375 = tpu.memref_slice %arg4[%scan3A_262, %get3A_373, %get3A_374] : memref<2x32x768xf32, #tpu.memory_space<vmem>> -> memref<1x32x768xf32, #tpu.memory_space<vmem>>
        %get3A_376 = tpu.memref_squeeze %get3A_375 : memref<1x32x768xf32, #tpu.memory_space<vmem>> -> memref<32x768xf32, #tpu.memory_space<vmem>>
        %get3A_377 = arith.index_cast %get3A_372 : i32 to index
        %get3A_378 = arith.index_cast %mul3A_371 : i32 to index
        %get3A_379 = tpu.vector_load %get3A_376[%get3A_377, %get3A_378] {strides = array<i32>} : memref<32x768xf32, #tpu.memory_space<vmem>>, vector<16xf32>,
        %add3A_380 = arith.addi %add3A_122, %broadcast_in_dim3A : vector<16xi32>
        tpu.vector_store_idx %arg5[%add3A_380], %get3A_379 : memref<24576xf32, #tpu.memory_space<vmem>>[vector<16xi32>], vector<16xf32>,
        %mul3A_381 = arith.constant 16 : i32
        %mul3A_382 = arith.muli %mul3A_381, %scan3A_280 : i32
        %get3A_383 = arith.constant 9 : i32
        %get3A_384 = arith.constant 0 : i32
        %get3A_385 = arith.constant 0 : i32
        %get3A_386 = tpu.memref_slice %arg4[%scan3A_262, %get3A_384, %get3A_385] : memref<2x32x768xf32, #tpu.memory_space<vmem>> -> memref<1x32x768xf32, #tpu.memory_space<vmem>>
        %get3A_387 = tpu.memref_squeeze %get3A_386 : memref<1x32x768xf32, #tpu.memory_space<vmem>> -> memref<32x768xf32, #tpu.memory_space<vmem>>
        %get3A_388 = arith.index_cast %get3A_383 : i32 to index
        %get3A_389 = arith.index_cast %mul3A_382 : i32 to index
        %get3A_390 = tpu.vector_load %get3A_387[%get3A_388, %get3A_389] {strides = array<i32>} : memref<32x768xf32, #tpu.memory_space<vmem>>, vector<16xf32>,
        %add3A_391 = arith.addi %add3A_128, %broadcast_in_dim3A : vector<16xi32>
        tpu.vector_store_idx %arg5[%add3A_391], %get3A_390 : memref<24576xf32, #tpu.memory_space<vmem>>[vector<16xi32>], vector<16xf32>,
        %mul3A_392 = arith.constant 16 : i32
        %mul3A_393 = arith.muli %mul3A_392, %scan3A_280 : i32
        %get3A_394 = arith.constant 10 : i32
        %get3A_395 = arith.constant 0 : i32
        %get3A_396 = arith.constant 0 : i32
        %get3A_397 = tpu.memref_slice %arg4[%scan3A_262, %get3A_395, %get3A_396] : memref<2x32x768xf32, #tpu.memory_space<vmem>> -> memref<1x32x768xf32, #tpu.memory_space<vmem>>
        %get3A_398 = tpu.memref_squeeze %get3A_397 : memref<1x32x768xf32, #tpu.memory_space<vmem>> -> memref<32x768xf32, #tpu.memory_space<vmem>>
        %get3A_399 = arith.index_cast %get3A_394 : i32 to index
        %get3A_400 = arith.index_cast %mul3A_393 : i32 to index
        %get3A_401 = tpu.vector_load %get3A_398[%get3A_399, %get3A_400] {strides = array<i32>} : memref<32x768xf32, #tpu.memory_space<vmem>>, vector<16xf32>,
        %add3A_402 = arith.addi %add3A_134, %broadcast_in_dim3A : vector<16xi32>
        tpu.vector_store_idx %arg5[%add3A_402], %get3A_401 : memref<24576xf32, #tpu.memory_space<vmem>>[vector<16xi32>], vector<16xf32>,
        %mul3A_403 = arith.constant 16 : i32
        %mul3A_404 = arith.muli %mul3A_403, %scan3A_280 : i32
        %get3A_405 = arith.constant 11 : i32
        %get3A_406 = arith.constant 0 : i32
        %get3A_407 = arith.constant 0 : i32
        %get3A_408 = tpu.memref_slice %arg4[%scan3A_262, %get3A_406, %get3A_407] : memref<2x32x768xf32, #tpu.memory_space<vmem>> -> memref<1x32x768xf32, #tpu.memory_space<vmem>>
        %get3A_409 = tpu.memref_squeeze %get3A_408 : memref<1x32x768xf32, #tpu.memory_space<vmem>> -> memref<32x768xf32, #tpu.memory_space<vmem>>
        %get3A_410 = arith.index_cast %get3A_405 : i32 to index
        %get3A_411 = arith.index_cast %mul3A_404 : i32 to index
        %get3A_412 = tpu.vector_load %get3A_409[%get3A_410, %get3A_411] {strides = array<i32>} : memref<32x768xf32, #tpu.memory_space<vmem>>, vector<16xf32>,
        %add3A_413 = arith.addi %add3A_140, %broadcast_in_dim3A : vector<16xi32>
        tpu.vector_store_idx %arg5[%add3A_413], %get3A_412 : memref<24576xf32, #tpu.memory_space<vmem>>[vector<16xi32>], vector<16xf32>,
        %mul3A_414 = arith.constant 16 : i32
        %mul3A_415 = arith.muli %mul3A_414, %scan3A_280 : i32
        %get3A_416 = arith.constant 12 : i32
        %get3A_417 = arith.constant 0 : i32
        %get3A_418 = arith.constant 0 : i32
        %get3A_419 = tpu.memref_slice %arg4[%scan3A_262, %get3A_417, %get3A_418] : memref<2x32x768xf32, #tpu.memory_space<vmem>> -> memref<1x32x768xf32, #tpu.memory_space<vmem>>
        %get3A_420 = tpu.memref_squeeze %get3A_419 : memref<1x32x768xf32, #tpu.memory_space<vmem>> -> memref<32x768xf32, #tpu.memory_space<vmem>>
        %get3A_421 = arith.index_cast %get3A_416 : i32 to index
        %get3A_422 = arith.index_cast %mul3A_415 : i32 to index
        %get3A_423 = tpu.vector_load %get3A_420[%get3A_421, %get3A_422] {strides = array<i32>} : memref<32x768xf32, #tpu.memory_space<vmem>>, vector<16xf32>,
        %add3A_424 = arith.addi %add3A_146, %broadcast_in_dim3A : vector<16xi32>
        tpu.vector_store_idx %arg5[%add3A_424], %get3A_423 : memref<24576xf32, #tpu.memory_space<vmem>>[vector<16xi32>], vector<16xf32>,
        %mul3A_425 = arith.constant 16 : i32
        %mul3A_426 = arith.muli %mul3A_425, %scan3A_280 : i32
        %get3A_427 = arith.constant 13 : i32
        %get3A_428 = arith.constant 0 : i32
        %get3A_429 = arith.constant 0 : i32
        %get3A_430 = tpu.memref_slice %arg4[%scan3A_262, %get3A_428, %get3A_429] : memref<2x32x768xf32, #tpu.memory_space<vmem>> -> memref<1x32x768xf32, #tpu.memory_space<vmem>>
        %get3A_431 = tpu.memref_squeeze %get3A_430 : memref<1x32x768xf32, #tpu.memory_space<vmem>> -> memref<32x768xf32, #tpu.memory_space<vmem>>
        %get3A_432 = arith.index_cast %get3A_427 : i32 to index
        %get3A_433 = arith.index_cast %mul3A_426 : i32 to index
        %get3A_434 = tpu.vector_load %get3A_431[%get3A_432, %get3A_433] {strides = array<i32>} : memref<32x768xf32, #tpu.memory_space<vmem>>, vector<16xf32>,
        %add3A_435 = arith.addi %add3A_152, %broadcast_in_dim3A : vector<16xi32>
        tpu.vector_store_idx %arg5[%add3A_435], %get3A_434 : memref<24576xf32, #tpu.memory_space<vmem>>[vector<16xi32>], vector<16xf32>,
        %mul3A_436 = arith.constant 16 : i32
        %mul3A_437 = arith.muli %mul3A_436, %scan3A_280 : i32
        %get3A_438 = arith.constant 14 : i32
        %get3A_439 = arith.constant 0 : i32
        %get3A_440 = arith.constant 0 : i32
        %get3A_441 = tpu.memref_slice %arg4[%scan3A_262, %get3A_439, %get3A_440] : memref<2x32x768xf32, #tpu.memory_space<vmem>> -> memref<1x32x768xf32, #tpu.memory_space<vmem>>
        %get3A_442 = tpu.memref_squeeze %get3A_441 : memref<1x32x768xf32, #tpu.memory_space<vmem>> -> memref<32x768xf32, #tpu.memory_space<vmem>>
        %get3A_443 = arith.index_cast %get3A_438 : i32 to index
        %get3A_444 = arith.index_cast %mul3A_437 : i32 to index
        %get3A_445 = tpu.vector_load %get3A_442[%get3A_443, %get3A_444] {strides = array<i32>} : memref<32x768xf32, #tpu.memory_space<vmem>>, vector<16xf32>,
        %add3A_446 = arith.addi %add3A_158, %broadcast_in_dim3A : vector<16xi32>
        tpu.vector_store_idx %arg5[%add3A_446], %get3A_445 : memref<24576xf32, #tpu.memory_space<vmem>>[vector<16xi32>], vector<16xf32>,
        %mul3A_447 = arith.constant 16 : i32
        %mul3A_448 = arith.muli %mul3A_447, %scan3A_280 : i32
        %get3A_449 = arith.constant 15 : i32
        %get3A_450 = arith.constant 0 : i32
        %get3A_451 = arith.constant 0 : i32
        %get3A_452 = tpu.memref_slice %arg4[%scan3A_262, %get3A_450, %get3A_451] : memref<2x32x768xf32, #tpu.memory_space<vmem>> -> memref<1x32x768xf32, #tpu.memory_space<vmem>>
        %get3A_453 = tpu.memref_squeeze %get3A_452 : memref<1x32x768xf32, #tpu.memory_space<vmem>> -> memref<32x768xf32, #tpu.memory_space<vmem>>
        %get3A_454 = arith.index_cast %get3A_449 : i32 to index
        %get3A_455 = arith.index_cast %mul3A_448 : i32 to index
        %get3A_456 = tpu.vector_load %get3A_453[%get3A_454, %get3A_455] {strides = array<i32>} : memref<32x768xf32, #tpu.memory_space<vmem>>, vector<16xf32>,
        %add3A_457 = arith.addi %add3A_164, %broadcast_in_dim3A : vector<16xi32>
        tpu.vector_store_idx %arg5[%add3A_457], %get3A_456 : memref<24576xf32, #tpu.memory_space<vmem>>[vector<16xi32>], vector<16xf32>,
        %mul3A_458 = arith.constant 16 : i32
        %mul3A_459 = arith.muli %mul3A_458, %scan3A_280 : i32
        %get3A_460 = arith.constant 16 : i32
        %get3A_461 = arith.constant 0 : i32
        %get3A_462 = arith.constant 0 : i32
        %get3A_463 = tpu.memref_slice %arg4[%scan3A_262, %get3A_461, %get3A_462] : memref<2x32x768xf32, #tpu.memory_space<vmem>> -> memref<1x32x768xf32, #tpu.memory_space<vmem>>
        %get3A_464 = tpu.memref_squeeze %get3A_463 : memref<1x32x768xf32, #tpu.memory_space<vmem>> -> memref<32x768xf32, #tpu.memory_space<vmem>>
        %get3A_465 = arith.index_cast %get3A_460 : i32 to index
        %get3A_466 = arith.index_cast %mul3A_459 : i32 to index
        %get3A_467 = tpu.vector_load %get3A_464[%get3A_465, %get3A_466] {strides = array<i32>} : memref<32x768xf32, #tpu.memory_space<vmem>>, vector<16xf32>,
        %add3A_468 = arith.addi %add3A_170, %broadcast_in_dim3A : vector<16xi32>
        tpu.vector_store_idx %arg5[%add3A_468], %get3A_467 : memref<24576xf32, #tpu.memory_space<vmem>>[vector<16xi32>], vector<16xf32>,
        %mul3A_469 = arith.constant 16 : i32
        %mul3A_470 = arith.muli %mul3A_469, %scan3A_280 : i32
        %get3A_471 = arith.constant 17 : i32
        %get3A_472 = arith.constant 0 : i32
        %get3A_473 = arith.constant 0 : i32
        %get3A_474 = tpu.memref_slice %arg4[%scan3A_262, %get3A_472, %get3A_473] : memref<2x32x768xf32, #tpu.memory_space<vmem>> -> memref<1x32x768xf32, #tpu.memory_space<vmem>>
        %get3A_475 = tpu.memref_squeeze %get3A_474 : memref<1x32x768xf32, #tpu.memory_space<vmem>> -> memref<32x768xf32, #tpu.memory_space<vmem>>
        %get3A_476 = arith.index_cast %get3A_471 : i32 to index
        %get3A_477 = arith.index_cast %mul3A_470 : i32 to index
        %get3A_478 = tpu.vector_load %get3A_475[%get3A_476, %get3A_477] {strides = array<i32>} : memref<32x768xf32, #tpu.memory_space<vmem>>, vector<16xf32>,
        %add3A_479 = arith.addi %add3A_176, %broadcast_in_dim3A : vector<16xi32>
        tpu.vector_store_idx %arg5[%add3A_479], %get3A_478 : memref<24576xf32, #tpu.memory_space<vmem>>[vector<16xi32>], vector<16xf32>,
        %mul3A_480 = arith.constant 16 : i32
        %mul3A_481 = arith.muli %mul3A_480, %scan3A_280 : i32
        %get3A_482 = arith.constant 18 : i32
        %get3A_483 = arith.constant 0 : i32
        %get3A_484 = arith.constant 0 : i32
        %get3A_485 = tpu.memref_slice %arg4[%scan3A_262, %get3A_483, %get3A_484] : memref<2x32x768xf32, #tpu.memory_space<vmem>> -> memref<1x32x768xf32, #tpu.memory_space<vmem>>
        %get3A_486 = tpu.memref_squeeze %get3A_485 : memref<1x32x768xf32, #tpu.memory_space<vmem>> -> memref<32x768xf32, #tpu.memory_space<vmem>>
        %get3A_487 = arith.index_cast %get3A_482 : i32 to index
        %get3A_488 = arith.index_cast %mul3A_481 : i32 to index
        %get3A_489 = tpu.vector_load %get3A_486[%get3A_487, %get3A_488] {strides = array<i32>} : memref<32x768xf32, #tpu.memory_space<vmem>>, vector<16xf32>,
        %add3A_490 = arith.addi %add3A_182, %broadcast_in_dim3A : vector<16xi32>
        tpu.vector_store_idx %arg5[%add3A_490], %get3A_489 : memref<24576xf32, #tpu.memory_space<vmem>>[vector<16xi32>], vector<16xf32>,
        %mul3A_491 = arith.constant 16 : i32
        %mul3A_492 = arith.muli %mul3A_491, %scan3A_280 : i32
        %get3A_493 = arith.constant 19 : i32
        %get3A_494 = arith.constant 0 : i32
        %get3A_495 = arith.constant 0 : i32
        %get3A_496 = tpu.memref_slice %arg4[%scan3A_262, %get3A_494, %get3A_495] : memref<2x32x768xf32, #tpu.memory_space<vmem>> -> memref<1x32x768xf32, #tpu.memory_space<vmem>>
        %get3A_497 = tpu.memref_squeeze %get3A_496 : memref<1x32x768xf32, #tpu.memory_space<vmem>> -> memref<32x768xf32, #tpu.memory_space<vmem>>
        %get3A_498 = arith.index_cast %get3A_493 : i32 to index
        %get3A_499 = arith.index_cast %mul3A_492 : i32 to index
        %get3A_500 = tpu.vector_load %get3A_497[%get3A_498, %get3A_499] {strides = array<i32>} : memref<32x768xf32, #tpu.memory_space<vmem>>, vector<16xf32>,
        %add3A_501 = arith.addi %add3A_188, %broadcast_in_dim3A : vector<16xi32>
        tpu.vector_store_idx %arg5[%add3A_501], %get3A_500 : memref<24576xf32, #tpu.memory_space<vmem>>[vector<16xi32>], vector<16xf32>,
        %mul3A_502 = arith.constant 16 : i32
        %mul3A_503 = arith.muli %mul3A_502, %scan3A_280 : i32
        %get3A_504 = arith.constant 20 : i32
        %get3A_505 = arith.constant 0 : i32
        %get3A_506 = arith.constant 0 : i32
        %get3A_507 = tpu.memref_slice %arg4[%scan3A_262, %get3A_505, %get3A_506] : memref<2x32x768xf32, #tpu.memory_space<vmem>> -> memref<1x32x768xf32, #tpu.memory_space<vmem>>
        %get3A_508 = tpu.memref_squeeze %get3A_507 : memref<1x32x768xf32, #tpu.memory_space<vmem>> -> memref<32x768xf32, #tpu.memory_space<vmem>>
        %get3A_509 = arith.index_cast %get3A_504 : i32 to index
        %get3A_510 = arith.index_cast %mul3A_503 : i32 to index
        %get3A_511 = tpu.vector_load %get3A_508[%get3A_509, %get3A_510] {strides = array<i32>} : memref<32x768xf32, #tpu.memory_space<vmem>>, vector<16xf32>,
        %add3A_512 = arith.addi %add3A_194, %broadcast_in_dim3A : vector<16xi32>
        tpu.vector_store_idx %arg5[%add3A_512], %get3A_511 : memref<24576xf32, #tpu.memory_space<vmem>>[vector<16xi32>], vector<16xf32>,
        %mul3A_513 = arith.constant 16 : i32
        %mul3A_514 = arith.muli %mul3A_513, %scan3A_280 : i32
        %get3A_515 = arith.constant 21 : i32
        %get3A_516 = arith.constant 0 : i32
        %get3A_517 = arith.constant 0 : i32
        %get3A_518 = tpu.memref_slice %arg4[%scan3A_262, %get3A_516, %get3A_517] : memref<2x32x768xf32, #tpu.memory_space<vmem>> -> memref<1x32x768xf32, #tpu.memory_space<vmem>>
        %get3A_519 = tpu.memref_squeeze %get3A_518 : memref<1x32x768xf32, #tpu.memory_space<vmem>> -> memref<32x768xf32, #tpu.memory_space<vmem>>
        %get3A_520 = arith.index_cast %get3A_515 : i32 to index
        %get3A_521 = arith.index_cast %mul3A_514 : i32 to index
        %get3A_522 = tpu.vector_load %get3A_519[%get3A_520, %get3A_521] {strides = array<i32>} : memref<32x768xf32, #tpu.memory_space<vmem>>, vector<16xf32>,
        %add3A_523 = arith.addi %add3A_200, %broadcast_in_dim3A : vector<16xi32>
        tpu.vector_store_idx %arg5[%add3A_523], %get3A_522 : memref<24576xf32, #tpu.memory_space<vmem>>[vector<16xi32>], vector<16xf32>,
        %mul3A_524 = arith.constant 16 : i32
        %mul3A_525 = arith.muli %mul3A_524, %scan3A_280 : i32
        %get3A_526 = arith.constant 22 : i32
        %get3A_527 = arith.constant 0 : i32
        %get3A_528 = arith.constant 0 : i32
        %get3A_529 = tpu.memref_slice %arg4[%scan3A_262, %get3A_527, %get3A_528] : memref<2x32x768xf32, #tpu.memory_space<vmem>> -> memref<1x32x768xf32, #tpu.memory_space<vmem>>
        %get3A_530 = tpu.memref_squeeze %get3A_529 : memref<1x32x768xf32, #tpu.memory_space<vmem>> -> memref<32x768xf32, #tpu.memory_space<vmem>>
        %get3A_531 = arith.index_cast %get3A_526 : i32 to index
        %get3A_532 = arith.index_cast %mul3A_525 : i32 to index
        %get3A_533 = tpu.vector_load %get3A_530[%get3A_531, %get3A_532] {strides = array<i32>} : memref<32x768xf32, #tpu.memory_space<vmem>>, vector<16xf32>,
        %add3A_534 = arith.addi %add3A_206, %broadcast_in_dim3A : vector<16xi32>
        tpu.vector_store_idx %arg5[%add3A_534], %get3A_533 : memref<24576xf32, #tpu.memory_space<vmem>>[vector<16xi32>], vector<16xf32>,
        %mul3A_535 = arith.constant 16 : i32
        %mul3A_536 = arith.muli %mul3A_535, %scan3A_280 : i32
        %get3A_537 = arith.constant 23 : i32
        %get3A_538 = arith.constant 0 : i32
        %get3A_539 = arith.constant 0 : i32
        %get3A_540 = tpu.memref_slice %arg4[%scan3A_262, %get3A_538, %get3A_539] : memref<2x32x768xf32, #tpu.memory_space<vmem>> -> memref<1x32x768xf32, #tpu.memory_space<vmem>>
        %get3A_541 = tpu.memref_squeeze %get3A_540 : memref<1x32x768xf32, #tpu.memory_space<vmem>> -> memref<32x768xf32, #tpu.memory_space<vmem>>
        %get3A_542 = arith.index_cast %get3A_537 : i32 to index
        %get3A_543 = arith.index_cast %mul3A_536 : i32 to index
        %get3A_544 = tpu.vector_load %get3A_541[%get3A_542, %get3A_543] {strides = array<i32>} : memref<32x768xf32, #tpu.memory_space<vmem>>, vector<16xf32>,
        %add3A_545 = arith.addi %add3A_212, %broadcast_in_dim3A : vector<16xi32>
        tpu.vector_store_idx %arg5[%add3A_545], %get3A_544 : memref<24576xf32, #tpu.memory_space<vmem>>[vector<16xi32>], vector<16xf32>,
        %mul3A_546 = arith.constant 16 : i32
        %mul3A_547 = arith.muli %mul3A_546, %scan3A_280 : i32
        %get3A_548 = arith.constant 24 : i32
        %get3A_549 = arith.constant 0 : i32
        %get3A_550 = arith.constant 0 : i32
        %get3A_551 = tpu.memref_slice %arg4[%scan3A_262, %get3A_549, %get3A_550] : memref<2x32x768xf32, #tpu.memory_space<vmem>> -> memref<1x32x768xf32, #tpu.memory_space<vmem>>
        %get3A_552 = tpu.memref_squeeze %get3A_551 : memref<1x32x768xf32, #tpu.memory_space<vmem>> -> memref<32x768xf32, #tpu.memory_space<vmem>>
        %get3A_553 = arith.index_cast %get3A_548 : i32 to index
        %get3A_554 = arith.index_cast %mul3A_547 : i32 to index
        %get3A_555 = tpu.vector_load %get3A_552[%get3A_553, %get3A_554] {strides = array<i32>} : memref<32x768xf32, #tpu.memory_space<vmem>>, vector<16xf32>,
        %add3A_556 = arith.addi %add3A_218, %broadcast_in_dim3A : vector<16xi32>
        tpu.vector_store_idx %arg5[%add3A_556], %get3A_555 : memref<24576xf32, #tpu.memory_space<vmem>>[vector<16xi32>], vector<16xf32>,
        %mul3A_557 = arith.constant 16 : i32
        %mul3A_558 = arith.muli %mul3A_557, %scan3A_280 : i32
        %get3A_559 = arith.constant 25 : i32
        %get3A_560 = arith.constant 0 : i32
        %get3A_561 = arith.constant 0 : i32
        %get3A_562 = tpu.memref_slice %arg4[%scan3A_262, %get3A_560, %get3A_561] : memref<2x32x768xf32, #tpu.memory_space<vmem>> -> memref<1x32x768xf32, #tpu.memory_space<vmem>>
        %get3A_563 = tpu.memref_squeeze %get3A_562 : memref<1x32x768xf32, #tpu.memory_space<vmem>> -> memref<32x768xf32, #tpu.memory_space<vmem>>
        %get3A_564 = arith.index_cast %get3A_559 : i32 to index
        %get3A_565 = arith.index_cast %mul3A_558 : i32 to index
        %get3A_566 = tpu.vector_load %get3A_563[%get3A_564, %get3A_565] {strides = array<i32>} : memref<32x768xf32, #tpu.memory_space<vmem>>, vector<16xf32>,
        %add3A_567 = arith.addi %add3A_224, %broadcast_in_dim3A : vector<16xi32>
        tpu.vector_store_idx %arg5[%add3A_567], %get3A_566 : memref<24576xf32, #tpu.memory_space<vmem>>[vector<16xi32>], vector<16xf32>,
        %mul3A_568 = arith.constant 16 : i32
        %mul3A_569 = arith.muli %mul3A_568, %scan3A_280 : i32
        %get3A_570 = arith.constant 26 : i32
        %get3A_571 = arith.constant 0 : i32
        %get3A_572 = arith.constant 0 : i32
        %get3A_573 = tpu.memref_slice %arg4[%scan3A_262, %get3A_571, %get3A_572] : memref<2x32x768xf32, #tpu.memory_space<vmem>> -> memref<1x32x768xf32, #tpu.memory_space<vmem>>
        %get3A_574 = tpu.memref_squeeze %get3A_573 : memref<1x32x768xf32, #tpu.memory_space<vmem>> -> memref<32x768xf32, #tpu.memory_space<vmem>>
        %get3A_575 = arith.index_cast %get3A_570 : i32 to index
        %get3A_576 = arith.index_cast %mul3A_569 : i32 to index
        %get3A_577 = tpu.vector_load %get3A_574[%get3A_575, %get3A_576] {strides = array<i32>} : memref<32x768xf32, #tpu.memory_space<vmem>>, vector<16xf32>,
        %add3A_578 = arith.addi %add3A_230, %broadcast_in_dim3A : vector<16xi32>
        tpu.vector_store_idx %arg5[%add3A_578], %get3A_577 : memref<24576xf32, #tpu.memory_space<vmem>>[vector<16xi32>], vector<16xf32>,
        %mul3A_579 = arith.constant 16 : i32
        %mul3A_580 = arith.muli %mul3A_579, %scan3A_280 : i32
        %get3A_581 = arith.constant 27 : i32
        %get3A_582 = arith.constant 0 : i32
        %get3A_583 = arith.constant 0 : i32
        %get3A_584 = tpu.memref_slice %arg4[%scan3A_262, %get3A_582, %get3A_583] : memref<2x32x768xf32, #tpu.memory_space<vmem>> -> memref<1x32x768xf32, #tpu.memory_space<vmem>>
        %get3A_585 = tpu.memref_squeeze %get3A_584 : memref<1x32x768xf32, #tpu.memory_space<vmem>> -> memref<32x768xf32, #tpu.memory_space<vmem>>
        %get3A_586 = arith.index_cast %get3A_581 : i32 to index
        %get3A_587 = arith.index_cast %mul3A_580 : i32 to index
        %get3A_588 = tpu.vector_load %get3A_585[%get3A_586, %get3A_587] {strides = array<i32>} : memref<32x768xf32, #tpu.memory_space<vmem>>, vector<16xf32>,
        %add3A_589 = arith.addi %add3A_236, %broadcast_in_dim3A : vector<16xi32>
        tpu.vector_store_idx %arg5[%add3A_589], %get3A_588 : memref<24576xf32, #tpu.memory_space<vmem>>[vector<16xi32>], vector<16xf32>,
        %mul3A_590 = arith.constant 16 : i32
        %mul3A_591 = arith.muli %mul3A_590, %scan3A_280 : i32
        %get3A_592 = arith.constant 28 : i32
        %get3A_593 = arith.constant 0 : i32
        %get3A_594 = arith.constant 0 : i32
        %get3A_595 = tpu.memref_slice %arg4[%scan3A_262, %get3A_593, %get3A_594] : memref<2x32x768xf32, #tpu.memory_space<vmem>> -> memref<1x32x768xf32, #tpu.memory_space<vmem>>
        %get3A_596 = tpu.memref_squeeze %get3A_595 : memref<1x32x768xf32, #tpu.memory_space<vmem>> -> memref<32x768xf32, #tpu.memory_space<vmem>>
        %get3A_597 = arith.index_cast %get3A_592 : i32 to index
        %get3A_598 = arith.index_cast %mul3A_591 : i32 to index
        %get3A_599 = tpu.vector_load %get3A_596[%get3A_597, %get3A_598] {strides = array<i32>} : memref<32x768xf32, #tpu.memory_space<vmem>>, vector<16xf32>,
        %add3A_600 = arith.addi %add3A_242, %broadcast_in_dim3A : vector<16xi32>
        tpu.vector_store_idx %arg5[%add3A_600], %get3A_599 : memref<24576xf32, #tpu.memory_space<vmem>>[vector<16xi32>], vector<16xf32>,
        %mul3A_601 = arith.constant 16 : i32
        %mul3A_602 = arith.muli %mul3A_601, %scan3A_280 : i32
        %get3A_603 = arith.constant 29 : i32
        %get3A_604 = arith.constant 0 : i32
        %get3A_605 = arith.constant 0 : i32
        %get3A_606 = tpu.memref_slice %arg4[%scan3A_262, %get3A_604, %get3A_605] : memref<2x32x768xf32, #tpu.memory_space<vmem>> -> memref<1x32x768xf32, #tpu.memory_space<vmem>>
        %get3A_607 = tpu.memref_squeeze %get3A_606 : memref<1x32x768xf32, #tpu.memory_space<vmem>> -> memref<32x768xf32, #tpu.memory_space<vmem>>
        %get3A_608 = arith.index_cast %get3A_603 : i32 to index
        %get3A_609 = arith.index_cast %mul3A_602 : i32 to index
        %get3A_610 = tpu.vector_load %get3A_607[%get3A_608, %get3A_609] {strides = array<i32>} : memref<32x768xf32, #tpu.memory_space<vmem>>, vector<16xf32>,
        %add3A_611 = arith.addi %add3A_248, %broadcast_in_dim3A : vector<16xi32>
        tpu.vector_store_idx %arg5[%add3A_611], %get3A_610 : memref<24576xf32, #tpu.memory_space<vmem>>[vector<16xi32>], vector<16xf32>,
        %mul3A_612 = arith.constant 16 : i32
        %mul3A_613 = arith.muli %mul3A_612, %scan3A_280 : i32
        %get3A_614 = arith.constant 30 : i32
        %get3A_615 = arith.constant 0 : i32
        %get3A_616 = arith.constant 0 : i32
        %get3A_617 = tpu.memref_slice %arg4[%scan3A_262, %get3A_615, %get3A_616] : memref<2x32x768xf32, #tpu.memory_space<vmem>> -> memref<1x32x768xf32, #tpu.memory_space<vmem>>
        %get3A_618 = tpu.memref_squeeze %get3A_617 : memref<1x32x768xf32, #tpu.memory_space<vmem>> -> memref<32x768xf32, #tpu.memory_space<vmem>>
        %get3A_619 = arith.index_cast %get3A_614 : i32 to index
        %get3A_620 = arith.index_cast %mul3A_613 : i32 to index
        %get3A_621 = tpu.vector_load %get3A_618[%get3A_619, %get3A_620] {strides = array<i32>} : memref<32x768xf32, #tpu.memory_space<vmem>>, vector<16xf32>,
        %add3A_622 = arith.addi %add3A_254, %broadcast_in_dim3A : vector<16xi32>
        tpu.vector_store_idx %arg5[%add3A_622], %get3A_621 : memref<24576xf32, #tpu.memory_space<vmem>>[vector<16xi32>], vector<16xf32>,
        %mul3A_623 = arith.constant 16 : i32
        %mul3A_624 = arith.muli %mul3A_623, %scan3A_280 : i32
        %get3A_625 = arith.constant 31 : i32
        %get3A_626 = arith.constant 0 : i32
        %get3A_627 = arith.constant 0 : i32
        %get3A_628 = tpu.memref_slice %arg4[%scan3A_262, %get3A_626, %get3A_627] : memref<2x32x768xf32, #tpu.memory_space<vmem>> -> memref<1x32x768xf32, #tpu.memory_space<vmem>>
        %get3A_629 = tpu.memref_squeeze %get3A_628 : memref<1x32x768xf32, #tpu.memory_space<vmem>> -> memref<32x768xf32, #tpu.memory_space<vmem>>
        %get3A_630 = arith.index_cast %get3A_625 : i32 to index
        %get3A_631 = arith.index_cast %mul3A_624 : i32 to index
        %get3A_632 = tpu.vector_load %get3A_629[%get3A_630, %get3A_631] {strides = array<i32>} : memref<32x768xf32, #tpu.memory_space<vmem>>, vector<16xf32>,
        %add3A_633 = arith.addi %add3A_260, %broadcast_in_dim3A : vector<16xi32>
        tpu.vector_store_idx %arg5[%add3A_633], %get3A_632 : memref<24576xf32, #tpu.memory_space<vmem>>[vector<16xi32>], vector<16xf32>,
      }
      %scan3A_267 = arith.constant 48 : i32
      %add3A_268 = arith.constant 1280 : i32
      %add3A_269 = arith.addi %add3A, %add3A_268 : i32
      %mul3A_270 = arith.constant 24576 : i32
      %mul3A_271 = arith.muli %add3A_269, %mul3A_270 : i32
      %dma_start3A_272 = tpu.memref_slice %arg3[%mul3A_271] : memref<32000000xf32, #tpu.memory_space<hbm>> -> memref<24576xf32, #tpu.memory_space<hbm>>
      %dma_start3A_273 = tpu.memref_slice %arg3[%mul3A_271] : memref<32000000xf32, #tpu.memory_space<hbm>> -> memref<24576xf32, #tpu.memory_space<hbm>>
      tpu.enqueue_dma source(%arg5 : memref<24576xf32, #tpu.memory_space<vmem>>) target(%dma_start3A_273 : memref<24576xf32, #tpu.memory_space<hbm>>) target_semaphore(%arg9 : memref<!tpu.dma_semaphore, #tpu.memory_space<semaphore_mem>>)
      %add3A_274 = arith.constant 1280 : i32
      %add3A_275 = arith.addi %add3A, %add3A_274 : i32
      %mul3A_276 = arith.constant 24576 : i32
      %mul3A_277 = arith.muli %add3A_275, %mul3A_276 : i32
      %dma_wait3A_278 = tpu.memref_slice %arg3[%mul3A_277] : memref<32000000xf32, #tpu.memory_space<hbm>> -> memref<24576xf32, #tpu.memory_space<hbm>>
      %dma_wait3A_279 = tpu.memref_slice %arg3[%mul3A_277] : memref<32000000xf32, #tpu.memory_space<hbm>> -> memref<24576xf32, #tpu.memory_space<hbm>>
      tpu.wait_dma2 semaphore(%arg9 : memref<!tpu.dma_semaphore, #tpu.memory_space<semaphore_mem>>) src(%arg5 : memref<24576xf32, #tpu.memory_space<vmem>>) dst(%dma_wait3A_279 : memref<24576xf32, #tpu.memory_space<hbm>>)
    } else {
    }
    return
  }
}

</mosaic_0001>

<sc_bundles>
// kernel: kernel.4.cloned.1.call-start
scs
__scs_entry_jumppad:
0x0: {  	(pc) =	sbr.rel $0x88, $3  }
0x1: {  	(tag) =	ssettag $0x0;
	lr =	simm.s32 $0x1  }
0x2: {  	[smem:$0x3F9F] =	sst lr;
	_ =	strace $0xD0000000  }
0x3: {  	_ = 	snop  }
0x4: {  	_ = 	snop  }
0x5: {  	_ = 	snop  }
0x6: {  	_ = 	snop  }
0x7: {  	_ = 	snop  }
__scs_overlays_trampoline_lowered:
0x8: {  	[smem:$0x3FAE] =	sst s0  }
0x9: {  	[smem:$0x3FAF] =	sst s1  }
0xa: {  	[smem:$0x3FB0] =	sst s2  }
0xb: {  	[smem:$0x3FB1] =	sst s3  }
0xc: {  	[smem:$0x3FB2] =	sst s4  }
0xd: {  	[smem:$0x3FB3] =	sst s5  }
0xe: {  	[smem:$0x3FB4] =	sst s6  }
0xf: {  	[smem:$0x3FB5] =	sst s7  }
0x10: {  	[smem:$0x3FB6] =	sst s8  }
0x11: {  	[smem:$0x3FB7] =	sst s9;
	s0 =	simm.s32 @!p0 $0x0  }
0x12: {  	s1 =	sld [smem:$0x3F9D];
	s0 =	simm.s32 @p0 $0x1  }
0x13: {  	[smem:$0x3FB8] =	sst s0;
	s0 =	simm.s32 @!p1 $0x0  }
0x14: {  	s2 =	sld [smem:$0x3F9C];
	s0 =	simm.s32 @p1 $0x1  }
0x15: {  	[smem:$0x3FB9] =	sst s0;
	s0 =	simm.s32 @!p2 $0x0  }
0x16: {  	s3 =	sld [smem:$0x3FDB];
	s0 =	simm.s32 @p2 $0x1  }
0x17: {  	s4 =	simm.s32 $0x1BF5;
	[smem:$0x3FBB] =	sst s0  }
0x18: {  	s0 =	sld [smem:$0x3F9E];
	_ =	swait.ge [sflag:s4], $0x0  }
0x19: {  	s7 =	sld [smem:$0x3F9F]  }
0x1a: {  	s8 =	sadd.s32 $0xFFFFE003, lr  }
0x1b: {  	s9 =	sadd.s32 $0xFFFFFEF7, lr;
	s5 =	simm.s32 $0xFFFFFFFF;
	p2 =	slt.u32 s8, $0xFFFFF086  }
0x1c: {  	p1 =	slt.u32 s9, $0xF7A;
	s5 =	simm.s32 @!p2 $0x0  }
0x1d: {  	s5 =	simm.s32 @p1 $0x1;
	p0 =	seq.s32 s7, s2  }
0x1e: {  	s7 =	smul.u32 @!p0 $0xF7A, s2;
	p2 =	seq.s32 @!p0 s5, $0x0  }
0x1f: {  	s9 =	smul.u32 $0xF7A, s1;
	s8 =	simm.s32 @!p0 $0x1BF5;
	p2 =	por !p2, p0  }
0x20: {  	[sflag:s8] =	ssyncset.s32 @!p0 $0xFFFFF086;
	s6 =	sadd.s32 @!p0 s3, s7;
	s7 =	simm.s32 @!p0 $0x108  }
0x21: {  	s3 =	sadd.s32 s3, s9;
	s6 =	sadd.s32 @!p0 $0x88, s6;
	s7 =	simm.s32 @p2 $0x1082  }
0x22: {  	[simem:s7], [sflag:s8] =	dma.local @!p0 [hbm:s6], $0xF7A  }
0x23: {  	s9 =	sor.u32 $0xD0000000, s2;
	s6 =	simm.s32 $0x108;
	_ =	swait.ge @!p0 [sflag:s8], $0x0  }
0x24: {  	s3 =	sadd.s32 $0x88, s3;
	s6 =	simm.s32 @!p1 $0x1082;
	[sflag:s4] =	ssyncset.s32 $0xFFFFF086  }
0x25: {  	[simem:s6], [sflag:s4] =	dma.local [hbm:s3], $0xF7A  }
0x26: {  	[smem:$0x3F9F] =	sst s1;
	(tag) =	ssettag s2;
	_ =	strace s9  }
0x27: {  	s1 =	sld [smem:$0x3FAF]  }
0x28: {  	s2 =	sld [smem:$0x3FB0]  }
0x29: {  	s4 =	sld [smem:$0x3FB2]  }
0x2a: {  	p0 =	seq.s32 s5, $0x0;
	s5 =	sld [smem:$0x3FB3]  }
0x2b: {  	s6 =	sld [smem:$0x3FB4]  }
0x2c: {  	s7 =	sld [smem:$0x3FB5]  }
0x2d: {  	s3 =	simm.s32 $0x108;
	s8 =	sld [smem:$0x3FB6]  }
0x2e: {  	s3 =	simm.s32 @!p0 $0x1082;
	s9 =	sld [smem:$0x3FB7]  }
0x2f: {  	lr =	sadd.s32 s0, s3;
	s0 =	sld [smem:$0x3FAE]  }
0x30: {  	s3 =	sld [smem:$0x3FB1]  }
0x31: {  	[smem:$0x3FBA] =	sst s10  }
0x32: {  	s10 =	sld [smem:$0x3FB8];
	_ =	sdelay $0x3  }
0x33: {  	p0 =	seq.s32 s10, $0x1;
	s10 =	sld [smem:$0x3FBA];
	_ =	sdelay $0x3  }
0x34: {  	[smem:$0x3FBA] =	sst s10  }
0x35: {  	s10 =	sld [smem:$0x3FB9];
	_ =	sdelay $0x3  }
0x36: {  	p1 =	seq.s32 s10, $0x1;
	s10 =	sld [smem:$0x3FBA];
	_ =	sdelay $0x3  }
0x37: {  	[smem:$0x3FBA] =	sst s10  }
0x38: {  	s10 =	sld [smem:$0x3FBB]  }
0x39: {  	_ = 	snop;
	(pc) =	sbr.ind lr, $3  }
0x3a: {  	_ = 	snop  }
0x3b: {  	_ = 	snop  }
0x3c: {  	p2 =	seq.s32 s10, $0x1;
	s10 =	sld [smem:$0x3FBA]  }
0x3d: {  	_ =	shalt  }
0x3e: {  	_ =	shalt  }
0x3f: {  	_ =	shalt  }
0x40: {  	_ =	shalt  }
0x41: {  	_ =	shalt  }
0x42: {  	_ =	shalt  }
0x43: {  	_ =	shalt  }
0x44: {  	_ =	shalt  }
0x45: {  	_ =	shalt  }
0x46: {  	_ =	shalt  }
0x47: {  	_ =	shalt  }
0x48: {  	_ =	shalt  }
0x49: {  	_ =	shalt  }
0x4a: {  	_ =	shalt  }
0x4b: {  	_ =	shalt  }
0x4c: {  	_ =	shalt  }
0x4d: {  	_ =	shalt  }
0x4e: {  	_ =	shalt  }
0x4f: {  	_ =	shalt  }
0x50: {  	_ =	shalt  }
0x51: {  	_ =	shalt  }
0x52: {  	_ =	shalt  }
0x53: {  	_ =	shalt  }
0x54: {  	_ =	shalt  }
0x55: {  	_ =	shalt  }
0x56: {  	_ =	shalt  }
0x57: {  	_ =	shalt  }
0x58: {  	_ =	shalt  }
0x59: {  	_ =	shalt  }
0x5a: {  	_ =	shalt  }
0x5b: {  	_ =	shalt  }
0x5c: {  	_ =	shalt  }
0x5d: {  	_ =	shalt  }
0x5e: {  	_ =	shalt  }
0x5f: {  	_ =	shalt  }
0x60: {  	_ =	shalt  }
0x61: {  	_ =	shalt  }
0x62: {  	_ =	shalt  }
0x63: {  	_ =	shalt  }
0x64: {  	_ =	shalt  }
0x65: {  	_ =	shalt  }
0x66: {  	_ =	shalt  }
0x67: {  	_ =	shalt  }
0x68: {  	_ =	shalt  }
0x69: {  	_ =	shalt  }
0x6a: {  	_ =	shalt  }
0x6b: {  	_ =	shalt  }
0x6c: {  	_ =	shalt  }
0x6d: {  	_ =	shalt  }
0x6e: {  	_ =	shalt  }
0x6f: {  	_ =	shalt  }
0x70: {  	_ =	shalt  }
0x71: {  	_ =	shalt  }
0x72: {  	_ =	shalt  }
0x73: {  	_ =	shalt  }
0x74: {  	_ =	shalt  }
0x75: {  	_ =	shalt  }
0x76: {  	_ =	shalt  }
0x77: {  	_ =	shalt  }
0x78: {  	_ =	shalt  }
0x79: {  	_ =	shalt  }
0x7a: {  	_ =	shalt  }
0x7b: {  	_ =	shalt  }
0x7c: {  	_ =	shalt  }
0x7d: {  	_ =	shalt  }
0x7e: {  	_ =	shalt  }
0x7f: {  	_ =	shalt  }
0x80: {  	_ =	shalt  }
0x81: {  	_ =	shalt  }
0x82: {  	_ =	shalt  }
0x83: {  	_ =	shalt  }
0x84: {  	_ =	shalt  }
0x85: {  	_ =	shalt  }
0x86: {  	_ =	shalt  }
0x87: {  	_ =	shalt  }
.Lfunc_end0:
.L_simem_size_0:
called_computation_lowered:
.L_overlay_start_0:
0x88: {  	s2 =	sld [smem:$0x3FD9]  }
0x89: {  	s3 =	sld [smem:$0x3FFE];
	_ =	sdelay $0x1  }
0x8a: {  	s1 =	srdreg.scid  }
0x8b: {  	s0 =	sand.u32 $0x1, s1  }
0x8c: {  	s17 =	sshll.u32 s0, $0xA;
	s2 =	sadd.s32 s3, s2  }
0x8d: {  	s2 =	sadd.s32 s2, s17  }
0x8e: {  	[smem:$0x3FC6] =	sst s2  }
0x8f: {  	_ = 	snop  }
0x90: {  	s2 =	sld [smem:$0x3FC8];
	(tm) =	ssettm $0x1  }
0x91: {  	s18 =	sld [smem:$0x3FFB];
	_ =	sdelay $0x3  }
0x92: {  	_ =	strace s18  }
0x93: {  	s3 =	sld [smem:$0x3FFC];
	_ =	sdelay $0x3  }
0x94: {  	_ =	strace s3  }
0x95: {  	s3 =	sld [smem:$0x3FFD];
	_ =	sdelay $0x3  }
0x96: {  	_ =	strace s3  }
0x97: {  	_ =	strace $0x8FFFFFFF  }
0x98: {  	s19 =	sld [smem:$0x3FDB];
	_ =	sdelay $0x1  }
0x99: {  	s4 =	simm.s32 $_scs_section_size  }
0x9a: {  	s5 =	simm.s32 $_size__tile_overlayer_lowered;
	s6 =	simm.s32 $_tile_overlayer_lowered  }
0x9b: {  	s22 =	simm.s32 $0x1BFF;
	s21 =	sshll.u32 s6, $0x1;
	s3 =	sadd.s32 s4, s19  }
0x9c: {  	s7 =	simm.s32 $0x0;
	s20 =	sshll.u32 s5, $0x1;
	s5 =	sadd.s32 s21, s3  }
0x9d: {  	[timem:s7], [sflag:s22] =	dma.local [hbm:s5], s20  }
0x9e: {  	_ =	swait.ge [sflag:s22], s20  }
0x9f: {  	s4 =	ssub.s32 $0x0, s20;
	[sflag:s22] =	ssyncset.done $0x0  }
0xa0: {  	[sflag:s22] =	ssyncadd.s32 s4;
	_ =	sdelay $0x1  }
0xa1: {  	s23 =	simm.s32 $0x1B8B  }
0xa2: {  	_ =	swait.ge [sflag:s23], $0x1  }
0xa3: {  	[sflag:s23] =	ssyncset.done $0x0  }
0xa4: {  	s25 =	simm.s32 $0x1B8E;
	s24 =	sld [smem:$0x3FFE];
	[sflag:s23] =	ssyncadd.s32 $0xFFFFFFFF  }
0xa5: {  	s26 =	simm.s32 $execute0_lowered;
	[smem:$0x3FD2] =	sst s25  }
0xa6: {  	s5 =	sshll.u32 s26, $0x1;
	_ =	strace $0x80000046;
	[dreg:$0x1] =	wrdreg $0xFFFFFFFF  }
0xa7: {  	s28 =	simm.s32 $_size_execute0_lowered;
	s3 =	sadd.s32 s3, s5;
	[dreg:$0x0] =	wrdreg $0x0  }
0xa8: {  	s5 =	sshll.u32 s28, $0x1;
	[dreg:$0x2] =	wrdreg s3  }
0xa9: {  	[dreg:$0x3] =	wrdreg s5  }
0xaa: {  	[dreg:$0x4] =	wrdreg $0xC0  }
0xab: {  	_ =	task [dreg:s7], $0x5FFFF  }
0xac: {  	[dreg:$0x1] =	wrdreg $0xFFFFFFFF  }
0xad: {  	[dreg:$0x0] =	wrdreg $0x60  }
0xae: {  	[dreg:$0x2] =	wrdreg s2  }
0xaf: {  	[dreg:$0x3] =	wrdreg s24  }
0xb0: {  	[dreg:$0x4] =	wrdreg $0x9  }
0xb1: {  	_ =	task.clear_ibuf [dreg:s7], $0x5FFFF;
	_ =	strace $0x90000046  }
0xb2: {  	s29 =	simm.s32 $0x9;
	_ =	strace $0x80000048  }
0xb3: {  	_ =	swait.ge [sflag:s29], $0x1  }
0xb4: {  	[sflag:s29] =	ssyncadd.s32 $0xFFFFFFFF  }
0xb5: {  	_ =	strace $0x90000048  }
0xb6: {  	_ =	sfence  }
0xb7: {  	s30 =	sld [smem:$0x0];
	_ =	sdelay $0x2  }
0xb8: {  	s31 =	sshll.u32 s1, $0xD;
	s1 =	sshrl.u32 s1, $0x2  }
0xb9: {  	s3 =	sand.u32 $0x4000, s31;
	s1 =	sadd.s32 s1, s30  }
0xba: {  	s0 =	sor.u32 s3, s0;
	s1 =	sshll.u32 s1, $0x11  }
0xbb: {  	s0 =	sor.u32 s1, s0  }
0xbc: {  	s0 =	sadd.s32 $0x8F2B, s0  }
0xbd: {  	[sflag:s0] =	ssyncadd.remote.s32 $0x1  }
0xbe: {  	_ =	sfence.sel $0xFFFF  }
0xbf: {  	[dreg:$0x0] =	wrdreg $0xFFFFFFFF;
	(pc) =	sbr.abs _section_cstart, $3  }
0xc0: {  	[dreg:$0x1] =	wrdreg $0xFFFFFFFF  }
0xc1: {  	_ =	task.clear_ibuf [dreg:s7], $0x2FFFF;
	_ =	strace $0x9FFFFFFF  }
0xc2: {  	(tm) =	ssettm $0x7FFFFFFF  }
0xc3: {  	_ =	shalt  }
tec
execute0_lowered:
.L_overlay_start_1:
0x0: {  	(tag) =	ssettag $0x1  }
0x1: {  	v0 =	vlaneseq.u32  }
0x2: {  	s1 =	rddreg [dreg:$0x0];
	v0 =	vmul.u32 $0x20, v0  }
0x3: {  	s2 =	srdreg.scid;
	s0 =	stileid.u32  }
0x4: {  	s5 =	rddreg [dreg:$0x1];
	s4 =	simm.s32 $0x0;
	s12 =	simm.s32 $0x7A1400;
	v1 =	vor.u32 $0x1, v0  }
0x5: {  	s13 =	simm.s32 $0x1;
	s14 =	simm.s32 $0x6000;
	s15 =	simm.s32 $0xC000;
	v2 =	vor.u32 $0x2, v0;
	v3 =	vor.u32 $0x3, v0;
	v4 =	vor.u32 $0x4, v0  }
0x6: {  	s16 =	simm.s32 $0x2;
	s17 =	simm.s32 $0x12000;
	s18 =	simm.s32 $0x3;
	v5 =	vor.u32 $0x5, v0;
	v6 =	vor.u32 $0x6, v0;
	v7 =	vor.u32 $0x7, v0  }
0x7: {  	s19 =	simm.s32 $0x4;
	s6 =	sand.u32 $0x1, s2;
	s3 =	sshll.u32 s0, $0x1;
	v8 =	vor.u32 $0x8, v0;
	v9 =	vor.u32 $0x9, v0;
	v10 =	vor.u32 $0xA, v0  }
0x8: {  	s20 =	simm.s32 $0x0;
	s2 =	rddreg [dreg:$0x2];
	s3 =	sor.u32 s6, s3;
	v11 =	vor.u32 $0xB, v0;
	v12 =	vor.u32 $0xC, v0;
	v13 =	vor.u32 $0xD, v0  }
0x9: {  	[smem:$0x7FF] =	sst s4;
	s5 =	sadd.s32 $0xA00, s5;
	s7 =	smul.u32 $0x300, s3;
	v14 =	vor.u32 $0xE, v0;
	v15 =	vor.u32 $0xF, v0;
	v16 =	vor.u32 $0x10, v0  }
.Ltmp0:
0xa: {  	s6 =	ssub.s32 $0x2, s6;
	s8 =	sor.u32 $0x500, s3;
	v17 =	vor.u32 $0x11, v0;
	v18 =	vor.u32 $0x12, v0;
	v19 =	vor.u32 $0x13, v0;
	(pc) =	sbr.rel .LBB2_1-.Ltmp0, $4  }
0xb: {  	p0 =	sgt.u32 s0, $0xA;
	s10 =	sshrl.u32 s6, $0x1;
	v20 =	vor.u32 $0x14, v0;
	v21 =	vor.u32 $0x15, v0;
	v22 =	vor.u32 $0x16, v0;
	s9 =	smul.u32 $0x300, s8  }
0xc: {  	_ =	strace $0x80000047;
	v23 =	vor.u32 $0x17, v0;
	v24 =	vor.u32 $0x18, v0;
	v25 =	vor.u32 $0x19, v0;
	s11 =	smul.u32 $0xC00, s8;
	s10 =	ssub.s32 s6, s10  }
0xd: {  	v26 =	vor.u32 $0x1A, v0;
	v27 =	vor.u32 $0x1B, v0;
	v28 =	vor.u32 $0x1C, v0;
	s6 =	sadd.s32 s1, s7;
	s7 =	sor.u32 $0x40, s3;
	s10 =	smax.u32 s10, $0x1  }
0xe: {  	v29 =	vor.u32 $0x1D, v0;
	v30 =	vor.u32 $0x1E, v0;
	v31 =	vor.u32 $0x1F, v0;
	s8 =	sadd.s32 s1, s9;
	s9 =	sadd.s32 s5, s11;
	s11 =	simm.s32 $0x1800  }
.LBB2_11:
0xf: {  	s20 =	sadd.s32 $0x1, s20  }
0x10: {  	p1 =	sne.s32 s20, s10  }
.Ltmp1:
0x11: {  	_ = 	snop;
	(pc) =	sbr.rel @!p1 .LBB2_12-.Ltmp1, $1  }
0x12: {  	_ =	sdelay $0x3  }
.LBB2_1:
0x13: {  	[tilespmem:s4], [sflag:$0x1] =	stream.strided.gather [hbm4b:s6+s11], $0x6000, s12, s11, $0x38;
	[tilespmem:$0x18000] =	vst v63  }
0x14: {  	s21 =	simm.s32 $0x0  }
.LBB2_2:
0x15: {  	s23 =	sshll.u32 s21, $0x6  }
0x16: {  	s24 =	sor.u32 s3, s23  }
0x17: {  	s22 =	sor.u32 $0x20, s24  }
0x18: {  	_ =	swait.ge [sflag:s13], $0x6000;
	s25 =	smul.u32 $0x300, s22  }
0x19: {  	[sflag:s13] =	ssyncset.done $0x0  }
0x1a: {  	p1 =	seq.s32 s21, $0x0;
	[sflag:s13] =	ssyncadd.s32 $0xFFFFA000;
	s25 =	sadd.s32 s1, s25  }
0x1b: {  	[tilespmem:s14], [sflag:$0x2] =	stream.strided.gather [hbm4b:s25+s11], $0x6000, s12, s11, $0x38;
	[tilespmem:$0x18000] =	vst v63  }
0x1c: {  	s25 =	simm.s32 @!p1 $0x3  }
0x1d: {  	s29 =	simm.s32 $0x0;
	_ =	swait.ge @!p1 [sflag:s25], $0x6000  }
0x1e: {  	s26 =	sand.u32 $0x70, s29;
	s28 =	sand.u32 $0x1C00, s29;
	[sflag:s25] =	ssyncset.done @!p1 $0x0  }
0x1f: {  	s30 =	sor.u32 s26, s28;
	[sflag:s25] =	ssyncadd.s32 @!p1 $0xFFFFA000  }
0x20: {  	v33 =	vor.u32 s29, v0;
	v32 =	vld [tilespmem:s30+$0x0];
	_ =	sdelay $0x4  }
0x21: {  	[tilespmem:v33+s15+$0x0] =	vst.idx.msk $0xffff, v32  }
0x22: {  	v62 =	vor.u32 s29, v1;
	v32 =	vld [tilespmem:s30+$0x80];
	_ =	sdelay $0x4  }
0x23: {  	[tilespmem:v62+s15+$0x0] =	vst.idx.msk $0xffff, v32  }
0x24: {  	v63 =	vor.u32 s29, v2;
	v32 =	vld [tilespmem:s30+$0x100];
	_ =	sdelay $0x4  }
0x25: {  	[tilespmem:v63+s15+$0x0] =	vst.idx.msk $0xffff, v32  }
0x26: {  	v36 =	vor.u32 s29, v3;
	v32 =	vld [tilespmem:s30+$0x180];
	_ =	sdelay $0x4  }
0x27: {  	[tilespmem:v36+s15+$0x0] =	vst.idx.msk $0xffff, v32  }
0x28: {  	v37 =	vor.u32 s29, v4;
	v32 =	vld [tilespmem:s30+$0x200];
	_ =	sdelay $0x4  }
0x29: {  	[tilespmem:v37+s15+$0x0] =	vst.idx.msk $0xffff, v32  }
0x2a: {  	v38 =	vor.u32 s29, v5;
	v32 =	vld [tilespmem:s30+$0x280];
	_ =	sdelay $0x4  }
0x2b: {  	[tilespmem:v38+s15+$0x0] =	vst.idx.msk $0xffff, v32  }
0x2c: {  	v39 =	vor.u32 s29, v6;
	v32 =	vld [tilespmem:s30+$0x300];
	_ =	sdelay $0x3  }
0x2d: {  	s26 =	sor.u32 s29, s29  }
0x2e: {  	s25 =	sor.u32 $0x380, s26;
	[tilespmem:v39+s15+$0x0] =	vst.idx.msk $0xffff, v32  }
0x2f: {  	v40 =	vor.u32 s29, v7;
	v32 =	vld [tilespmem:s25+$0x0];
	_ =	sdelay $0x4  }
0x30: {  	[tilespmem:v40+s15+$0x0] =	vst.idx.msk $0xffff, v32  }
0x31: {  	v41 =	vor.u32 s29, v8;
	v32 =	vld [tilespmem:s30+$0x1800];
	_ =	sdelay $0x4  }
0x32: {  	[tilespmem:v41+s15+$0x0] =	vst.idx.msk $0xffff, v32  }
0x33: {  	v42 =	vor.u32 s29, v9;
	v32 =	vld [tilespmem:s30+$0x1880];
	_ =	sdelay $0x4  }
0x34: {  	[tilespmem:v42+s15+$0x0] =	vst.idx.msk $0xffff, v32  }
0x35: {  	v43 =	vor.u32 s29, v10;
	v32 =	vld [tilespmem:s30+$0x1900];
	_ =	sdelay $0x4  }
0x36: {  	[tilespmem:v43+s15+$0x0] =	vst.idx.msk $0xffff, v32  }
0x37: {  	v44 =	vor.u32 s29, v11;
	v32 =	vld [tilespmem:s30+$0x1980];
	_ =	sdelay $0x4  }
0x38: {  	[tilespmem:v44+s15+$0x0] =	vst.idx.msk $0xffff, v32  }
0x39: {  	v45 =	vor.u32 s29, v12;
	v32 =	vld [tilespmem:s30+$0x1A00];
	_ =	sdelay $0x4  }
0x3a: {  	[tilespmem:v45+s15+$0x0] =	vst.idx.msk $0xffff, v32  }
0x3b: {  	v46 =	vor.u32 s29, v13;
	v32 =	vld [tilespmem:s30+$0x1A80];
	_ =	sdelay $0x4  }
0x3c: {  	[tilespmem:v46+s15+$0x0] =	vst.idx.msk $0xffff, v32  }
0x3d: {  	v47 =	vor.u32 s29, v14;
	v32 =	vld [tilespmem:s30+$0x1B00];
	_ =	sdelay $0x4  }
0x3e: {  	[tilespmem:v47+s15+$0x0] =	vst.idx.msk $0xffff, v32  }
0x3f: {  	v48 =	vor.u32 s29, v15;
	v32 =	vld [tilespmem:s30+$0x1B80];
	_ =	sdelay $0x4  }
0x40: {  	[tilespmem:v48+s15+$0x0] =	vst.idx.msk $0xffff, v32  }
0x41: {  	v49 =	vor.u32 s29, v16;
	v32 =	vld [tilespmem:s30+$0x3000];
	_ =	sdelay $0x4  }
0x42: {  	[tilespmem:v49+s15+$0x0] =	vst.idx.msk $0xffff, v32  }
0x43: {  	v50 =	vor.u32 s29, v17;
	v32 =	vld [tilespmem:s30+$0x3080];
	_ =	sdelay $0x4  }
0x44: {  	[tilespmem:v50+s15+$0x0] =	vst.idx.msk $0xffff, v32  }
0x45: {  	v51 =	vor.u32 s29, v18;
	v32 =	vld [tilespmem:s30+$0x3100];
	_ =	sdelay $0x4  }
0x46: {  	[tilespmem:v51+s15+$0x0] =	vst.idx.msk $0xffff, v32  }
0x47: {  	v52 =	vor.u32 s29, v19;
	v32 =	vld [tilespmem:s30+$0x3180];
	_ =	sdelay $0x4  }
0x48: {  	[tilespmem:v52+s15+$0x0] =	vst.idx.msk $0xffff, v32  }
0x49: {  	v53 =	vor.u32 s29, v20;
	v32 =	vld [tilespmem:s30+$0x3200];
	_ =	sdelay $0x4  }
0x4a: {  	[tilespmem:v53+s15+$0x0] =	vst.idx.msk $0xffff, v32  }
0x4b: {  	v54 =	vor.u32 s29, v21;
	v32 =	vld [tilespmem:s30+$0x3280];
	_ =	sdelay $0x4  }
0x4c: {  	[tilespmem:v54+s15+$0x0] =	vst.idx.msk $0xffff, v32  }
0x4d: {  	v55 =	vor.u32 s29, v22;
	v32 =	vld [tilespmem:s30+$0x3300];
	_ =	sdelay $0x4  }
0x4e: {  	[tilespmem:v55+s15+$0x0] =	vst.idx.msk $0xffff, v32  }
0x4f: {  	v56 =	vor.u32 s29, v23;
	v32 =	vld [tilespmem:s30+$0x3380];
	_ =	sdelay $0x4  }
0x50: {  	[tilespmem:v56+s15+$0x0] =	vst.idx.msk $0xffff, v32  }
0x51: {  	v57 =	vor.u32 s29, v24;
	v32 =	vld [tilespmem:s30+$0x4800];
	_ =	sdelay $0x4  }
0x52: {  	[tilespmem:v57+s15+$0x0] =	vst.idx.msk $0xffff, v32  }
0x53: {  	v58 =	vor.u32 s29, v25;
	v32 =	vld [tilespmem:s30+$0x4880];
	_ =	sdelay $0x4  }
0x54: {  	[tilespmem:v58+s15+$0x0] =	vst.idx.msk $0xffff, v32  }
0x55: {  	v59 =	vor.u32 s29, v26;
	v32 =	vld [tilespmem:s30+$0x4900];
	_ =	sdelay $0x4  }
0x56: {  	[tilespmem:v59+s15+$0x0] =	vst.idx.msk $0xffff, v32  }
0x57: {  	v60 =	vor.u32 s29, v27;
	v32 =	vld [tilespmem:s30+$0x4980];
	_ =	sdelay $0x4  }
0x58: {  	[tilespmem:v60+s15+$0x0] =	vst.idx.msk $0xffff, v32  }
0x59: {  	v61 =	vor.u32 s29, v28;
	v32 =	vld [tilespmem:s30+$0x4A00];
	_ =	sdelay $0x4  }
0x5a: {  	[tilespmem:v61+s15+$0x0] =	vst.idx.msk $0xffff, v32  }
0x5b: {  	v62 =	vor.u32 s29, v29;
	v32 =	vld [tilespmem:s30+$0x4A80];
	_ =	sdelay $0x4  }
0x5c: {  	[tilespmem:v62+s15+$0x0] =	vst.idx.msk $0xffff, v32  }
0x5d: {  	v63 =	vor.u32 s29, v30;
	v32 =	vld [tilespmem:s30+$0x4B00];
	_ =	sdelay $0x4  }
0x5e: {  	[tilespmem:v63+s15+$0x0] =	vst.idx.msk $0xffff, v32  }
0x5f: {  	v33 =	vor.u32 s29, v31;
	v32 =	vld [tilespmem:s30+$0x4B80];
	_ =	sdelay $0x1  }
0x60: {  	s26 =	simm.s32 $0x80  }
0x61: {  	s28 =	simm.s32 $0x10;
	s31 =	sand.u32 $0x1C00, s26  }
0x62: {  	s29 =	simm.s32 $0x400;
	s25 =	simm.s32 $0x200;
	s30 =	sand.u32 $0x70, s28  }
.LBB2_3:
0x63: {  	p1 =	sne.s32 s29, $0x5E00;
	s30 =	sor.u32 s30, s31;
	[tilespmem:v33+s15+$0x0] =	vst.idx.msk $0xffff, v32  }
0x64: {  	v33 =	vor.u32 s25, v0;
	v32 =	vld [tilespmem:s30+$0x0];
	_ =	sdelay $0x4  }
0x65: {  	[tilespmem:v33+s15+$0x0] =	vst.idx.msk $0xffff, v32  }
0x66: {  	v33 =	vor.u32 s25, v1;
	v32 =	vld [tilespmem:s30+$0x80];
	_ =	sdelay $0x4  }
0x67: {  	[tilespmem:v33+s15+$0x0] =	vst.idx.msk $0xffff, v32  }
0x68: {  	v33 =	vor.u32 s25, v2;
	v32 =	vld [tilespmem:s30+$0x100];
	_ =	sdelay $0x4  }
0x69: {  	[tilespmem:v33+s15+$0x0] =	vst.idx.msk $0xffff, v32  }
0x6a: {  	v33 =	vor.u32 s25, v3;
	v32 =	vld [tilespmem:s30+$0x180];
	_ =	sdelay $0x4  }
0x6b: {  	[tilespmem:v33+s15+$0x0] =	vst.idx.msk $0xffff, v32  }
0x6c: {  	v33 =	vor.u32 s25, v4;
	v32 =	vld [tilespmem:s30+$0x200];
	_ =	sdelay $0x4  }
0x6d: {  	[tilespmem:v33+s15+$0x0] =	vst.idx.msk $0xffff, v32  }
0x6e: {  	v33 =	vor.u32 s25, v5;
	v32 =	vld [tilespmem:s30+$0x280];
	_ =	sdelay $0x4  }
0x6f: {  	[tilespmem:v33+s15+$0x0] =	vst.idx.msk $0xffff, v32  }
0x70: {  	v33 =	vor.u32 s25, v6;
	v32 =	vld [tilespmem:s30+$0x300];
	_ =	sdelay $0x3  }
0x71: {  	s31 =	sor.u32 s26, s28  }
0x72: {  	s31 =	sor.u32 $0x380, s31;
	[tilespmem:v33+s15+$0x0] =	vst.idx.msk $0xffff, v32  }
0x73: {  	v33 =	vor.u32 s25, v7;
	v32 =	vld [tilespmem:s31+$0x0];
	_ =	sdelay $0x4  }
0x74: {  	[tilespmem:v33+s15+$0x0] =	vst.idx.msk $0xffff, v32  }
0x75: {  	v33 =	vor.u32 s25, v8;
	v32 =	vld [tilespmem:s30+$0x1800];
	_ =	sdelay $0x4  }
0x76: {  	[tilespmem:v33+s15+$0x0] =	vst.idx.msk $0xffff, v32  }
0x77: {  	v33 =	vor.u32 s25, v9;
	v32 =	vld [tilespmem:s30+$0x1880];
	_ =	sdelay $0x4  }
0x78: {  	[tilespmem:v33+s15+$0x0] =	vst.idx.msk $0xffff, v32  }
0x79: {  	v33 =	vor.u32 s25, v10;
	v32 =	vld [tilespmem:s30+$0x1900];
	_ =	sdelay $0x4  }
0x7a: {  	[tilespmem:v33+s15+$0x0] =	vst.idx.msk $0xffff, v32  }
0x7b: {  	v33 =	vor.u32 s25, v11;
	v32 =	vld [tilespmem:s30+$0x1980];
	_ =	sdelay $0x4  }
0x7c: {  	[tilespmem:v33+s15+$0x0] =	vst.idx.msk $0xffff, v32  }
0x7d: {  	v33 =	vor.u32 s25, v12;
	v32 =	vld [tilespmem:s30+$0x1A00];
	_ =	sdelay $0x4  }
0x7e: {  	[tilespmem:v33+s15+$0x0] =	vst.idx.msk $0xffff, v32  }
0x7f: {  	v33 =	vor.u32 s25, v13;
	v32 =	vld [tilespmem:s30+$0x1A80];
	_ =	sdelay $0x4  }
0x80: {  	[tilespmem:v33+s15+$0x0] =	vst.idx.msk $0xffff, v32  }
0x81: {  	v33 =	vor.u32 s25, v14;
	v32 =	vld [tilespmem:s30+$0x1B00];
	_ =	sdelay $0x4  }
0x82: {  	[tilespmem:v33+s15+$0x0] =	vst.idx.msk $0xffff, v32  }
0x83: {  	v33 =	vor.u32 s25, v15;
	v32 =	vld [tilespmem:s30+$0x1B80];
	_ =	sdelay $0x4  }
0x84: {  	[tilespmem:v33+s15+$0x0] =	vst.idx.msk $0xffff, v32  }
0x85: {  	v33 =	vor.u32 s25, v16;
	v32 =	vld [tilespmem:s30+$0x3000];
	_ =	sdelay $0x4  }
0x86: {  	[tilespmem:v33+s15+$0x0] =	vst.idx.msk $0xffff, v32  }
0x87: {  	v33 =	vor.u32 s25, v17;
	v32 =	vld [tilespmem:s30+$0x3080];
	_ =	sdelay $0x4  }
0x88: {  	[tilespmem:v33+s15+$0x0] =	vst.idx.msk $0xffff, v32  }
0x89: {  	v33 =	vor.u32 s25, v18;
	v32 =	vld [tilespmem:s30+$0x3100];
	_ =	sdelay $0x4  }
0x8a: {  	[tilespmem:v33+s15+$0x0] =	vst.idx.msk $0xffff, v32  }
0x8b: {  	v33 =	vor.u32 s25, v19;
	v32 =	vld [tilespmem:s30+$0x3180];
	_ =	sdelay $0x4  }
0x8c: {  	[tilespmem:v33+s15+$0x0] =	vst.idx.msk $0xffff, v32  }
0x8d: {  	v33 =	vor.u32 s25, v20;
	v32 =	vld [tilespmem:s30+$0x3200];
	_ =	sdelay $0x4  }
0x8e: {  	[tilespmem:v33+s15+$0x0] =	vst.idx.msk $0xffff, v32  }
0x8f: {  	v33 =	vor.u32 s25, v21;
	v32 =	vld [tilespmem:s30+$0x3280];
	_ =	sdelay $0x4  }
0x90: {  	[tilespmem:v33+s15+$0x0] =	vst.idx.msk $0xffff, v32  }
0x91: {  	v33 =	vor.u32 s25, v22;
	v32 =	vld [tilespmem:s30+$0x3300];
	_ =	sdelay $0x4  }
0x92: {  	[tilespmem:v33+s15+$0x0] =	vst.idx.msk $0xffff, v32  }
0x93: {  	v33 =	vor.u32 s25, v23;
	v32 =	vld [tilespmem:s30+$0x3380];
	_ =	sdelay $0x4  }
0x94: {  	[tilespmem:v33+s15+$0x0] =	vst.idx.msk $0xffff, v32  }
0x95: {  	v33 =	vor.u32 s25, v24;
	v32 =	vld [tilespmem:s30+$0x4800];
	_ =	sdelay $0x4  }
0x96: {  	[tilespmem:v33+s15+$0x0] =	vst.idx.msk $0xffff, v32  }
0x97: {  	v33 =	vor.u32 s25, v25;
	v32 =	vld [tilespmem:s30+$0x4880];
	_ =	sdelay $0x4  }
0x98: {  	[tilespmem:v33+s15+$0x0] =	vst.idx.msk $0xffff, v32  }
0x99: {  	v33 =	vor.u32 s25, v26;
	v32 =	vld [tilespmem:s30+$0x4900];
	_ =	sdelay $0x4  }
0x9a: {  	[tilespmem:v33+s15+$0x0] =	vst.idx.msk $0xffff, v32  }
0x9b: {  	v33 =	vor.u32 s25, v27;
	v32 =	vld [tilespmem:s30+$0x4980];
	_ =	sdelay $0x4  }
0x9c: {  	[tilespmem:v33+s15+$0x0] =	vst.idx.msk $0xffff, v32  }
0x9d: {  	v33 =	vor.u32 s25, v28;
	v32 =	vld [tilespmem:s30+$0x4A00];
	_ =	sdelay $0x4  }
0x9e: {  	[tilespmem:v33+s15+$0x0] =	vst.idx.msk $0xffff, v32  }
0x9f: {  	v33 =	vor.u32 s25, v29;
	v32 =	vld [tilespmem:s30+$0x4A80];
	_ =	sdelay $0x4  }
0xa0: {  	[tilespmem:v33+s15+$0x0] =	vst.idx.msk $0xffff, v32  }
0xa1: {  	v33 =	vor.u32 s25, v30;
	v32 =	vld [tilespmem:s30+$0x4B00];
	_ =	sdelay $0x4  }
0xa2: {  	[tilespmem:v33+s15+$0x0] =	vst.idx.msk $0xffff, v32  }
.Ltmp2:
0xa3: {  	v33 =	vor.u32 s25, v31;
	s25 =	smov.u32 s29;
	v32 =	vld [tilespmem:s30+$0x4B80];
	(pc) =	sbr.rel @p1 .LBB2_3-.Ltmp2, $3  }
0xa4: {  	_ =	sdelay $0x1  }
0xa5: {  	s26 =	sadd.s32 $0x80, s26;
	s28 =	sadd.s32 $0x10, s28  }
0xa6: {  	s31 =	sand.u32 $0x1C00, s26;
	s29 =	sadd.s32 $0x200, s29;
	s30 =	sand.u32 $0x70, s28  }
0xa7: {  	_ =	sdelay $0x3  }
0xa8: {  	s29 =	sor.u32 s30, s31;
	[tilespmem:v33+s15+$0x0] =	vst.idx.msk $0xffff, v32  }
0xa9: {  	v56 =	vor.u32 s25, v0;
	v32 =	vld [tilespmem:s29+$0x0];
	_ =	sdelay $0x4  }
0xaa: {  	[tilespmem:v56+s15+$0x0] =	vst.idx.msk $0xffff, v32  }
0xab: {  	v57 =	vor.u32 s25, v1;
	v32 =	vld [tilespmem:s29+$0x80];
	_ =	sdelay $0x4  }
0xac: {  	[tilespmem:v57+s15+$0x0] =	vst.idx.msk $0xffff, v32  }
0xad: {  	v58 =	vor.u32 s25, v2;
	v32 =	vld [tilespmem:s29+$0x100];
	_ =	sdelay $0x4  }
0xae: {  	[tilespmem:v58+s15+$0x0] =	vst.idx.msk $0xffff, v32  }
0xaf: {  	v59 =	vor.u32 s25, v3;
	v32 =	vld [tilespmem:s29+$0x180];
	_ =	sdelay $0x4  }
0xb0: {  	[tilespmem:v59+s15+$0x0] =	vst.idx.msk $0xffff, v32  }
0xb1: {  	v60 =	vor.u32 s25, v4;
	v32 =	vld [tilespmem:s29+$0x200];
	_ =	sdelay $0x4  }
0xb2: {  	[tilespmem:v60+s15+$0x0] =	vst.idx.msk $0xffff, v32  }
0xb3: {  	v61 =	vor.u32 s25, v5;
	v32 =	vld [tilespmem:s29+$0x280];
	_ =	sdelay $0x4  }
0xb4: {  	[tilespmem:v61+s15+$0x0] =	vst.idx.msk $0xffff, v32  }
0xb5: {  	v62 =	vor.u32 s25, v6;
	v32 =	vld [tilespmem:s29+$0x300];
	_ =	sdelay $0x3  }
0xb6: {  	s26 =	sor.u32 s26, s28  }
0xb7: {  	s26 =	sor.u32 $0x380, s26;
	[tilespmem:v62+s15+$0x0] =	vst.idx.msk $0xffff, v32  }
0xb8: {  	v63 =	vor.u32 s25, v7;
	v32 =	vld [tilespmem:s26+$0x0];
	_ =	sdelay $0x4  }
0xb9: {  	[tilespmem:v63+s15+$0x0] =	vst.idx.msk $0xffff, v32  }
0xba: {  	v36 =	vor.u32 s25, v8;
	v32 =	vld [tilespmem:s29+$0x1800];
	_ =	sdelay $0x4  }
0xbb: {  	[tilespmem:v36+s15+$0x0] =	vst.idx.msk $0xffff, v32  }
0xbc: {  	v37 =	vor.u32 s25, v9;
	v32 =	vld [tilespmem:s29+$0x1880];
	_ =	sdelay $0x4  }
0xbd: {  	[tilespmem:v37+s15+$0x0] =	vst.idx.msk $0xffff, v32  }
0xbe: {  	v38 =	vor.u32 s25, v10;
	v32 =	vld [tilespmem:s29+$0x1900];
	_ =	sdelay $0x4  }
0xbf: {  	[tilespmem:v38+s15+$0x0] =	vst.idx.msk $0xffff, v32  }
0xc0: {  	v39 =	vor.u32 s25, v11;
	v32 =	vld [tilespmem:s29+$0x1980];
	_ =	sdelay $0x4  }
0xc1: {  	[tilespmem:v39+s15+$0x0] =	vst.idx.msk $0xffff, v32  }
0xc2: {  	v40 =	vor.u32 s25, v12;
	v32 =	vld [tilespmem:s29+$0x1A00];
	_ =	sdelay $0x4  }
0xc3: {  	[tilespmem:v40+s15+$0x0] =	vst.idx.msk $0xffff, v32  }
0xc4: {  	v41 =	vor.u32 s25, v13;
	v32 =	vld [tilespmem:s29+$0x1A80];
	_ =	sdelay $0x4  }
0xc5: {  	[tilespmem:v41+s15+$0x0] =	vst.idx.msk $0xffff, v32  }
0xc6: {  	v42 =	vor.u32 s25, v14;
	v32 =	vld [tilespmem:s29+$0x1B00];
	_ =	sdelay $0x4  }
0xc7: {  	[tilespmem:v42+s15+$0x0] =	vst.idx.msk $0xffff, v32  }
0xc8: {  	v43 =	vor.u32 s25, v15;
	v32 =	vld [tilespmem:s29+$0x1B80];
	_ =	sdelay $0x4  }
0xc9: {  	[tilespmem:v43+s15+$0x0] =	vst.idx.msk $0xffff, v32  }
0xca: {  	v44 =	vor.u32 s25, v16;
	v32 =	vld [tilespmem:s29+$0x3000];
	_ =	sdelay $0x4  }
0xcb: {  	[tilespmem:v44+s15+$0x0] =	vst.idx.msk $0xffff, v32  }
0xcc: {  	v45 =	vor.u32 s25, v17;
	v32 =	vld [tilespmem:s29+$0x3080];
	_ =	sdelay $0x4  }
0xcd: {  	[tilespmem:v45+s15+$0x0] =	vst.idx.msk $0xffff, v32  }
0xce: {  	v46 =	vor.u32 s25, v18;
	v32 =	vld [tilespmem:s29+$0x3100];
	_ =	sdelay $0x4  }
0xcf: {  	[tilespmem:v46+s15+$0x0] =	vst.idx.msk $0xffff, v32  }
0xd0: {  	v47 =	vor.u32 s25, v19;
	v32 =	vld [tilespmem:s29+$0x3180];
	_ =	sdelay $0x4  }
0xd1: {  	[tilespmem:v47+s15+$0x0] =	vst.idx.msk $0xffff, v32  }
0xd2: {  	v48 =	vor.u32 s25, v20;
	v32 =	vld [tilespmem:s29+$0x3200];
	_ =	sdelay $0x4  }
0xd3: {  	[tilespmem:v48+s15+$0x0] =	vst.idx.msk $0xffff, v32  }
0xd4: {  	v49 =	vor.u32 s25, v21;
	v32 =	vld [tilespmem:s29+$0x3280];
	_ =	sdelay $0x4  }
0xd5: {  	[tilespmem:v49+s15+$0x0] =	vst.idx.msk $0xffff, v32  }
0xd6: {  	v50 =	vor.u32 s25, v22;
	v32 =	vld [tilespmem:s29+$0x3300];
	_ =	sdelay $0x4  }
0xd7: {  	[tilespmem:v50+s15+$0x0] =	vst.idx.msk $0xffff, v32  }
0xd8: {  	v51 =	vor.u32 s25, v23;
	v32 =	vld [tilespmem:s29+$0x3380];
	_ =	sdelay $0x4  }
0xd9: {  	[tilespmem:v51+s15+$0x0] =	vst.idx.msk $0xffff, v32  }
0xda: {  	v52 =	vor.u32 s25, v24;
	v32 =	vld [tilespmem:s29+$0x4800];
	_ =	sdelay $0x4  }
0xdb: {  	[tilespmem:v52+s15+$0x0] =	vst.idx.msk $0xffff, v32  }
0xdc: {  	v53 =	vor.u32 s25, v25;
	v32 =	vld [tilespmem:s29+$0x4880];
	_ =	sdelay $0x4  }
0xdd: {  	[tilespmem:v53+s15+$0x0] =	vst.idx.msk $0xffff, v32  }
0xde: {  	v54 =	vor.u32 s25, v26;
	v32 =	vld [tilespmem:s29+$0x4900];
	_ =	sdelay $0x4  }
0xdf: {  	[tilespmem:v54+s15+$0x0] =	vst.idx.msk $0xffff, v32  }
0xe0: {  	v55 =	vor.u32 s25, v27;
	v32 =	vld [tilespmem:s29+$0x4980];
	_ =	sdelay $0x4  }
0xe1: {  	[tilespmem:v55+s15+$0x0] =	vst.idx.msk $0xffff, v32  }
0xe2: {  	v56 =	vor.u32 s25, v28;
	v32 =	vld [tilespmem:s29+$0x4A00];
	_ =	sdelay $0x4  }
0xe3: {  	[tilespmem:v56+s15+$0x0] =	vst.idx.msk $0xffff, v32  }
0xe4: {  	v57 =	vor.u32 s25, v29;
	v32 =	vld [tilespmem:s29+$0x4A80];
	_ =	sdelay $0x4  }
0xe5: {  	[tilespmem:v57+s15+$0x0] =	vst.idx.msk $0xffff, v32  }
0xe6: {  	v58 =	vor.u32 s25, v30;
	v32 =	vld [tilespmem:s29+$0x4B00];
	_ =	sdelay $0x4  }
0xe7: {  	[tilespmem:v58+s15+$0x0] =	vst.idx.msk $0xffff, v32  }
0xe8: {  	v59 =	vor.u32 s25, v31;
	v32 =	vld [tilespmem:s29+$0x4B80];
	_ =	sdelay $0x2  }
0xe9: {  	s24 =	smul.u32 $0xC00, s24;
	p1 =	seq.s32 s21, $0x13  }
0xea: {  	s23 =	sadd.s32 @!p1 s7, s23  }
0xeb: {  	s24 =	sadd.s32 s5, s24;
	s23 =	smul.u32 @!p1 $0x300, s23;
	[tilespmem:v59+s15+$0x0] =	vst.idx.msk $0xffff, v32  }
0xec: {  	[hbm4b:s24+s4] =	stream.linear.scatter [tilespmem:s15], [sflag:$0x3], $0x6000, $0x38;
	[tilespmem:$0x18000] =	vst v63  }
0xed: {  	p2 =	seq.s32 @!p1 s21, $0x0;
	_ =	swait.ge [sflag:s16], $0x6000  }
0xee: {  	s23 =	sadd.s32 @!p1 s1, s23;
	s25 =	simm.s32 @!p1 $0x7A1400;
	[sflag:s16] =	ssyncset.done $0x0  }
0xef: {  	s26 =	simm.s32 @!p1 $0x0;
	s24 =	simm.s32 @!p1 $0x1800;
	[sflag:s16] =	ssyncadd.s32 $0xFFFFA000  }
0xf0: {  	[tilespmem:s26], [sflag:$0x1] =	stream.strided.gather @!p1 [hbm4b:s23+s24], $0x6000, s25, s24, $0x38;
	[tilespmem:$0x18000] =	vst v63  }
0xf1: {  	p1 =	por p1, !p2  }
0xf2: {  	s26 =	simm.s32 $0x0;
	_ =	swait.ge @p1 [sflag:s19], $0x6000  }
0xf3: {  	s25 =	sand.u32 $0x70, s26;
	s30 =	sand.u32 $0x1C00, s26;
	[sflag:s19] =	ssyncset.done @p1 $0x0  }
0xf4: {  	s28 =	sor.u32 s25, s30;
	[sflag:s19] =	ssyncadd.s32 @p1 $0xFFFFA000  }
0xf5: {  	v61 =	vor.u32 s26, v0;
	v60 =	vld [tilespmem:s28+$0x6000];
	_ =	sdelay $0x4  }
0xf6: {  	[tilespmem:v61+s17+$0x0] =	vst.idx.msk $0xffff, v60  }
0xf7: {  	v62 =	vor.u32 s26, v1;
	v32 =	vld [tilespmem:s28+$0x6080];
	_ =	sdelay $0x4  }
0xf8: {  	[tilespmem:v62+s17+$0x0] =	vst.idx.msk $0xffff, v32  }
0xf9: {  	v63 =	vor.u32 s26, v2;
	v32 =	vld [tilespmem:s28+$0x6100];
	_ =	sdelay $0x4  }
0xfa: {  	[tilespmem:v63+s17+$0x0] =	vst.idx.msk $0xffff, v32  }
0xfb: {  	v36 =	vor.u32 s26, v3;
	v32 =	vld [tilespmem:s28+$0x6180];
	_ =	sdelay $0x4  }
0xfc: {  	[tilespmem:v36+s17+$0x0] =	vst.idx.msk $0xffff, v32  }
0xfd: {  	v37 =	vor.u32 s26, v4;
	v32 =	vld [tilespmem:s28+$0x6200];
	_ =	sdelay $0x4  }
0xfe: {  	[tilespmem:v37+s17+$0x0] =	vst.idx.msk $0xffff, v32  }
0xff: {  	v38 =	vor.u32 s26, v5;
	v32 =	vld [tilespmem:s28+$0x6280];
	_ =	sdelay $0x4  }
0x100: {  	[tilespmem:v38+s17+$0x0] =	vst.idx.msk $0xffff, v32  }
0x101: {  	v39 =	vor.u32 s26, v6;
	v32 =	vld [tilespmem:s28+$0x6300];
	_ =	sdelay $0x3  }
0x102: {  	s31 =	sor.u32 s26, s26  }
0x103: {  	s23 =	sor.u32 $0x380, s31;
	[tilespmem:v39+s17+$0x0] =	vst.idx.msk $0xffff, v32  }
0x104: {  	v40 =	vor.u32 s26, v7;
	v32 =	vld [tilespmem:s23+$0x6000];
	_ =	sdelay $0x4  }
0x105: {  	[tilespmem:v40+s17+$0x0] =	vst.idx.msk $0xffff, v32  }
0x106: {  	v41 =	vor.u32 s26, v8;
	v32 =	vld [tilespmem:s28+$0x7800];
	_ =	sdelay $0x4  }
0x107: {  	[tilespmem:v41+s17+$0x0] =	vst.idx.msk $0xffff, v32  }
0x108: {  	v42 =	vor.u32 s26, v9;
	v32 =	vld [tilespmem:s28+$0x7880];
	_ =	sdelay $0x4  }
0x109: {  	[tilespmem:v42+s17+$0x0] =	vst.idx.msk $0xffff, v32  }
0x10a: {  	v43 =	vor.u32 s26, v10;
	v32 =	vld [tilespmem:s28+$0x7900];
	_ =	sdelay $0x4  }
0x10b: {  	[tilespmem:v43+s17+$0x0] =	vst.idx.msk $0xffff, v32  }
0x10c: {  	v44 =	vor.u32 s26, v11;
	v32 =	vld [tilespmem:s28+$0x7980];
	_ =	sdelay $0x4  }
0x10d: {  	[tilespmem:v44+s17+$0x0] =	vst.idx.msk $0xffff, v32  }
0x10e: {  	v45 =	vor.u32 s26, v12;
	v32 =	vld [tilespmem:s28+$0x7A00];
	_ =	sdelay $0x4  }
0x10f: {  	[tilespmem:v45+s17+$0x0] =	vst.idx.msk $0xffff, v32  }
0x110: {  	v46 =	vor.u32 s26, v13;
	v32 =	vld [tilespmem:s28+$0x7A80];
	_ =	sdelay $0x4  }
0x111: {  	[tilespmem:v46+s17+$0x0] =	vst.idx.msk $0xffff, v32  }
0x112: {  	v47 =	vor.u32 s26, v14;
	v32 =	vld [tilespmem:s28+$0x7B00];
	_ =	sdelay $0x4  }
0x113: {  	[tilespmem:v47+s17+$0x0] =	vst.idx.msk $0xffff, v32  }
0x114: {  	v48 =	vor.u32 s26, v15;
	v32 =	vld [tilespmem:s28+$0x7B80];
	_ =	sdelay $0x4  }
0x115: {  	[tilespmem:v48+s17+$0x0] =	vst.idx.msk $0xffff, v32  }
0x116: {  	v49 =	vor.u32 s26, v16;
	v32 =	vld [tilespmem:s28+$0x9000];
	_ =	sdelay $0x4  }
0x117: {  	[tilespmem:v49+s17+$0x0] =	vst.idx.msk $0xffff, v32  }
0x118: {  	v50 =	vor.u32 s26, v17;
	v32 =	vld [tilespmem:s28+$0x9080];
	_ =	sdelay $0x4  }
0x119: {  	[tilespmem:v50+s17+$0x0] =	vst.idx.msk $0xffff, v32  }
0x11a: {  	v51 =	vor.u32 s26, v18;
	v32 =	vld [tilespmem:s28+$0x9100];
	_ =	sdelay $0x4  }
0x11b: {  	[tilespmem:v51+s17+$0x0] =	vst.idx.msk $0xffff, v32  }
0x11c: {  	v52 =	vor.u32 s26, v19;
	v32 =	vld [tilespmem:s28+$0x9180];
	_ =	sdelay $0x4  }
0x11d: {  	[tilespmem:v52+s17+$0x0] =	vst.idx.msk $0xffff, v32  }
0x11e: {  	v53 =	vor.u32 s26, v20;
	v32 =	vld [tilespmem:s28+$0x9200];
	_ =	sdelay $0x4  }
0x11f: {  	[tilespmem:v53+s17+$0x0] =	vst.idx.msk $0xffff, v32  }
0x120: {  	v54 =	vor.u32 s26, v21;
	v32 =	vld [tilespmem:s28+$0x9280];
	_ =	sdelay $0x4  }
0x121: {  	[tilespmem:v54+s17+$0x0] =	vst.idx.msk $0xffff, v32  }
0x122: {  	v55 =	vor.u32 s26, v22;
	v32 =	vld [tilespmem:s28+$0x9300];
	_ =	sdelay $0x4  }
0x123: {  	[tilespmem:v55+s17+$0x0] =	vst.idx.msk $0xffff, v32  }
0x124: {  	v56 =	vor.u32 s26, v23;
	v32 =	vld [tilespmem:s28+$0x9380];
	_ =	sdelay $0x4  }
0x125: {  	[tilespmem:v56+s17+$0x0] =	vst.idx.msk $0xffff, v32  }
0x126: {  	v57 =	vor.u32 s26, v24;
	v32 =	vld [tilespmem:s28+$0xA800];
	_ =	sdelay $0x4  }
0x127: {  	[tilespmem:v57+s17+$0x0] =	vst.idx.msk $0xffff, v32  }
0x128: {  	v58 =	vor.u32 s26, v25;
	v32 =	vld [tilespmem:s28+$0xA880];
	_ =	sdelay $0x4  }
0x129: {  	[tilespmem:v58+s17+$0x0] =	vst.idx.msk $0xffff, v32  }
0x12a: {  	v59 =	vor.u32 s26, v26;
	v32 =	vld [tilespmem:s28+$0xA900];
	_ =	sdelay $0x4  }
0x12b: {  	[tilespmem:v59+s17+$0x0] =	vst.idx.msk $0xffff, v32  }
0x12c: {  	v60 =	vor.u32 s26, v27;
	v32 =	vld [tilespmem:s28+$0xA980];
	_ =	sdelay $0x4  }
0x12d: {  	[tilespmem:v60+s17+$0x0] =	vst.idx.msk $0xffff, v32  }
0x12e: {  	v61 =	vor.u32 s26, v28;
	v32 =	vld [tilespmem:s28+$0xAA00];
	_ =	sdelay $0x4  }
0x12f: {  	[tilespmem:v61+s17+$0x0] =	vst.idx.msk $0xffff, v32  }
0x130: {  	v62 =	vor.u32 s26, v29;
	v32 =	vld [tilespmem:s28+$0xAA80];
	_ =	sdelay $0x4  }
0x131: {  	[tilespmem:v62+s17+$0x0] =	vst.idx.msk $0xffff, v32  }
0x132: {  	v63 =	vor.u32 s26, v30;
	v32 =	vld [tilespmem:s28+$0xAB00];
	_ =	sdelay $0x4  }
0x133: {  	[tilespmem:v63+s17+$0x0] =	vst.idx.msk $0xffff, v32  }
0x134: {  	v33 =	vor.u32 s26, v31;
	v32 =	vld [tilespmem:s28+$0xAB80];
	_ =	sdelay $0x1  }
0x135: {  	s24 =	simm.s32 $0x80  }
0x136: {  	s29 =	sand.u32 $0x1C00, s24;
	s25 =	simm.s32 $0x10  }
0x137: {  	s26 =	simm.s32 $0x400;
	s23 =	simm.s32 $0x200;
	s28 =	sand.u32 $0x70, s25  }
.LBB2_5:
0x138: {  	p1 =	sne.s32 s26, $0x5E00;
	s28 =	sor.u32 s28, s29;
	[tilespmem:v33+s17+$0x0] =	vst.idx.msk $0xffff, v32  }
0x139: {  	v33 =	vor.u32 s23, v0;
	v32 =	vld [tilespmem:s28+$0x6000];
	_ =	sdelay $0x4  }
0x13a: {  	[tilespmem:v33+s17+$0x0] =	vst.idx.msk $0xffff, v32  }
0x13b: {  	v33 =	vor.u32 s23, v1;
	v32 =	vld [tilespmem:s28+$0x6080];
	_ =	sdelay $0x4  }
0x13c: {  	[tilespmem:v33+s17+$0x0] =	vst.idx.msk $0xffff, v32  }
0x13d: {  	v33 =	vor.u32 s23, v2;
	v32 =	vld [tilespmem:s28+$0x6100];
	_ =	sdelay $0x4  }
0x13e: {  	[tilespmem:v33+s17+$0x0] =	vst.idx.msk $0xffff, v32  }
0x13f: {  	v33 =	vor.u32 s23, v3;
	v32 =	vld [tilespmem:s28+$0x6180];
	_ =	sdelay $0x4  }
0x140: {  	[tilespmem:v33+s17+$0x0] =	vst.idx.msk $0xffff, v32  }
0x141: {  	v33 =	vor.u32 s23, v4;
	v32 =	vld [tilespmem:s28+$0x6200];
	_ =	sdelay $0x4  }
0x142: {  	[tilespmem:v33+s17+$0x0] =	vst.idx.msk $0xffff, v32  }
0x143: {  	v33 =	vor.u32 s23, v5;
	v32 =	vld [tilespmem:s28+$0x6280];
	_ =	sdelay $0x4  }
0x144: {  	[tilespmem:v33+s17+$0x0] =	vst.idx.msk $0xffff, v32  }
0x145: {  	v33 =	vor.u32 s23, v6;
	v32 =	vld [tilespmem:s28+$0x6300];
	_ =	sdelay $0x3  }
0x146: {  	s29 =	sor.u32 s24, s25  }
0x147: {  	s29 =	sor.u32 $0x380, s29;
	[tilespmem:v33+s17+$0x0] =	vst.idx.msk $0xffff, v32  }
0x148: {  	v33 =	vor.u32 s23, v7;
	v32 =	vld [tilespmem:s29+$0x6000];
	_ =	sdelay $0x4  }
0x149: {  	[tilespmem:v33+s17+$0x0] =	vst.idx.msk $0xffff, v32  }
0x14a: {  	v33 =	vor.u32 s23, v8;
	v32 =	vld [tilespmem:s28+$0x7800];
	_ =	sdelay $0x4  }
0x14b: {  	[tilespmem:v33+s17+$0x0] =	vst.idx.msk $0xffff, v32  }
0x14c: {  	v33 =	vor.u32 s23, v9;
	v32 =	vld [tilespmem:s28+$0x7880];
	_ =	sdelay $0x4  }
0x14d: {  	[tilespmem:v33+s17+$0x0] =	vst.idx.msk $0xffff, v32  }
0x14e: {  	v33 =	vor.u32 s23, v10;
	v32 =	vld [tilespmem:s28+$0x7900];
	_ =	sdelay $0x4  }
0x14f: {  	[tilespmem:v33+s17+$0x0] =	vst.idx.msk $0xffff, v32  }
0x150: {  	v33 =	vor.u32 s23, v11;
	v32 =	vld [tilespmem:s28+$0x7980];
	_ =	sdelay $0x4  }
0x151: {  	[tilespmem:v33+s17+$0x0] =	vst.idx.msk $0xffff, v32  }
0x152: {  	v33 =	vor.u32 s23, v12;
	v32 =	vld [tilespmem:s28+$0x7A00];
	_ =	sdelay $0x4  }
0x153: {  	[tilespmem:v33+s17+$0x0] =	vst.idx.msk $0xffff, v32  }
0x154: {  	v33 =	vor.u32 s23, v13;
	v32 =	vld [tilespmem:s28+$0x7A80];
	_ =	sdelay $0x4  }
0x155: {  	[tilespmem:v33+s17+$0x0] =	vst.idx.msk $0xffff, v32  }
0x156: {  	v33 =	vor.u32 s23, v14;
	v32 =	vld [tilespmem:s28+$0x7B00];
	_ =	sdelay $0x4  }
0x157: {  	[tilespmem:v33+s17+$0x0] =	vst.idx.msk $0xffff, v32  }
0x158: {  	v33 =	vor.u32 s23, v15;
	v32 =	vld [tilespmem:s28+$0x7B80];
	_ =	sdelay $0x4  }
0x159: {  	[tilespmem:v33+s17+$0x0] =	vst.idx.msk $0xffff, v32  }
0x15a: {  	v33 =	vor.u32 s23, v16;
	v32 =	vld [tilespmem:s28+$0x9000];
	_ =	sdelay $0x4  }
0x15b: {  	[tilespmem:v33+s17+$0x0] =	vst.idx.msk $0xffff, v32  }
0x15c: {  	v33 =	vor.u32 s23, v17;
	v32 =	vld [tilespmem:s28+$0x9080];
	_ =	sdelay $0x4  }
0x15d: {  	[tilespmem:v33+s17+$0x0] =	vst.idx.msk $0xffff, v32  }
0x15e: {  	v33 =	vor.u32 s23, v18;
	v32 =	vld [tilespmem:s28+$0x9100];
	_ =	sdelay $0x4  }
0x15f: {  	[tilespmem:v33+s17+$0x0] =	vst.idx.msk $0xffff, v32  }
0x160: {  	v33 =	vor.u32 s23, v19;
	v32 =	vld [tilespmem:s28+$0x9180];
	_ =	sdelay $0x4  }
0x161: {  	[tilespmem:v33+s17+$0x0] =	vst.idx.msk $0xffff, v32  }
0x162: {  	v33 =	vor.u32 s23, v20;
	v32 =	vld [tilespmem:s28+$0x9200];
	_ =	sdelay $0x4  }
0x163: {  	[tilespmem:v33+s17+$0x0] =	vst.idx.msk $0xffff, v32  }
0x164: {  	v33 =	vor.u32 s23, v21;
	v32 =	vld [tilespmem:s28+$0x9280];
	_ =	sdelay $0x4  }
0x165: {  	[tilespmem:v33+s17+$0x0] =	vst.idx.msk $0xffff, v32  }
0x166: {  	v33 =	vor.u32 s23, v22;
	v32 =	vld [tilespmem:s28+$0x9300];
	_ =	sdelay $0x4  }
0x167: {  	[tilespmem:v33+s17+$0x0] =	vst.idx.msk $0xffff, v32  }
0x168: {  	v33 =	vor.u32 s23, v23;
	v32 =	vld [tilespmem:s28+$0x9380];
	_ =	sdelay $0x4  }
0x169: {  	[tilespmem:v33+s17+$0x0] =	vst.idx.msk $0xffff, v32  }
0x16a: {  	v33 =	vor.u32 s23, v24;
	v32 =	vld [tilespmem:s28+$0xA800];
	_ =	sdelay $0x4  }
0x16b: {  	[tilespmem:v33+s17+$0x0] =	vst.idx.msk $0xffff, v32  }
0x16c: {  	v33 =	vor.u32 s23, v25;
	v32 =	vld [tilespmem:s28+$0xA880];
	_ =	sdelay $0x4  }
0x16d: {  	[tilespmem:v33+s17+$0x0] =	vst.idx.msk $0xffff, v32  }
0x16e: {  	v33 =	vor.u32 s23, v26;
	v32 =	vld [tilespmem:s28+$0xA900];
	_ =	sdelay $0x4  }
0x16f: {  	[tilespmem:v33+s17+$0x0] =	vst.idx.msk $0xffff, v32  }
0x170: {  	v33 =	vor.u32 s23, v27;
	v32 =	vld [tilespmem:s28+$0xA980];
	_ =	sdelay $0x4  }
0x171: {  	[tilespmem:v33+s17+$0x0] =	vst.idx.msk $0xffff, v32  }
0x172: {  	v33 =	vor.u32 s23, v28;
	v32 =	vld [tilespmem:s28+$0xAA00];
	_ =	sdelay $0x4  }
0x173: {  	[tilespmem:v33+s17+$0x0] =	vst.idx.msk $0xffff, v32  }
0x174: {  	v33 =	vor.u32 s23, v29;
	v32 =	vld [tilespmem:s28+$0xAA80];
	_ =	sdelay $0x4  }
0x175: {  	[tilespmem:v33+s17+$0x0] =	vst.idx.msk $0xffff, v32  }
0x176: {  	v33 =	vor.u32 s23, v30;
	v32 =	vld [tilespmem:s28+$0xAB00];
	_ =	sdelay $0x4  }
0x177: {  	[tilespmem:v33+s17+$0x0] =	vst.idx.msk $0xffff, v32  }
.Ltmp3:
0x178: {  	v33 =	vor.u32 s23, v31;
	s23 =	smov.u32 s26;
	v32 =	vld [tilespmem:s28+$0xAB80];
	(pc) =	sbr.rel @p1 .LBB2_5-.Ltmp3, $3  }
0x179: {  	_ =	sdelay $0x1  }
0x17a: {  	s24 =	sadd.s32 $0x80, s24;
	s25 =	sadd.s32 $0x10, s25  }
0x17b: {  	s29 =	sand.u32 $0x1C00, s24;
	s26 =	sadd.s32 $0x200, s26;
	s28 =	sand.u32 $0x70, s25  }
0x17c: {  	_ =	sdelay $0x3  }
0x17d: {  	s26 =	sor.u32 s28, s29;
	[tilespmem:v33+s17+$0x0] =	vst.idx.msk $0xffff, v32  }
0x17e: {  	v60 =	vor.u32 s23, v0;
	v32 =	vld [tilespmem:s26+$0x6000];
	_ =	sdelay $0x4  }
0x17f: {  	[tilespmem:v60+s17+$0x0] =	vst.idx.msk $0xffff, v32  }
0x180: {  	v61 =	vor.u32 s23, v1;
	v32 =	vld [tilespmem:s26+$0x6080];
	_ =	sdelay $0x4  }
0x181: {  	[tilespmem:v61+s17+$0x0] =	vst.idx.msk $0xffff, v32  }
0x182: {  	v62 =	vor.u32 s23, v2;
	v32 =	vld [tilespmem:s26+$0x6100];
	_ =	sdelay $0x4  }
0x183: {  	[tilespmem:v62+s17+$0x0] =	vst.idx.msk $0xffff, v32  }
0x184: {  	v63 =	vor.u32 s23, v3;
	v32 =	vld [tilespmem:s26+$0x6180];
	_ =	sdelay $0x4  }
0x185: {  	[tilespmem:v63+s17+$0x0] =	vst.idx.msk $0xffff, v32  }
0x186: {  	v36 =	vor.u32 s23, v4;
	v32 =	vld [tilespmem:s26+$0x6200];
	_ =	sdelay $0x4  }
0x187: {  	[tilespmem:v36+s17+$0x0] =	vst.idx.msk $0xffff, v32  }
0x188: {  	v37 =	vor.u32 s23, v5;
	v32 =	vld [tilespmem:s26+$0x6280];
	_ =	sdelay $0x4  }
0x189: {  	[tilespmem:v37+s17+$0x0] =	vst.idx.msk $0xffff, v32  }
0x18a: {  	v38 =	vor.u32 s23, v6;
	v32 =	vld [tilespmem:s26+$0x6300];
	_ =	sdelay $0x3  }
0x18b: {  	s24 =	sor.u32 s24, s25  }
0x18c: {  	s24 =	sor.u32 $0x380, s24;
	[tilespmem:v38+s17+$0x0] =	vst.idx.msk $0xffff, v32  }
0x18d: {  	v39 =	vor.u32 s23, v7;
	v32 =	vld [tilespmem:s24+$0x6000];
	_ =	sdelay $0x4  }
0x18e: {  	[tilespmem:v39+s17+$0x0] =	vst.idx.msk $0xffff, v32  }
0x18f: {  	v40 =	vor.u32 s23, v8;
	v32 =	vld [tilespmem:s26+$0x7800];
	_ =	sdelay $0x4  }
0x190: {  	[tilespmem:v40+s17+$0x0] =	vst.idx.msk $0xffff, v32  }
0x191: {  	v41 =	vor.u32 s23, v9;
	v32 =	vld [tilespmem:s26+$0x7880];
	_ =	sdelay $0x4  }
0x192: {  	[tilespmem:v41+s17+$0x0] =	vst.idx.msk $0xffff, v32  }
0x193: {  	v42 =	vor.u32 s23, v10;
	v32 =	vld [tilespmem:s26+$0x7900];
	_ =	sdelay $0x4  }
0x194: {  	[tilespmem:v42+s17+$0x0] =	vst.idx.msk $0xffff, v32  }
0x195: {  	v43 =	vor.u32 s23, v11;
	v32 =	vld [tilespmem:s26+$0x7980];
	_ =	sdelay $0x4  }
0x196: {  	[tilespmem:v43+s17+$0x0] =	vst.idx.msk $0xffff, v32  }
0x197: {  	v44 =	vor.u32 s23, v12;
	v32 =	vld [tilespmem:s26+$0x7A00];
	_ =	sdelay $0x4  }
0x198: {  	[tilespmem:v44+s17+$0x0] =	vst.idx.msk $0xffff, v32  }
0x199: {  	v45 =	vor.u32 s23, v13;
	v32 =	vld [tilespmem:s26+$0x7A80];
	_ =	sdelay $0x4  }
0x19a: {  	[tilespmem:v45+s17+$0x0] =	vst.idx.msk $0xffff, v32  }
0x19b: {  	v46 =	vor.u32 s23, v14;
	v32 =	vld [tilespmem:s26+$0x7B00];
	_ =	sdelay $0x4  }
0x19c: {  	[tilespmem:v46+s17+$0x0] =	vst.idx.msk $0xffff, v32  }
0x19d: {  	v47 =	vor.u32 s23, v15;
	v32 =	vld [tilespmem:s26+$0x7B80];
	_ =	sdelay $0x4  }
0x19e: {  	[tilespmem:v47+s17+$0x0] =	vst.idx.msk $0xffff, v32  }
0x19f: {  	v48 =	vor.u32 s23, v16;
	v32 =	vld [tilespmem:s26+$0x9000];
	_ =	sdelay $0x4  }
0x1a0: {  	[tilespmem:v48+s17+$0x0] =	vst.idx.msk $0xffff, v32  }
0x1a1: {  	v49 =	vor.u32 s23, v17;
	v32 =	vld [tilespmem:s26+$0x9080];
	_ =	sdelay $0x4  }
0x1a2: {  	[tilespmem:v49+s17+$0x0] =	vst.idx.msk $0xffff, v32  }
0x1a3: {  	v50 =	vor.u32 s23, v18;
	v32 =	vld [tilespmem:s26+$0x9100];
	_ =	sdelay $0x4  }
0x1a4: {  	[tilespmem:v50+s17+$0x0] =	vst.idx.msk $0xffff, v32  }
0x1a5: {  	v51 =	vor.u32 s23, v19;
	v32 =	vld [tilespmem:s26+$0x9180];
	_ =	sdelay $0x4  }
0x1a6: {  	[tilespmem:v51+s17+$0x0] =	vst.idx.msk $0xffff, v32  }
0x1a7: {  	v52 =	vor.u32 s23, v20;
	v32 =	vld [tilespmem:s26+$0x9200];
	_ =	sdelay $0x4  }
0x1a8: {  	[tilespmem:v52+s17+$0x0] =	vst.idx.msk $0xffff, v32  }
0x1a9: {  	v53 =	vor.u32 s23, v21;
	v32 =	vld [tilespmem:s26+$0x9280];
	_ =	sdelay $0x4  }
0x1aa: {  	[tilespmem:v53+s17+$0x0] =	vst.idx.msk $0xffff, v32  }
0x1ab: {  	v54 =	vor.u32 s23, v22;
	v32 =	vld [tilespmem:s26+$0x9300];
	_ =	sdelay $0x4  }
0x1ac: {  	[tilespmem:v54+s17+$0x0] =	vst.idx.msk $0xffff, v32  }
0x1ad: {  	v55 =	vor.u32 s23, v23;
	v32 =	vld [tilespmem:s26+$0x9380];
	_ =	sdelay $0x4  }
0x1ae: {  	[tilespmem:v55+s17+$0x0] =	vst.idx.msk $0xffff, v32  }
0x1af: {  	v56 =	vor.u32 s23, v24;
	v32 =	vld [tilespmem:s26+$0xA800];
	_ =	sdelay $0x4  }
0x1b0: {  	[tilespmem:v56+s17+$0x0] =	vst.idx.msk $0xffff, v32  }
0x1b1: {  	v57 =	vor.u32 s23, v25;
	v32 =	vld [tilespmem:s26+$0xA880];
	_ =	sdelay $0x4  }
0x1b2: {  	[tilespmem:v57+s17+$0x0] =	vst.idx.msk $0xffff, v32  }
0x1b3: {  	v58 =	vor.u32 s23, v26;
	v32 =	vld [tilespmem:s26+$0xA900];
	_ =	sdelay $0x4  }
0x1b4: {  	[tilespmem:v58+s17+$0x0] =	vst.idx.msk $0xffff, v32  }
0x1b5: {  	v59 =	vor.u32 s23, v27;
	v32 =	vld [tilespmem:s26+$0xA980];
	_ =	sdelay $0x4  }
0x1b6: {  	[tilespmem:v59+s17+$0x0] =	vst.idx.msk $0xffff, v32  }
0x1b7: {  	v60 =	vor.u32 s23, v28;
	v32 =	vld [tilespmem:s26+$0xAA00];
	_ =	sdelay $0x4  }
0x1b8: {  	[tilespmem:v60+s17+$0x0] =	vst.idx.msk $0xffff, v32  }
0x1b9: {  	v61 =	vor.u32 s23, v29;
	v32 =	vld [tilespmem:s26+$0xAA80];
	_ =	sdelay $0x4  }
0x1ba: {  	[tilespmem:v61+s17+$0x0] =	vst.idx.msk $0xffff, v32  }
0x1bb: {  	v62 =	vor.u32 s23, v30;
	v32 =	vld [tilespmem:s26+$0xAB00];
	_ =	sdelay $0x4  }
0x1bc: {  	[tilespmem:v62+s17+$0x0] =	vst.idx.msk $0xffff, v32  }
0x1bd: {  	s21 =	sadd.s32 $0x1, s21;
	v63 =	vor.u32 s23, v31;
	v32 =	vld [tilespmem:s26+$0xAB80]  }
0x1be: {  	p1 =	sne.s32 s21, $0x14  }
.Ltmp4:
0x1bf: {  	_ = 	snop;
	(pc) =	sbr.rel @p1 .LBB2_2-.Ltmp4, $3  }
0x1c0: {  	s22 =	smul.u32 $0xC00, s22;
	_ =	sdelay $0x1  }
0x1c1: {  	s22 =	sadd.s32 s5, s22;
	[tilespmem:v63+s17+$0x0] =	vst.idx.msk $0xffff, v32  }
0x1c2: {  	[hbm4b:s22+s4] =	stream.linear.scatter [tilespmem:s17], [sflag:$0x4], $0x6000, $0x38;
	[tilespmem:$0x18000] =	vst v63  }
0x1c3: {  	_ =	swait.ge [sflag:s18], $0x6000  }
.Ltmp5:
0x1c4: {  	[sflag:s18] =	ssyncset.done $0x0;
	(pc) =	sbr.rel @p0 .LBB2_11-.Ltmp5, $4  }
0x1c5: {  	[sflag:s18] =	ssyncadd.s32 $0xFFFFA000  }
0x1c6: {  	_ =	swait.ge [sflag:s19], $0x6000  }
0x1c7: {  	[sflag:s19] =	ssyncset.done $0x0  }
0x1c8: {  	[sflag:s19] =	ssyncadd.s32 $0xFFFFA000  }
0x1c9: {  	s24 =	simm.s32 $0x0  }
0x1ca: {  	[tilespmem:s24], [sflag:$0x1] =	stream.strided.gather [hbm4b:s8+s11], $0x6000, s12, s11, $0x38;
	[tilespmem:$0x18000] =	vst v63  }
0x1cb: {  	_ =	swait.ge [sflag:s13], $0x6000  }
0x1cc: {  	s21 =	sand.u32 $0x70, s24;
	s22 =	sand.u32 $0x1C00, s24;
	[sflag:s13] =	ssyncset.done $0x0  }
0x1cd: {  	s25 =	sor.u32 s21, s22;
	[sflag:s13] =	ssyncadd.s32 $0xFFFFA000  }
0x1ce: {  	v33 =	vor.u32 s24, v0;
	v32 =	vld [tilespmem:s25+$0x0];
	_ =	sdelay $0x4  }
0x1cf: {  	[tilespmem:v33+s15+$0x0] =	vst.idx.msk $0xffff, v32  }
0x1d0: {  	v62 =	vor.u32 s24, v1;
	v32 =	vld [tilespmem:s25+$0x80];
	_ =	sdelay $0x4  }
0x1d1: {  	[tilespmem:v62+s15+$0x0] =	vst.idx.msk $0xffff, v32  }
0x1d2: {  	v63 =	vor.u32 s24, v2;
	v32 =	vld [tilespmem:s25+$0x100];
	_ =	sdelay $0x4  }
0x1d3: {  	[tilespmem:v63+s15+$0x0] =	vst.idx.msk $0xffff, v32  }
0x1d4: {  	v36 =	vor.u32 s24, v3;
	v32 =	vld [tilespmem:s25+$0x180];
	_ =	sdelay $0x4  }
0x1d5: {  	[tilespmem:v36+s15+$0x0] =	vst.idx.msk $0xffff, v32  }
0x1d6: {  	v37 =	vor.u32 s24, v4;
	v32 =	vld [tilespmem:s25+$0x200];
	_ =	sdelay $0x4  }
0x1d7: {  	[tilespmem:v37+s15+$0x0] =	vst.idx.msk $0xffff, v32  }
0x1d8: {  	v38 =	vor.u32 s24, v5;
	v32 =	vld [tilespmem:s25+$0x280];
	_ =	sdelay $0x4  }
0x1d9: {  	[tilespmem:v38+s15+$0x0] =	vst.idx.msk $0xffff, v32  }
0x1da: {  	v39 =	vor.u32 s24, v6;
	v32 =	vld [tilespmem:s25+$0x300];
	_ =	sdelay $0x3  }
0x1db: {  	s31 =	sor.u32 s24, s24  }
0x1dc: {  	s21 =	sor.u32 $0x380, s31;
	[tilespmem:v39+s15+$0x0] =	vst.idx.msk $0xffff, v32  }
0x1dd: {  	v40 =	vor.u32 s24, v7;
	v32 =	vld [tilespmem:s21+$0x0];
	_ =	sdelay $0x4  }
0x1de: {  	[tilespmem:v40+s15+$0x0] =	vst.idx.msk $0xffff, v32  }
0x1df: {  	v41 =	vor.u32 s24, v8;
	v32 =	vld [tilespmem:s25+$0x1800];
	_ =	sdelay $0x4  }
0x1e0: {  	[tilespmem:v41+s15+$0x0] =	vst.idx.msk $0xffff, v32  }
0x1e1: {  	v42 =	vor.u32 s24, v9;
	v32 =	vld [tilespmem:s25+$0x1880];
	_ =	sdelay $0x4  }
0x1e2: {  	[tilespmem:v42+s15+$0x0] =	vst.idx.msk $0xffff, v32  }
0x1e3: {  	v43 =	vor.u32 s24, v10;
	v32 =	vld [tilespmem:s25+$0x1900];
	_ =	sdelay $0x4  }
0x1e4: {  	[tilespmem:v43+s15+$0x0] =	vst.idx.msk $0xffff, v32  }
0x1e5: {  	v44 =	vor.u32 s24, v11;
	v32 =	vld [tilespmem:s25+$0x1980];
	_ =	sdelay $0x4  }
0x1e6: {  	[tilespmem:v44+s15+$0x0] =	vst.idx.msk $0xffff, v32  }
0x1e7: {  	v45 =	vor.u32 s24, v12;
	v32 =	vld [tilespmem:s25+$0x1A00];
	_ =	sdelay $0x4  }
0x1e8: {  	[tilespmem:v45+s15+$0x0] =	vst.idx.msk $0xffff, v32  }
0x1e9: {  	v46 =	vor.u32 s24, v13;
	v32 =	vld [tilespmem:s25+$0x1A80];
	_ =	sdelay $0x4  }
0x1ea: {  	[tilespmem:v46+s15+$0x0] =	vst.idx.msk $0xffff, v32  }
0x1eb: {  	v47 =	vor.u32 s24, v14;
	v32 =	vld [tilespmem:s25+$0x1B00];
	_ =	sdelay $0x4  }
0x1ec: {  	[tilespmem:v47+s15+$0x0] =	vst.idx.msk $0xffff, v32  }
0x1ed: {  	v48 =	vor.u32 s24, v15;
	v32 =	vld [tilespmem:s25+$0x1B80];
	_ =	sdelay $0x4  }
0x1ee: {  	[tilespmem:v48+s15+$0x0] =	vst.idx.msk $0xffff, v32  }
0x1ef: {  	v49 =	vor.u32 s24, v16;
	v32 =	vld [tilespmem:s25+$0x3000];
	_ =	sdelay $0x4  }
0x1f0: {  	[tilespmem:v49+s15+$0x0] =	vst.idx.msk $0xffff, v32  }
0x1f1: {  	v50 =	vor.u32 s24, v17;
	v32 =	vld [tilespmem:s25+$0x3080];
	_ =	sdelay $0x4  }
0x1f2: {  	[tilespmem:v50+s15+$0x0] =	vst.idx.msk $0xffff, v32  }
0x1f3: {  	v51 =	vor.u32 s24, v18;
	v32 =	vld [tilespmem:s25+$0x3100];
	_ =	sdelay $0x4  }
0x1f4: {  	[tilespmem:v51+s15+$0x0] =	vst.idx.msk $0xffff, v32  }
0x1f5: {  	v52 =	vor.u32 s24, v19;
	v32 =	vld [tilespmem:s25+$0x3180];
	_ =	sdelay $0x4  }
0x1f6: {  	[tilespmem:v52+s15+$0x0] =	vst.idx.msk $0xffff, v32  }
0x1f7: {  	v53 =	vor.u32 s24, v20;
	v32 =	vld [tilespmem:s25+$0x3200];
	_ =	sdelay $0x4  }
0x1f8: {  	[tilespmem:v53+s15+$0x0] =	vst.idx.msk $0xffff, v32  }
0x1f9: {  	v54 =	vor.u32 s24, v21;
	v32 =	vld [tilespmem:s25+$0x3280];
	_ =	sdelay $0x4  }
0x1fa: {  	[tilespmem:v54+s15+$0x0] =	vst.idx.msk $0xffff, v32  }
0x1fb: {  	v55 =	vor.u32 s24, v22;
	v32 =	vld [tilespmem:s25+$0x3300];
	_ =	sdelay $0x4  }
0x1fc: {  	[tilespmem:v55+s15+$0x0] =	vst.idx.msk $0xffff, v32  }
0x1fd: {  	v56 =	vor.u32 s24, v23;
	v32 =	vld [tilespmem:s25+$0x3380];
	_ =	sdelay $0x4  }
0x1fe: {  	[tilespmem:v56+s15+$0x0] =	vst.idx.msk $0xffff, v32  }
0x1ff: {  	v57 =	vor.u32 s24, v24;
	v32 =	vld [tilespmem:s25+$0x4800];
	_ =	sdelay $0x4  }
0x200: {  	[tilespmem:v57+s15+$0x0] =	vst.idx.msk $0xffff, v32  }
0x201: {  	v58 =	vor.u32 s24, v25;
	v32 =	vld [tilespmem:s25+$0x4880];
	_ =	sdelay $0x4  }
0x202: {  	[tilespmem:v58+s15+$0x0] =	vst.idx.msk $0xffff, v32  }
0x203: {  	v59 =	vor.u32 s24, v26;
	v32 =	vld [tilespmem:s25+$0x4900];
	_ =	sdelay $0x4  }
0x204: {  	[tilespmem:v59+s15+$0x0] =	vst.idx.msk $0xffff, v32  }
0x205: {  	v60 =	vor.u32 s24, v27;
	v32 =	vld [tilespmem:s25+$0x4980];
	_ =	sdelay $0x4  }
0x206: {  	[tilespmem:v60+s15+$0x0] =	vst.idx.msk $0xffff, v32  }
0x207: {  	v61 =	vor.u32 s24, v28;
	v32 =	vld [tilespmem:s25+$0x4A00];
	_ =	sdelay $0x4  }
0x208: {  	[tilespmem:v61+s15+$0x0] =	vst.idx.msk $0xffff, v32  }
0x209: {  	v62 =	vor.u32 s24, v29;
	v32 =	vld [tilespmem:s25+$0x4A80];
	_ =	sdelay $0x4  }
0x20a: {  	[tilespmem:v62+s15+$0x0] =	vst.idx.msk $0xffff, v32  }
0x20b: {  	v63 =	vor.u32 s24, v30;
	v32 =	vld [tilespmem:s25+$0x4B00];
	_ =	sdelay $0x4  }
0x20c: {  	[tilespmem:v63+s15+$0x0] =	vst.idx.msk $0xffff, v32  }
0x20d: {  	v33 =	vor.u32 s24, v31;
	v32 =	vld [tilespmem:s25+$0x4B80];
	_ =	sdelay $0x1  }
0x20e: {  	s22 =	simm.s32 $0x80  }
0x20f: {  	s23 =	simm.s32 $0x10;
	s26 =	sand.u32 $0x1C00, s22  }
0x210: {  	s24 =	simm.s32 $0x400;
	s21 =	simm.s32 $0x200;
	s25 =	sand.u32 $0x70, s23  }
.LBB2_9:
0x211: {  	p1 =	sne.s32 s24, $0x5E00;
	s25 =	sor.u32 s25, s26;
	[tilespmem:v33+s15+$0x0] =	vst.idx.msk $0xffff, v32  }
0x212: {  	v33 =	vor.u32 s21, v0;
	v32 =	vld [tilespmem:s25+$0x0];
	_ =	sdelay $0x4  }
0x213: {  	[tilespmem:v33+s15+$0x0] =	vst.idx.msk $0xffff, v32  }
0x214: {  	v33 =	vor.u32 s21, v1;
	v32 =	vld [tilespmem:s25+$0x80];
	_ =	sdelay $0x4  }
0x215: {  	[tilespmem:v33+s15+$0x0] =	vst.idx.msk $0xffff, v32  }
0x216: {  	v33 =	vor.u32 s21, v2;
	v32 =	vld [tilespmem:s25+$0x100];
	_ =	sdelay $0x4  }
0x217: {  	[tilespmem:v33+s15+$0x0] =	vst.idx.msk $0xffff, v32  }
0x218: {  	v33 =	vor.u32 s21, v3;
	v32 =	vld [tilespmem:s25+$0x180];
	_ =	sdelay $0x4  }
0x219: {  	[tilespmem:v33+s15+$0x0] =	vst.idx.msk $0xffff, v32  }
0x21a: {  	v33 =	vor.u32 s21, v4;
	v32 =	vld [tilespmem:s25+$0x200];
	_ =	sdelay $0x4  }
0x21b: {  	[tilespmem:v33+s15+$0x0] =	vst.idx.msk $0xffff, v32  }
0x21c: {  	v33 =	vor.u32 s21, v5;
	v32 =	vld [tilespmem:s25+$0x280];
	_ =	sdelay $0x4  }
0x21d: {  	[tilespmem:v33+s15+$0x0] =	vst.idx.msk $0xffff, v32  }
0x21e: {  	v33 =	vor.u32 s21, v6;
	v32 =	vld [tilespmem:s25+$0x300];
	_ =	sdelay $0x3  }
0x21f: {  	s26 =	sor.u32 s22, s23  }
0x220: {  	s26 =	sor.u32 $0x380, s26;
	[tilespmem:v33+s15+$0x0] =	vst.idx.msk $0xffff, v32  }
0x221: {  	v33 =	vor.u32 s21, v7;
	v32 =	vld [tilespmem:s26+$0x0];
	_ =	sdelay $0x4  }
0x222: {  	[tilespmem:v33+s15+$0x0] =	vst.idx.msk $0xffff, v32  }
0x223: {  	v33 =	vor.u32 s21, v8;
	v32 =	vld [tilespmem:s25+$0x1800];
	_ =	sdelay $0x4  }
0x224: {  	[tilespmem:v33+s15+$0x0] =	vst.idx.msk $0xffff, v32  }
0x225: {  	v33 =	vor.u32 s21, v9;
	v32 =	vld [tilespmem:s25+$0x1880];
	_ =	sdelay $0x4  }
0x226: {  	[tilespmem:v33+s15+$0x0] =	vst.idx.msk $0xffff, v32  }
0x227: {  	v33 =	vor.u32 s21, v10;
	v32 =	vld [tilespmem:s25+$0x1900];
	_ =	sdelay $0x4  }
0x228: {  	[tilespmem:v33+s15+$0x0] =	vst.idx.msk $0xffff, v32  }
0x229: {  	v33 =	vor.u32 s21, v11;
	v32 =	vld [tilespmem:s25+$0x1980];
	_ =	sdelay $0x4  }
0x22a: {  	[tilespmem:v33+s15+$0x0] =	vst.idx.msk $0xffff, v32  }
0x22b: {  	v33 =	vor.u32 s21, v12;
	v32 =	vld [tilespmem:s25+$0x1A00];
	_ =	sdelay $0x4  }
0x22c: {  	[tilespmem:v33+s15+$0x0] =	vst.idx.msk $0xffff, v32  }
0x22d: {  	v33 =	vor.u32 s21, v13;
	v32 =	vld [tilespmem:s25+$0x1A80];
	_ =	sdelay $0x4  }
0x22e: {  	[tilespmem:v33+s15+$0x0] =	vst.idx.msk $0xffff, v32  }
0x22f: {  	v33 =	vor.u32 s21, v14;
	v32 =	vld [tilespmem:s25+$0x1B00];
	_ =	sdelay $0x4  }
0x230: {  	[tilespmem:v33+s15+$0x0] =	vst.idx.msk $0xffff, v32  }
0x231: {  	v33 =	vor.u32 s21, v15;
	v32 =	vld [tilespmem:s25+$0x1B80];
	_ =	sdelay $0x4  }
0x232: {  	[tilespmem:v33+s15+$0x0] =	vst.idx.msk $0xffff, v32  }
0x233: {  	v33 =	vor.u32 s21, v16;
	v32 =	vld [tilespmem:s25+$0x3000];
	_ =	sdelay $0x4  }
0x234: {  	[tilespmem:v33+s15+$0x0] =	vst.idx.msk $0xffff, v32  }
0x235: {  	v33 =	vor.u32 s21, v17;
	v32 =	vld [tilespmem:s25+$0x3080];
	_ =	sdelay $0x4  }
0x236: {  	[tilespmem:v33+s15+$0x0] =	vst.idx.msk $0xffff, v32  }
0x237: {  	v33 =	vor.u32 s21, v18;
	v32 =	vld [tilespmem:s25+$0x3100];
	_ =	sdelay $0x4  }
0x238: {  	[tilespmem:v33+s15+$0x0] =	vst.idx.msk $0xffff, v32  }
0x239: {  	v33 =	vor.u32 s21, v19;
	v32 =	vld [tilespmem:s25+$0x3180];
	_ =	sdelay $0x4  }
0x23a: {  	[tilespmem:v33+s15+$0x0] =	vst.idx.msk $0xffff, v32  }
0x23b: {  	v33 =	vor.u32 s21, v20;
	v32 =	vld [tilespmem:s25+$0x3200];
	_ =	sdelay $0x4  }
0x23c: {  	[tilespmem:v33+s15+$0x0] =	vst.idx.msk $0xffff, v32  }
0x23d: {  	v33 =	vor.u32 s21, v21;
	v32 =	vld [tilespmem:s25+$0x3280];
	_ =	sdelay $0x4  }
0x23e: {  	[tilespmem:v33+s15+$0x0] =	vst.idx.msk $0xffff, v32  }
0x23f: {  	v33 =	vor.u32 s21, v22;
	v32 =	vld [tilespmem:s25+$0x3300];
	_ =	sdelay $0x4  }
0x240: {  	[tilespmem:v33+s15+$0x0] =	vst.idx.msk $0xffff, v32  }
0x241: {  	v33 =	vor.u32 s21, v23;
	v32 =	vld [tilespmem:s25+$0x3380];
	_ =	sdelay $0x4  }
0x242: {  	[tilespmem:v33+s15+$0x0] =	vst.idx.msk $0xffff, v32  }
0x243: {  	v33 =	vor.u32 s21, v24;
	v32 =	vld [tilespmem:s25+$0x4800];
	_ =	sdelay $0x4  }
0x244: {  	[tilespmem:v33+s15+$0x0] =	vst.idx.msk $0xffff, v32  }
0x245: {  	v33 =	vor.u32 s21, v25;
	v32 =	vld [tilespmem:s25+$0x4880];
	_ =	sdelay $0x4  }
0x246: {  	[tilespmem:v33+s15+$0x0] =	vst.idx.msk $0xffff, v32  }
0x247: {  	v33 =	vor.u32 s21, v26;
	v32 =	vld [tilespmem:s25+$0x4900];
	_ =	sdelay $0x4  }
0x248: {  	[tilespmem:v33+s15+$0x0] =	vst.idx.msk $0xffff, v32  }
0x249: {  	v33 =	vor.u32 s21, v27;
	v32 =	vld [tilespmem:s25+$0x4980];
	_ =	sdelay $0x4  }
0x24a: {  	[tilespmem:v33+s15+$0x0] =	vst.idx.msk $0xffff, v32  }
0x24b: {  	v33 =	vor.u32 s21, v28;
	v32 =	vld [tilespmem:s25+$0x4A00];
	_ =	sdelay $0x4  }
0x24c: {  	[tilespmem:v33+s15+$0x0] =	vst.idx.msk $0xffff, v32  }
0x24d: {  	v33 =	vor.u32 s21, v29;
	v32 =	vld [tilespmem:s25+$0x4A80];
	_ =	sdelay $0x4  }
0x24e: {  	[tilespmem:v33+s15+$0x0] =	vst.idx.msk $0xffff, v32  }
0x24f: {  	v33 =	vor.u32 s21, v30;
	v32 =	vld [tilespmem:s25+$0x4B00];
	_ =	sdelay $0x4  }
0x250: {  	[tilespmem:v33+s15+$0x0] =	vst.idx.msk $0xffff, v32  }
.Ltmp6:
0x251: {  	v33 =	vor.u32 s21, v31;
	s21 =	smov.u32 s24;
	v32 =	vld [tilespmem:s25+$0x4B80];
	(pc) =	sbr.rel @p1 .LBB2_9-.Ltmp6, $3  }
0x252: {  	_ =	sdelay $0x1  }
0x253: {  	s22 =	sadd.s32 $0x80, s22;
	s23 =	sadd.s32 $0x10, s23  }
0x254: {  	s26 =	sand.u32 $0x1C00, s22;
	s24 =	sadd.s32 $0x200, s24;
	s25 =	sand.u32 $0x70, s23  }
0x255: {  	_ =	sdelay $0x3  }
0x256: {  	s24 =	sor.u32 s25, s26;
	[tilespmem:v33+s15+$0x0] =	vst.idx.msk $0xffff, v32  }
0x257: {  	v60 =	vor.u32 s21, v0;
	v32 =	vld [tilespmem:s24+$0x0];
	_ =	sdelay $0x4  }
0x258: {  	[tilespmem:v60+s15+$0x0] =	vst.idx.msk $0xffff, v32  }
0x259: {  	v61 =	vor.u32 s21, v1;
	v32 =	vld [tilespmem:s24+$0x80];
	_ =	sdelay $0x4  }
0x25a: {  	[tilespmem:v61+s15+$0x0] =	vst.idx.msk $0xffff, v32  }
0x25b: {  	v62 =	vor.u32 s21, v2;
	v32 =	vld [tilespmem:s24+$0x100];
	_ =	sdelay $0x4  }
0x25c: {  	[tilespmem:v62+s15+$0x0] =	vst.idx.msk $0xffff, v32  }
0x25d: {  	v63 =	vor.u32 s21, v3;
	v32 =	vld [tilespmem:s24+$0x180];
	_ =	sdelay $0x4  }
0x25e: {  	[tilespmem:v63+s15+$0x0] =	vst.idx.msk $0xffff, v32  }
0x25f: {  	v36 =	vor.u32 s21, v4;
	v32 =	vld [tilespmem:s24+$0x200];
	_ =	sdelay $0x4  }
0x260: {  	[tilespmem:v36+s15+$0x0] =	vst.idx.msk $0xffff, v32  }
0x261: {  	v37 =	vor.u32 s21, v5;
	v32 =	vld [tilespmem:s24+$0x280];
	_ =	sdelay $0x4  }
0x262: {  	[tilespmem:v37+s15+$0x0] =	vst.idx.msk $0xffff, v32  }
0x263: {  	v38 =	vor.u32 s21, v6;
	v32 =	vld [tilespmem:s24+$0x300];
	_ =	sdelay $0x3  }
0x264: {  	s22 =	sor.u32 s22, s23  }
0x265: {  	s22 =	sor.u32 $0x380, s22;
	[tilespmem:v38+s15+$0x0] =	vst.idx.msk $0xffff, v32  }
0x266: {  	v39 =	vor.u32 s21, v7;
	v32 =	vld [tilespmem:s22+$0x0];
	_ =	sdelay $0x4  }
0x267: {  	[tilespmem:v39+s15+$0x0] =	vst.idx.msk $0xffff, v32  }
0x268: {  	v40 =	vor.u32 s21, v8;
	v32 =	vld [tilespmem:s24+$0x1800];
	_ =	sdelay $0x4  }
0x269: {  	[tilespmem:v40+s15+$0x0] =	vst.idx.msk $0xffff, v32  }
0x26a: {  	v41 =	vor.u32 s21, v9;
	v32 =	vld [tilespmem:s24+$0x1880];
	_ =	sdelay $0x4  }
0x26b: {  	[tilespmem:v41+s15+$0x0] =	vst.idx.msk $0xffff, v32  }
0x26c: {  	v42 =	vor.u32 s21, v10;
	v32 =	vld [tilespmem:s24+$0x1900];
	_ =	sdelay $0x4  }
0x26d: {  	[tilespmem:v42+s15+$0x0] =	vst.idx.msk $0xffff, v32  }
0x26e: {  	v43 =	vor.u32 s21, v11;
	v32 =	vld [tilespmem:s24+$0x1980];
	_ =	sdelay $0x4  }
0x26f: {  	[tilespmem:v43+s15+$0x0] =	vst.idx.msk $0xffff, v32  }
0x270: {  	v44 =	vor.u32 s21, v12;
	v32 =	vld [tilespmem:s24+$0x1A00];
	_ =	sdelay $0x4  }
0x271: {  	[tilespmem:v44+s15+$0x0] =	vst.idx.msk $0xffff, v32  }
0x272: {  	v45 =	vor.u32 s21, v13;
	v32 =	vld [tilespmem:s24+$0x1A80];
	_ =	sdelay $0x4  }
0x273: {  	[tilespmem:v45+s15+$0x0] =	vst.idx.msk $0xffff, v32  }
0x274: {  	v46 =	vor.u32 s21, v14;
	v32 =	vld [tilespmem:s24+$0x1B00];
	_ =	sdelay $0x4  }
0x275: {  	[tilespmem:v46+s15+$0x0] =	vst.idx.msk $0xffff, v32  }
0x276: {  	v47 =	vor.u32 s21, v15;
	v32 =	vld [tilespmem:s24+$0x1B80];
	_ =	sdelay $0x4  }
0x277: {  	[tilespmem:v47+s15+$0x0] =	vst.idx.msk $0xffff, v32  }
0x278: {  	v48 =	vor.u32 s21, v16;
	v32 =	vld [tilespmem:s24+$0x3000];
	_ =	sdelay $0x4  }
0x279: {  	[tilespmem:v48+s15+$0x0] =	vst.idx.msk $0xffff, v32  }
0x27a: {  	v49 =	vor.u32 s21, v17;
	v32 =	vld [tilespmem:s24+$0x3080];
	_ =	sdelay $0x4  }
0x27b: {  	[tilespmem:v49+s15+$0x0] =	vst.idx.msk $0xffff, v32  }
0x27c: {  	v50 =	vor.u32 s21, v18;
	v32 =	vld [tilespmem:s24+$0x3100];
	_ =	sdelay $0x4  }
0x27d: {  	[tilespmem:v50+s15+$0x0] =	vst.idx.msk $0xffff, v32  }
0x27e: {  	v51 =	vor.u32 s21, v19;
	v32 =	vld [tilespmem:s24+$0x3180];
	_ =	sdelay $0x4  }
0x27f: {  	[tilespmem:v51+s15+$0x0] =	vst.idx.msk $0xffff, v32  }
0x280: {  	v52 =	vor.u32 s21, v20;
	v32 =	vld [tilespmem:s24+$0x3200];
	_ =	sdelay $0x4  }
0x281: {  	[tilespmem:v52+s15+$0x0] =	vst.idx.msk $0xffff, v32  }
0x282: {  	v53 =	vor.u32 s21, v21;
	v32 =	vld [tilespmem:s24+$0x3280];
	_ =	sdelay $0x4  }
0x283: {  	[tilespmem:v53+s15+$0x0] =	vst.idx.msk $0xffff, v32  }
0x284: {  	v54 =	vor.u32 s21, v22;
	v32 =	vld [tilespmem:s24+$0x3300];
	_ =	sdelay $0x4  }
0x285: {  	[tilespmem:v54+s15+$0x0] =	vst.idx.msk $0xffff, v32  }
0x286: {  	v55 =	vor.u32 s21, v23;
	v32 =	vld [tilespmem:s24+$0x3380];
	_ =	sdelay $0x4  }
0x287: {  	[tilespmem:v55+s15+$0x0] =	vst.idx.msk $0xffff, v32  }
0x288: {  	v56 =	vor.u32 s21, v24;
	v32 =	vld [tilespmem:s24+$0x4800];
	_ =	sdelay $0x4  }
0x289: {  	[tilespmem:v56+s15+$0x0] =	vst.idx.msk $0xffff, v32  }
0x28a: {  	v57 =	vor.u32 s21, v25;
	v32 =	vld [tilespmem:s24+$0x4880];
	_ =	sdelay $0x4  }
0x28b: {  	[tilespmem:v57+s15+$0x0] =	vst.idx.msk $0xffff, v32  }
0x28c: {  	v58 =	vor.u32 s21, v26;
	v32 =	vld [tilespmem:s24+$0x4900];
	_ =	sdelay $0x4  }
0x28d: {  	[tilespmem:v58+s15+$0x0] =	vst.idx.msk $0xffff, v32  }
0x28e: {  	v59 =	vor.u32 s21, v27;
	v32 =	vld [tilespmem:s24+$0x4980];
	_ =	sdelay $0x4  }
0x28f: {  	[tilespmem:v59+s15+$0x0] =	vst.idx.msk $0xffff, v32  }
0x290: {  	v60 =	vor.u32 s21, v28;
	v32 =	vld [tilespmem:s24+$0x4A00];
	_ =	sdelay $0x4  }
0x291: {  	[tilespmem:v60+s15+$0x0] =	vst.idx.msk $0xffff, v32  }
0x292: {  	v61 =	vor.u32 s21, v29;
	v32 =	vld [tilespmem:s24+$0x4A80];
	_ =	sdelay $0x4  }
0x293: {  	[tilespmem:v61+s15+$0x0] =	vst.idx.msk $0xffff, v32  }
0x294: {  	v62 =	vor.u32 s21, v30;
	v32 =	vld [tilespmem:s24+$0x4B00];
	_ =	sdelay $0x4  }
0x295: {  	[tilespmem:v62+s15+$0x0] =	vst.idx.msk $0xffff, v32  }
0x296: {  	v63 =	vor.u32 s21, v31;
	v32 =	vld [tilespmem:s24+$0x4B80];
	_ =	sdelay $0x4  }
.Ltmp7:
0x297: {  	[tilespmem:v63+s15+$0x0] =	vst.idx.msk $0xffff, v32;
	(pc) =	sbr.rel .LBB2_11-.Ltmp7, $4  }
0x298: {  	[hbm4b:s9+s4] =	stream.linear.scatter [tilespmem:s15], [sflag:$0x3], $0x6000, $0x38;
	[tilespmem:$0x18000] =	vst v63  }
0x299: {  	_ =	swait.ge [sflag:s18], $0x6000  }
0x29a: {  	[sflag:s18] =	ssyncset.done $0x0  }
0x29b: {  	[sflag:s18] =	ssyncadd.s32 $0xFFFFA000  }
.LBB2_12:
0x29c: {  	_ =	sfence.sel $0x180000  }
0x29d: {  	[bflag:$0x0] =	sbarrier.arrive $0xFFFF  }
0x29e: {  	p0 =	sne.s32 s0, $0x0;
	_ =	strace $0x90000047  }
0x29f: {  	s0 =	sadd.s32 @!p0 $0x100000, s2;
	[bflag:$0x2] =	sbarrier.arrive $0xFFFF  }
0x2a0: {  	[sflag:s0] =	ssyncadd.tile.s32 @!p0 $0x1;
	_ =	shalt  }
.Lfunc_end2:
_tile_overlayer_lowered:
.L_overlay_start_2:
0x2a1: {  	(tag) =	ssettag $0x2  }
0x2a2: {  	s0 =	rddreg [dreg:$0x0];
	s2 =	stileid.u32  }
0x2a3: {  	s1 =	rddreg [dreg:$0x1];
	p0 =	sne.s32 s2, $0x0  }
0x2a4: {  	s3 =	rddreg [dreg:$0x2];
	[bflag:$0x3] =	sbarrier.arrive $0xFFFF;
	s2 =	simm.s32 @!p0 $0x1C05  }
0x2a5: {  	[timem:s3], [sflag:s2] =	dma.local @!p0 [hbm:s0], s1  }
0x2a6: {  	s0 =	simm.s32 @!p0 $0x5  }
0x2a7: {  	_ =	swait.ge @!p0 [sflag:s0], s1  }
0x2a8: {  	s1 =	ssub.s32 @!p0 $0x0, s1;
	[sflag:s0] =	ssyncset.done @!p0 $0x0  }
0x2a9: {  	[sflag:s0] =	ssyncadd.s32 @!p0 s1  }
0x2aa: {  	[bflag:$0x3] =	sbarrier.arrive $0xFFFF  }
0x2ab: {  	_ =	shalt  }

// kernel: kernel.7.cloned.1.call-start
scs
__scs_entry_jumppad:
0x0: {  	(pc) =	sbr.rel $0x88, $3  }
0x1: {  	(tag) =	ssettag $0x0;
	lr =	simm.s32 $0x1  }
0x2: {  	[smem:$0x3F9F] =	sst lr;
	_ =	strace $0xD0000000  }
0x3: {  	_ = 	snop  }
0x4: {  	_ = 	snop  }
0x5: {  	_ = 	snop  }
0x6: {  	_ = 	snop  }
0x7: {  	_ = 	snop  }
__scs_overlays_trampoline_lowered:
0x8: {  	[smem:$0x3FAE] =	sst s0  }
0x9: {  	[smem:$0x3FAF] =	sst s1  }
0xa: {  	[smem:$0x3FB0] =	sst s2  }
0xb: {  	[smem:$0x3FB1] =	sst s3  }
0xc: {  	[smem:$0x3FB2] =	sst s4  }
0xd: {  	[smem:$0x3FB3] =	sst s5  }
0xe: {  	[smem:$0x3FB4] =	sst s6  }
0xf: {  	[smem:$0x3FB5] =	sst s7  }
0x10: {  	[smem:$0x3FB6] =	sst s8  }
0x11: {  	[smem:$0x3FB7] =	sst s9;
	s0 =	simm.s32 @!p0 $0x0  }
0x12: {  	s1 =	sld [smem:$0x3F9D];
	s0 =	simm.s32 @p0 $0x1  }
0x13: {  	[smem:$0x3FB8] =	sst s0;
	s0 =	simm.s32 @!p1 $0x0  }
0x14: {  	s2 =	sld [smem:$0x3F9C];
	s0 =	simm.s32 @p1 $0x1  }
0x15: {  	[smem:$0x3FB9] =	sst s0;
	s0 =	simm.s32 @!p2 $0x0  }
0x16: {  	s3 =	sld [smem:$0x3FDB];
	s0 =	simm.s32 @p2 $0x1  }
0x17: {  	s4 =	simm.s32 $0x1BF5;
	[smem:$0x3FBB] =	sst s0  }
0x18: {  	s0 =	sld [smem:$0x3F9E];
	_ =	swait.ge [sflag:s4], $0x0  }
0x19: {  	s7 =	sld [smem:$0x3F9F]  }
0x1a: {  	s8 =	sadd.s32 $0xFFFFE003, lr  }
0x1b: {  	s9 =	sadd.s32 $0xFFFFFEF7, lr;
	s5 =	simm.s32 $0xFFFFFFFF;
	p2 =	slt.u32 s8, $0xFFFFF086  }
0x1c: {  	p1 =	slt.u32 s9, $0xF7A;
	s5 =	simm.s32 @!p2 $0x0  }
0x1d: {  	s5 =	simm.s32 @p1 $0x1;
	p0 =	seq.s32 s7, s2  }
0x1e: {  	s7 =	smul.u32 @!p0 $0xF7A, s2;
	p2 =	seq.s32 @!p0 s5, $0x0  }
0x1f: {  	s9 =	smul.u32 $0xF7A, s1;
	s8 =	simm.s32 @!p0 $0x1BF5;
	p2 =	por !p2, p0  }
0x20: {  	[sflag:s8] =	ssyncset.s32 @!p0 $0xFFFFF086;
	s6 =	sadd.s32 @!p0 s3, s7;
	s7 =	simm.s32 @!p0 $0x108  }
0x21: {  	s3 =	sadd.s32 s3, s9;
	s6 =	sadd.s32 @!p0 $0x88, s6;
	s7 =	simm.s32 @p2 $0x1082  }
0x22: {  	[simem:s7], [sflag:s8] =	dma.local @!p0 [hbm:s6], $0xF7A  }
0x23: {  	s9 =	sor.u32 $0xD0000000, s2;
	s6 =	simm.s32 $0x108;
	_ =	swait.ge @!p0 [sflag:s8], $0x0  }
0x24: {  	s3 =	sadd.s32 $0x88, s3;
	s6 =	simm.s32 @!p1 $0x1082;
	[sflag:s4] =	ssyncset.s32 $0xFFFFF086  }
0x25: {  	[simem:s6], [sflag:s4] =	dma.local [hbm:s3], $0xF7A  }
0x26: {  	[smem:$0x3F9F] =	sst s1;
	(tag) =	ssettag s2;
	_ =	strace s9  }
0x27: {  	s1 =	sld [smem:$0x3FAF]  }
0x28: {  	s2 =	sld [smem:$0x3FB0]  }
0x29: {  	s4 =	sld [smem:$0x3FB2]  }
0x2a: {  	p0 =	seq.s32 s5, $0x0;
	s5 =	sld [smem:$0x3FB3]  }
0x2b: {  	s6 =	sld [smem:$0x3FB4]  }
0x2c: {  	s7 =	sld [smem:$0x3FB5]  }
0x2d: {  	s3 =	simm.s32 $0x108;
	s8 =	sld [smem:$0x3FB6]  }
0x2e: {  	s3 =	simm.s32 @!p0 $0x1082;
	s9 =	sld [smem:$0x3FB7]  }
0x2f: {  	lr =	sadd.s32 s0, s3;
	s0 =	sld [smem:$0x3FAE]  }
0x30: {  	s3 =	sld [smem:$0x3FB1]  }
0x31: {  	[smem:$0x3FBA] =	sst s10  }
0x32: {  	s10 =	sld [smem:$0x3FB8];
	_ =	sdelay $0x3  }
0x33: {  	p0 =	seq.s32 s10, $0x1;
	s10 =	sld [smem:$0x3FBA];
	_ =	sdelay $0x3  }
0x34: {  	[smem:$0x3FBA] =	sst s10  }
0x35: {  	s10 =	sld [smem:$0x3FB9];
	_ =	sdelay $0x3  }
0x36: {  	p1 =	seq.s32 s10, $0x1;
	s10 =	sld [smem:$0x3FBA];
	_ =	sdelay $0x3  }
0x37: {  	[smem:$0x3FBA] =	sst s10  }
0x38: {  	s10 =	sld [smem:$0x3FBB]  }
0x39: {  	_ = 	snop;
	(pc) =	sbr.ind lr, $3  }
0x3a: {  	_ = 	snop  }
0x3b: {  	_ = 	snop  }
0x3c: {  	p2 =	seq.s32 s10, $0x1;
	s10 =	sld [smem:$0x3FBA]  }
0x3d: {  	_ =	shalt  }
0x3e: {  	_ =	shalt  }
0x3f: {  	_ =	shalt  }
0x40: {  	_ =	shalt  }
0x41: {  	_ =	shalt  }
0x42: {  	_ =	shalt  }
0x43: {  	_ =	shalt  }
0x44: {  	_ =	shalt  }
0x45: {  	_ =	shalt  }
0x46: {  	_ =	shalt  }
0x47: {  	_ =	shalt  }
0x48: {  	_ =	shalt  }
0x49: {  	_ =	shalt  }
0x4a: {  	_ =	shalt  }
0x4b: {  	_ =	shalt  }
0x4c: {  	_ =	shalt  }
0x4d: {  	_ =	shalt  }
0x4e: {  	_ =	shalt  }
0x4f: {  	_ =	shalt  }
0x50: {  	_ =	shalt  }
0x51: {  	_ =	shalt  }
0x52: {  	_ =	shalt  }
0x53: {  	_ =	shalt  }
0x54: {  	_ =	shalt  }
0x55: {  	_ =	shalt  }
0x56: {  	_ =	shalt  }
0x57: {  	_ =	shalt  }
0x58: {  	_ =	shalt  }
0x59: {  	_ =	shalt  }
0x5a: {  	_ =	shalt  }
0x5b: {  	_ =	shalt  }
0x5c: {  	_ =	shalt  }
0x5d: {  	_ =	shalt  }
0x5e: {  	_ =	shalt  }
0x5f: {  	_ =	shalt  }
0x60: {  	_ =	shalt  }
0x61: {  	_ =	shalt  }
0x62: {  	_ =	shalt  }
0x63: {  	_ =	shalt  }
0x64: {  	_ =	shalt  }
0x65: {  	_ =	shalt  }
0x66: {  	_ =	shalt  }
0x67: {  	_ =	shalt  }
0x68: {  	_ =	shalt  }
0x69: {  	_ =	shalt  }
0x6a: {  	_ =	shalt  }
0x6b: {  	_ =	shalt  }
0x6c: {  	_ =	shalt  }
0x6d: {  	_ =	shalt  }
0x6e: {  	_ =	shalt  }
0x6f: {  	_ =	shalt  }
0x70: {  	_ =	shalt  }
0x71: {  	_ =	shalt  }
0x72: {  	_ =	shalt  }
0x73: {  	_ =	shalt  }
0x74: {  	_ =	shalt  }
0x75: {  	_ =	shalt  }
0x76: {  	_ =	shalt  }
0x77: {  	_ =	shalt  }
0x78: {  	_ =	shalt  }
0x79: {  	_ =	shalt  }
0x7a: {  	_ =	shalt  }
0x7b: {  	_ =	shalt  }
0x7c: {  	_ =	shalt  }
0x7d: {  	_ =	shalt  }
0x7e: {  	_ =	shalt  }
0x7f: {  	_ =	shalt  }
0x80: {  	_ =	shalt  }
0x81: {  	_ =	shalt  }
0x82: {  	_ =	shalt  }
0x83: {  	_ =	shalt  }
0x84: {  	_ =	shalt  }
0x85: {  	_ =	shalt  }
0x86: {  	_ =	shalt  }
0x87: {  	_ =	shalt  }
.Lfunc_end0:
.L_simem_size_0:
called_computation.1_lowered:
.L_overlay_start_0:
0x88: {  	s2 =	sld [smem:$0x3FD9]  }
0x89: {  	s3 =	sld [smem:$0x3FFE];
	_ =	sdelay $0x1  }
0x8a: {  	s1 =	srdreg.scid  }
0x8b: {  	s0 =	sand.u32 $0x1, s1  }
0x8c: {  	s17 =	sshll.u32 s0, $0xA;
	s2 =	sadd.s32 s3, s2  }
0x8d: {  	s2 =	sadd.s32 s2, s17  }
0x8e: {  	[smem:$0x3FC6] =	sst s2  }
0x8f: {  	_ = 	snop  }
0x90: {  	s2 =	sld [smem:$0x3FD0];
	(tm) =	ssettm $0x1  }
0x91: {  	s18 =	sld [smem:$0x3FFB];
	_ =	sdelay $0x3  }
0x92: {  	_ =	strace s18  }
0x93: {  	s3 =	sld [smem:$0x3FFC];
	_ =	sdelay $0x3  }
0x94: {  	_ =	strace s3  }
0x95: {  	s3 =	sld [smem:$0x3FFD];
	_ =	sdelay $0x3  }
0x96: {  	_ =	strace s3  }
0x97: {  	_ =	strace $0x8FFFFFFF  }
0x98: {  	s19 =	sld [smem:$0x3FDB];
	_ =	sdelay $0x1  }
0x99: {  	s4 =	simm.s32 $_scs_section_size  }
0x9a: {  	s5 =	simm.s32 $_size__tile_overlayer_lowered;
	s6 =	simm.s32 $_tile_overlayer_lowered  }
0x9b: {  	s22 =	simm.s32 $0x1BFF;
	s21 =	sshll.u32 s6, $0x1;
	s3 =	sadd.s32 s4, s19  }
0x9c: {  	s7 =	simm.s32 $0x0;
	s20 =	sshll.u32 s5, $0x1;
	s5 =	sadd.s32 s21, s3  }
0x9d: {  	[timem:s7], [sflag:s22] =	dma.local [hbm:s5], s20  }
0x9e: {  	_ =	swait.ge [sflag:s22], s20  }
0x9f: {  	s4 =	ssub.s32 $0x0, s20;
	[sflag:s22] =	ssyncset.done $0x0  }
0xa0: {  	[sflag:s22] =	ssyncadd.s32 s4;
	_ =	sdelay $0x1  }
0xa1: {  	s23 =	simm.s32 $0x1B8B  }
0xa2: {  	_ =	swait.ge [sflag:s23], $0x1  }
0xa3: {  	[sflag:s23] =	ssyncset.done $0x0  }
0xa4: {  	s25 =	simm.s32 $0x1B8E;
	s24 =	sld [smem:$0x3FFE];
	[sflag:s23] =	ssyncadd.s32 $0xFFFFFFFF  }
0xa5: {  	s26 =	simm.s32 $execute0_lowered;
	[smem:$0x3FD2] =	sst s25  }
0xa6: {  	s5 =	sshll.u32 s26, $0x1;
	_ =	strace $0x80000049;
	[dreg:$0x1] =	wrdreg $0xFFFFFFFF  }
0xa7: {  	s28 =	simm.s32 $_size_execute0_lowered;
	s3 =	sadd.s32 s3, s5;
	[dreg:$0x0] =	wrdreg $0x0  }
0xa8: {  	s5 =	sshll.u32 s28, $0x1;
	[dreg:$0x2] =	wrdreg s3  }
0xa9: {  	[dreg:$0x3] =	wrdreg s5  }
0xaa: {  	[dreg:$0x4] =	wrdreg $0xC0  }
0xab: {  	_ =	task [dreg:s7], $0x5FFFF  }
0xac: {  	[dreg:$0x1] =	wrdreg $0xFFFFFFFF  }
0xad: {  	[dreg:$0x0] =	wrdreg $0x60  }
0xae: {  	[dreg:$0x2] =	wrdreg s24  }
0xaf: {  	[dreg:$0x3] =	wrdreg s2  }
0xb0: {  	[dreg:$0x4] =	wrdreg $0x9  }
0xb1: {  	_ =	task.clear_ibuf [dreg:s7], $0x5FFFF;
	_ =	strace $0x90000049  }
0xb2: {  	s29 =	simm.s32 $0x9;
	_ =	strace $0x8000004B  }
0xb3: {  	_ =	swait.ge [sflag:s29], $0x1  }
0xb4: {  	[sflag:s29] =	ssyncadd.s32 $0xFFFFFFFF  }
0xb5: {  	_ =	strace $0x9000004B  }
0xb6: {  	_ =	sfence  }
0xb7: {  	s30 =	sld [smem:$0x0];
	_ =	sdelay $0x2  }
0xb8: {  	s31 =	sshll.u32 s1, $0xD;
	s1 =	sshrl.u32 s1, $0x2  }
0xb9: {  	s3 =	sand.u32 $0x4000, s31;
	s1 =	sadd.s32 s1, s30  }
0xba: {  	s0 =	sor.u32 s3, s0;
	s1 =	sshll.u32 s1, $0x11  }
0xbb: {  	s0 =	sor.u32 s1, s0  }
0xbc: {  	s0 =	sadd.s32 $0x8F2B, s0  }
0xbd: {  	[sflag:s0] =	ssyncadd.remote.s32 $0x1  }
0xbe: {  	_ =	sfence.sel $0xFFFF  }
0xbf: {  	[dreg:$0x0] =	wrdreg $0xFFFFFFFF;
	(pc) =	sbr.abs _section_cstart, $3  }
0xc0: {  	[dreg:$0x1] =	wrdreg $0xFFFFFFFF  }
0xc1: {  	_ =	task.clear_ibuf [dreg:s7], $0x2FFFF;
	_ =	strace $0x9FFFFFFF  }
0xc2: {  	(tm) =	ssettm $0x7FFFFFFF  }
0xc3: {  	_ =	shalt  }
tec
execute0_lowered:
.L_overlay_start_1:
0x0: {  	(tag) =	ssettag $0x1  }
0x1: {  	s5 =	rddreg [dreg:$0x0];
	s1 =	srdreg.scid  }
0x2: {  	s0 =	stileid.u32;
	s6 =	rddreg [dreg:$0x1]  }
0x3: {  	s2 =	simm.s32 $0x0;
	s10 =	simm.s32 $0x3400;
	s11 =	simm.s32 $0x1  }
0x4: {  	s12 =	simm.s32 $0x9C00;
	s13 =	simm.s32 $0x10400;
	s14 =	simm.s32 $0x2  }
0x5: {  	s15 =	simm.s32 $0x16D00;
	s16 =	simm.s32 $0x3;
	s17 =	simm.s32 $0x4  }
0x6: {  	s4 =	sand.u32 $0x1, s1;
	s3 =	sshll.u32 s0, $0x1;
	s1 =	rddreg [dreg:$0x2]  }
0x7: {  	s18 =	simm.s32 $0x0;
	[smem:$0x7FF] =	sst s2;
	s3 =	sor.u32 s4, s3  }
0x8: {  	v0 =	vlaneseq.u32;
	_ =	strace $0x8000004A;
	s7 =	ssub.s32 $0x2, s4;
	s3 =	smul.u32 $0x3400, s3  }
0x9: {  	v0 =	vmul.u32 $0x348, v0;
	s4 =	sadd.s32 $0xA00, s5;
	s5 =	sadd.s32 $0x3D1400, s5;
	s8 =	sshrl.u32 s7, $0x1  }
0xa: {  	s7 =	ssub.s32 s7, s8;
	s8 =	simm.s32 $0x5;
	s9 =	sshrl.u32 s3, $0x3  }
0xb: {  	v1 =	vadd.s32 $0x3480, v0;
	s7 =	smax.u32 s7, $0x1;
	s6 =	sadd.s32 s6, s9;
	s9 =	simm.s32 $0x340  }
.LBB2_1:
0xc: {  	[tilespmem:s2], [sflag:$0x5] =	stream.linear.gather [hbm4b:s6+s2], $0x3400, $0x38;
	[tilespmem:$0x1D600] =	vst v63  }
0xd: {  	_ =	swait.ge [sflag:s8], $0x3400  }
0xe: {  	[sflag:s8] =	ssyncset.done $0x0  }
0xf: {  	s19 =	simm.s32 $0x0;
	[sflag:s8] =	ssyncadd.s32 $0xFFFFCC00  }
0x10: {  	[tilespmem:s10], [sflag:$0x1] =	stream.indirect.gather [hbm4b:s4+s9], $0x20, s2, s9, $0xb8;
	[tilespmem:$0x1D600] =	vst v63  }
.LBB2_2:
0x11: {  	_ =	swait.ge [sflag:s11], $0x6800;
	s21 =	smul.u32 $0x680, s19  }
0x12: {  	p0 =	seq.s32 s19, $0x0;
	[sflag:s11] =	ssyncset.done $0x0  }
0x13: {  	s22 =	simm.s32 @!p0 $0x3;
	[sflag:s11] =	ssyncadd.s32 $0xFFFF9800;
	s20 =	sadd.s32 $0x340, s21  }
0x14: {  	[tilespmem:s12], [sflag:$0x2] =	stream.indirect.gather [hbm4b:s4+s9], $0x20, s20, s9, $0xb8;
	[tilespmem:$0x1D600] =	vst v63  }
0x15: {  	s23 =	simm.s32 $0x0;
	_ =	swait.ge @!p0 [sflag:s22], $0x6800  }
0x16: {  	v2 =	vmov s23;
	[sflag:s22] =	ssyncset.done @!p0 $0x0  }
0x17: {  	v2 =	vand.u32 $0x3FC, v2;
	[sflag:s22] =	ssyncadd.s32 @!p0 $0xFFFF9800;
	s22 =	simm.s32 $0x3440  }
0x18: {  	v4 =	vadd.s32 v0, v2;
	v3 =	vld [tilespmem:s22+$0xFFFFFFC0]  }
0x19: {  	v2 =	vadd.s32 v1, v2;
	v5 =	vld [tilespmem:s22+$0xFFFFFFD0];
	_ =	sdelay $0x2  }
0x1a: {  	s29 =	simm.s32 $0x1  }
0x1b: {  	[tilespmem:v4+s13+$0x0] =	vst.idx.msk $0xffff, v3;
	v3 =	vmov s29  }
0x1c: {  	[tilespmem:v2+s13+$0x0] =	vst.idx.msk $0xffff, v5;
	v2 =	vand.u32 $0x3FD, v3  }
0x1d: {  	v3 =	vld [tilespmem:s22+$0xFFFFFFE0];
	v4 =	vadd.s32 v0, v2  }
0x1e: {  	v5 =	vld [tilespmem:s22+$0xFFFFFFF0];
	v2 =	vadd.s32 v1, v2;
	_ =	sdelay $0x2  }
0x1f: {  	s30 =	simm.s32 $0x2  }
0x20: {  	[tilespmem:v4+s13+$0x0] =	vst.idx.msk $0xffff, v3;
	v3 =	vmov s30  }
0x21: {  	[tilespmem:v2+s13+$0x0] =	vst.idx.msk $0xffff, v5;
	v2 =	vand.u32 $0x3FE, v3  }
0x22: {  	v3 =	vld [tilespmem:s22+$0x0];
	v4 =	vadd.s32 v0, v2  }
0x23: {  	v5 =	vld [tilespmem:s22+$0x10];
	v2 =	vadd.s32 v1, v2;
	_ =	sdelay $0x2  }
0x24: {  	s31 =	simm.s32 $0x3  }
0x25: {  	[tilespmem:v4+s13+$0x0] =	vst.idx.msk $0xffff, v3;
	v3 =	vmov s31  }
0x26: {  	[tilespmem:v2+s13+$0x0] =	vst.idx.msk $0xffff, v5;
	v3 =	vand.u32 $0x3FF, v3  }
0x27: {  	v5 =	vld [tilespmem:s22+$0x20];
	v6 =	vadd.s32 v0, v3;
	_ =	sdelay $0x1  }
0x28: {  	v2 =	vld [tilespmem:s22+$0x30];
	v3 =	vadd.s32 v1, v3;
	_ =	sdelay $0x1  }
0x29: {  	s25 =	simm.s32 $0x4  }
0x2a: {  	s24 =	simm.s32 $0xB;
	s23 =	simm.s32 $0x7;
	v4 =	vmov s25;
	[tilespmem:v6+s13+$0x0] =	vst.idx.msk $0xffff, v5  }
.LBB2_3:
0x2b: {  	p0 =	sne.s32 s24, $0x33F  }
0x2c: {  	v4 =	vand.u32 $0x3FC, v4;
	[tilespmem:v3+s13+$0x0] =	vst.idx.msk $0xffff, v2;
	s22 =	sadd.s32 $0x80, s22;
	s25 =	smov.u32 s24;
	s24 =	sadd.s32 $0x4, s24  }
0x2d: {  	v2 =	vld [tilespmem:s22+$0xFFFFFFC0];
	v3 =	vadd.s32 v0, v4  }
0x2e: {  	v4 =	vadd.s32 v1, v4;
	v5 =	vld [tilespmem:s22+$0xFFFFFFD0];
	_ =	sdelay $0x2  }
0x2f: {  	s26 =	sadd.s32 $0xFFFFFFFE, s23  }
0x30: {  	[tilespmem:v3+s13+$0x0] =	vst.idx.msk $0xffff, v2;
	v2 =	vmov s26  }
0x31: {  	[tilespmem:v4+s13+$0x0] =	vst.idx.msk $0xffff, v5;
	v2 =	vand.u32 $0x3FD, v2  }
0x32: {  	v3 =	vld [tilespmem:s22+$0xFFFFFFE0];
	v4 =	vadd.s32 v0, v2  }
0x33: {  	v2 =	vadd.s32 v1, v2;
	v5 =	vld [tilespmem:s22+$0xFFFFFFF0];
	_ =	sdelay $0x2  }
0x34: {  	s26 =	sadd.s32 $0xFFFFFFFF, s23  }
0x35: {  	[tilespmem:v4+s13+$0x0] =	vst.idx.msk $0xffff, v3;
	v3 =	vmov s26  }
0x36: {  	[tilespmem:v2+s13+$0x0] =	vst.idx.msk $0xffff, v5;
	v2 =	vand.u32 $0x3FE, v3  }
0x37: {  	v3 =	vld [tilespmem:s22+$0x0];
	v4 =	vadd.s32 v0, v2  }
0x38: {  	v2 =	vadd.s32 v1, v2;
	v5 =	vld [tilespmem:s22+$0x10];
	_ =	sdelay $0x3  }
0x39: {  	[tilespmem:v4+s13+$0x0] =	vst.idx.msk $0xffff, v3;
	v3 =	vmov s23;
	s23 =	smov.u32 s25  }
0x3a: {  	[tilespmem:v2+s13+$0x0] =	vst.idx.msk $0xffff, v5;
	v3 =	vand.u32 $0x3FF, v3  }
0x3b: {  	v5 =	vld [tilespmem:s22+$0x20];
	v6 =	vadd.s32 v0, v3  }
.Ltmp0:
0x3c: {  	v3 =	vadd.s32 v1, v3;
	v2 =	vld [tilespmem:s22+$0x30];
	(pc) =	sbr.rel @p0 .LBB2_3-.Ltmp0, $3  }
0x3d: {  	_ =	sdelay $0x1  }
0x3e: {  	s25 =	sadd.s32 $0xFFFFFFFD, s23  }
0x3f: {  	v4 =	vmov s25;
	[tilespmem:v6+s13+$0x0] =	vst.idx.msk $0xffff, v5  }
0x40: {  	_ =	sdelay $0x3  }
0x41: {  	v4 =	vand.u32 $0x3FC, v4;
	[tilespmem:v3+s13+$0x0] =	vst.idx.msk $0xffff, v2;
	s22 =	sadd.s32 $0x80, s22  }
0x42: {  	v2 =	vld [tilespmem:s22+$0xFFFFFFC0];
	v3 =	vadd.s32 v0, v4  }
0x43: {  	v5 =	vld [tilespmem:s22+$0xFFFFFFD0];
	v4 =	vadd.s32 v1, v4;
	_ =	sdelay $0x2  }
0x44: {  	s24 =	sadd.s32 $0xFFFFFFFE, s23  }
0x45: {  	[tilespmem:v3+s13+$0x0] =	vst.idx.msk $0xffff, v2;
	v2 =	vmov s24  }
0x46: {  	[tilespmem:v4+s13+$0x0] =	vst.idx.msk $0xffff, v5;
	v2 =	vand.u32 $0x3FD, v2  }
0x47: {  	v3 =	vld [tilespmem:s22+$0xFFFFFFE0];
	v61 =	vadd.s32 v0, v2  }
0x48: {  	v5 =	vld [tilespmem:s22+$0xFFFFFFF0];
	v2 =	vadd.s32 v1, v2;
	_ =	sdelay $0x2  }
0x49: {  	s30 =	sadd.s32 $0xFFFFFFFF, s23  }
0x4a: {  	[tilespmem:v61+s13+$0x0] =	vst.idx.msk $0xffff, v3;
	v3 =	vmov s30  }
0x4b: {  	[tilespmem:v2+s13+$0x0] =	vst.idx.msk $0xffff, v5;
	v2 =	vand.u32 $0x3FE, v3  }
0x4c: {  	v3 =	vld [tilespmem:s22+$0x0];
	v62 =	vadd.s32 v0, v2  }
0x4d: {  	v5 =	vld [tilespmem:s22+$0x10];
	v2 =	vadd.s32 v1, v2;
	_ =	sdelay $0x3  }
0x4e: {  	[tilespmem:v62+s13+$0x0] =	vst.idx.msk $0xffff, v3;
	v3 =	vmov s23  }
0x4f: {  	[tilespmem:v2+s13+$0x0] =	vst.idx.msk $0xffff, v5;
	v2 =	vand.u32 $0x3FF, v3  }
0x50: {  	v3 =	vld [tilespmem:s22+$0x20];
	v63 =	vadd.s32 v0, v2  }
0x51: {  	v5 =	vld [tilespmem:s22+$0x30];
	v2 =	vadd.s32 v1, v2;
	_ =	sdelay $0x2  }
0x52: {  	s21 =	sadd.s32 s3, s21  }
0x53: {  	s21 =	sshrl.u32 s21, $0x3;
	[tilespmem:v63+s13+$0x0] =	vst.idx.msk $0xffff, v3  }
0x54: {  	s31 =	simm.s32 $0x10400;
	s21 =	sadd.s32 s5, s21;
	s22 =	simm.s32 $0xD20;
	[tilespmem:v2+s13+$0x0] =	vst.idx.msk $0xffff, v5  }
0x55: {  	[hbm4b:s21+s2] =	stream.linear.scatter [tilespmem:s31], [sflag:$0x3], $0x340, $0x38;
	[tilespmem:$0x1D600] =	vst v63  }
.LBB2_5:
0x56: {  	p0 =	sne.s32 s22, $0x196E0  }
.Ltmp1:
0x57: {  	_ = 	snop;
	(pc) =	sbr.rel @p0 .LBB2_5-.Ltmp1, $4  }
0x58: {  	_ = 	snop  }
0x59: {  	s23 =	sshra.s32 s22, $0x2;
	s22 =	sadd.s32 $0xD20, s22  }
0x5a: {  	s21 =	sadd.s32 $0xD000, s21;
	s23 =	sadd.s32 $0x10400, s23  }
0x5b: {  	[hbm4b:s21+s2] =	stream.linear.scatter [tilespmem:s23], [sflag:$0x3], $0x340, $0x38;
	[tilespmem:$0x1D600] =	vst v63  }
0x5c: {  	p0 =	seq.s32 s19, $0x7  }
0x5d: {  	_ =	swait.ge [sflag:s14], $0x6800;
	s21 =	smul.u32 @!p0 $0x1A00, s19  }
0x5e: {  	[sflag:s14] =	ssyncset.done $0x0  }
0x5f: {  	p1 =	seq.s32 @!p0 s19, $0x0;
	s22 =	simm.s32 @!p0 $0x340;
	s21 =	sshra.s32 @!p0 s21, $0x2  }
0x60: {  	s23 =	simm.s32 @!p0 $0x3400;
	[sflag:s14] =	ssyncadd.s32 $0xFFFF9800;
	s21 =	sadd.s32 @!p0 $0x680, s21  }
0x61: {  	[tilespmem:s23], [sflag:$0x1] =	stream.indirect.gather @!p0 [hbm4b:s4+s22], $0x20, s21, s22, $0xb8;
	[tilespmem:$0x1D600] =	vst v63  }
0x62: {  	p0 =	por p0, !p1  }
0x63: {  	s26 =	simm.s32 $0x0;
	_ =	swait.ge @p0 [sflag:s17], $0x6800  }
0x64: {  	v2 =	vmov s26;
	[sflag:s17] =	ssyncset.done @p0 $0x0  }
0x65: {  	s28 =	simm.s32 $0x0;
	v2 =	vand.u32 $0x3FC, v2;
	[sflag:s17] =	ssyncadd.s32 @p0 $0xFFFF9800  }
0x66: {  	v4 =	vadd.s32 v0, v2;
	v3 =	vld [tilespmem:s28+$0x9C00]  }
0x67: {  	v2 =	vadd.s32 v1, v2;
	v5 =	vld [tilespmem:s28+$0x9C10];
	_ =	sdelay $0x2  }
0x68: {  	s29 =	simm.s32 $0x1  }
0x69: {  	[tilespmem:v4+s15+$0x0] =	vst.idx.msk $0xffff, v3;
	v3 =	vmov s29  }
0x6a: {  	[tilespmem:v2+s15+$0x0] =	vst.idx.msk $0xffff, v5;
	v2 =	vand.u32 $0x3FD, v3  }
0x6b: {  	v3 =	vld [tilespmem:s28+$0x9C20];
	v4 =	vadd.s32 v0, v2  }
0x6c: {  	v5 =	vld [tilespmem:s28+$0x9C30];
	v2 =	vadd.s32 v1, v2;
	_ =	sdelay $0x2  }
0x6d: {  	s30 =	simm.s32 $0x2  }
0x6e: {  	[tilespmem:v4+s15+$0x0] =	vst.idx.msk $0xffff, v3;
	v3 =	vmov s30  }
0x6f: {  	[tilespmem:v2+s15+$0x0] =	vst.idx.msk $0xffff, v5;
	v2 =	vand.u32 $0x3FE, v3  }
0x70: {  	v3 =	vld [tilespmem:s28+$0x9C40];
	v4 =	vadd.s32 v0, v2  }
0x71: {  	v5 =	vld [tilespmem:s28+$0x9C50];
	v2 =	vadd.s32 v1, v2;
	_ =	sdelay $0x2  }
0x72: {  	s31 =	simm.s32 $0x3  }
0x73: {  	[tilespmem:v4+s15+$0x0] =	vst.idx.msk $0xffff, v3;
	v3 =	vmov s31  }
0x74: {  	[tilespmem:v2+s15+$0x0] =	vst.idx.msk $0xffff, v5;
	v3 =	vand.u32 $0x3FF, v3  }
0x75: {  	v5 =	vld [tilespmem:s28+$0x9C60];
	v6 =	vadd.s32 v0, v3  }
0x76: {  	v2 =	vld [tilespmem:s28+$0x9C70];
	v3 =	vadd.s32 v1, v3;
	_ =	sdelay $0x2  }
0x77: {  	s24 =	simm.s32 $0x4  }
0x78: {  	s21 =	simm.s32 $0x80;
	s23 =	simm.s32 $0x400;
	s22 =	simm.s32 $0x7;
	v4 =	vmov s24;
	[tilespmem:v6+s15+$0x0] =	vst.idx.msk $0xffff, v5  }
.LBB2_7:
0x79: {  	s24 =	sshra.s32 s23, $0x2;
	p0 =	sne.s32 s23, $0x19E00;
	s23 =	sadd.s32 $0x200, s23;
	v4 =	vand.u32 $0x3FC, v4;
	[tilespmem:v3+s15+$0x0] =	vst.idx.msk $0xffff, v2  }
0x7a: {  	v2 =	vld [tilespmem:s21+$0x9C00];
	v3 =	vadd.s32 v0, v4  }
0x7b: {  	v4 =	vadd.s32 v1, v4;
	v5 =	vld [tilespmem:s21+$0x9C10];
	_ =	sdelay $0x2  }
0x7c: {  	s25 =	sadd.s32 $0xFFFFFFFE, s22  }
0x7d: {  	[tilespmem:v3+s15+$0x0] =	vst.idx.msk $0xffff, v2;
	v2 =	vmov s25  }
0x7e: {  	[tilespmem:v4+s15+$0x0] =	vst.idx.msk $0xffff, v5;
	v2 =	vand.u32 $0x3FD, v2  }
0x7f: {  	v3 =	vld [tilespmem:s21+$0x9C20];
	v4 =	vadd.s32 v0, v2  }
0x80: {  	v2 =	vadd.s32 v1, v2;
	v5 =	vld [tilespmem:s21+$0x9C30];
	_ =	sdelay $0x2  }
0x81: {  	s25 =	sadd.s32 $0xFFFFFFFF, s22  }
0x82: {  	[tilespmem:v4+s15+$0x0] =	vst.idx.msk $0xffff, v3;
	v3 =	vmov s25  }
0x83: {  	[tilespmem:v2+s15+$0x0] =	vst.idx.msk $0xffff, v5;
	v2 =	vand.u32 $0x3FE, v3  }
0x84: {  	v3 =	vld [tilespmem:s21+$0x9C40];
	v4 =	vadd.s32 v0, v2  }
0x85: {  	v2 =	vadd.s32 v1, v2;
	v5 =	vld [tilespmem:s21+$0x9C50];
	_ =	sdelay $0x3  }
0x86: {  	[tilespmem:v4+s15+$0x0] =	vst.idx.msk $0xffff, v3;
	v3 =	vmov s22  }
0x87: {  	[tilespmem:v2+s15+$0x0] =	vst.idx.msk $0xffff, v5;
	v3 =	vand.u32 $0x3FF, v3  }
0x88: {  	v5 =	vld [tilespmem:s21+$0x9C60];
	v6 =	vadd.s32 v0, v3  }
.Ltmp2:
0x89: {  	v3 =	vadd.s32 v1, v3;
	v2 =	vld [tilespmem:s21+$0x9C70];
	s21 =	smov.u32 s24;
	(pc) =	sbr.rel @p0 .LBB2_7-.Ltmp2, $4  }
0x8a: {  	_ = 	snop  }
0x8b: {  	s22 =	sadd.s32 $0x4, s22  }
0x8c: {  	s24 =	sadd.s32 $0xFFFFFFFD, s22  }
0x8d: {  	v4 =	vmov s24;
	[tilespmem:v6+s15+$0x0] =	vst.idx.msk $0xffff, v5  }
0x8e: {  	_ =	sdelay $0x3  }
0x8f: {  	v4 =	vand.u32 $0x3FC, v4;
	[tilespmem:v3+s15+$0x0] =	vst.idx.msk $0xffff, v2  }
0x90: {  	v2 =	vld [tilespmem:s21+$0x9C00];
	v3 =	vadd.s32 v0, v4  }
0x91: {  	v5 =	vld [tilespmem:s21+$0x9C10];
	v4 =	vadd.s32 v1, v4;
	_ =	sdelay $0x2  }
0x92: {  	s23 =	sadd.s32 $0xFFFFFFFE, s22  }
0x93: {  	[tilespmem:v3+s15+$0x0] =	vst.idx.msk $0xffff, v2;
	v2 =	vmov s23  }
0x94: {  	[tilespmem:v4+s15+$0x0] =	vst.idx.msk $0xffff, v5;
	v2 =	vand.u32 $0x3FD, v2  }
0x95: {  	v3 =	vld [tilespmem:s21+$0x9C20];
	v61 =	vadd.s32 v0, v2  }
0x96: {  	v5 =	vld [tilespmem:s21+$0x9C30];
	v2 =	vadd.s32 v1, v2;
	_ =	sdelay $0x2  }
0x97: {  	s30 =	sadd.s32 $0xFFFFFFFF, s22  }
0x98: {  	[tilespmem:v61+s15+$0x0] =	vst.idx.msk $0xffff, v3;
	v3 =	vmov s30  }
0x99: {  	[tilespmem:v2+s15+$0x0] =	vst.idx.msk $0xffff, v5;
	v2 =	vand.u32 $0x3FE, v3  }
0x9a: {  	v3 =	vld [tilespmem:s21+$0x9C40];
	v62 =	vadd.s32 v0, v2  }
0x9b: {  	v5 =	vld [tilespmem:s21+$0x9C50];
	v2 =	vadd.s32 v1, v2;
	_ =	sdelay $0x3  }
0x9c: {  	[tilespmem:v62+s15+$0x0] =	vst.idx.msk $0xffff, v3;
	v3 =	vmov s22  }
0x9d: {  	[tilespmem:v2+s15+$0x0] =	vst.idx.msk $0xffff, v5;
	v2 =	vand.u32 $0x3FF, v3  }
0x9e: {  	v3 =	vld [tilespmem:s21+$0x9C60];
	v63 =	vadd.s32 v0, v2  }
0x9f: {  	v5 =	vld [tilespmem:s21+$0x9C70];
	v2 =	vadd.s32 v1, v2;
	_ =	sdelay $0x2  }
0xa0: {  	s20 =	sadd.s32 s3, s20  }
0xa1: {  	s20 =	sshrl.u32 s20, $0x3;
	[tilespmem:v63+s15+$0x0] =	vst.idx.msk $0xffff, v3  }
0xa2: {  	s31 =	simm.s32 $0x16D00;
	s20 =	sadd.s32 s5, s20;
	s21 =	simm.s32 $0xD20;
	[tilespmem:v2+s15+$0x0] =	vst.idx.msk $0xffff, v5  }
0xa3: {  	[hbm4b:s20+s2] =	stream.linear.scatter [tilespmem:s31], [sflag:$0x4], $0x340, $0x38;
	[tilespmem:$0x1D600] =	vst v63  }
.LBB2_9:
0xa4: {  	p0 =	sne.s32 s21, $0x196E0  }
.Ltmp3:
0xa5: {  	_ = 	snop;
	(pc) =	sbr.rel @p0 .LBB2_9-.Ltmp3, $4  }
0xa6: {  	_ = 	snop  }
0xa7: {  	s22 =	sshra.s32 s21, $0x2;
	s21 =	sadd.s32 $0xD20, s21  }
0xa8: {  	s20 =	sadd.s32 $0xD000, s20;
	s22 =	sadd.s32 $0x16D00, s22  }
0xa9: {  	[hbm4b:s20+s2] =	stream.linear.scatter [tilespmem:s22], [sflag:$0x4], $0x340, $0x38;
	[tilespmem:$0x1D600] =	vst v63  }
0xaa: {  	s19 =	sadd.s32 $0x1, s19  }
0xab: {  	p0 =	sne.s32 s19, $0x8  }
.Ltmp4:
0xac: {  	_ = 	snop;
	(pc) =	sbr.rel @p0 .LBB2_2-.Ltmp4, $1  }
0xad: {  	_ =	sdelay $0x3  }
0xae: {  	s18 =	sadd.s32 $0x1, s18  }
0xaf: {  	_ =	swait.ge [sflag:s16], $0x6800;
	p0 =	sne.s32 s18, s7  }
.Ltmp5:
0xb0: {  	[sflag:s16] =	ssyncset.done $0x0;
	(pc) =	sbr.rel @p0 .LBB2_1-.Ltmp5, $4  }
0xb1: {  	[sflag:s16] =	ssyncadd.s32 $0xFFFF9800  }
0xb2: {  	_ =	swait.ge [sflag:s17], $0x6800  }
0xb3: {  	[sflag:s17] =	ssyncset.done $0x0  }
0xb4: {  	[sflag:s17] =	ssyncadd.s32 $0xFFFF9800  }
0xb5: {  	_ =	sfence.sel $0x180000  }
0xb6: {  	[bflag:$0x0] =	sbarrier.arrive $0xFFFF  }
0xb7: {  	p0 =	sne.s32 s0, $0x0;
	_ =	strace $0x9000004A  }
0xb8: {  	s0 =	sadd.s32 @!p0 $0x100000, s1;
	[bflag:$0x2] =	sbarrier.arrive $0xFFFF  }
0xb9: {  	[sflag:s0] =	ssyncadd.tile.s32 @!p0 $0x1;
	_ =	shalt  }
.Lfunc_end2:
_tile_overlayer_lowered:
.L_overlay_start_2:
0xba: {  	(tag) =	ssettag $0x2  }
0xbb: {  	s0 =	rddreg [dreg:$0x0];
	s2 =	stileid.u32  }
0xbc: {  	s1 =	rddreg [dreg:$0x1];
	p0 =	sne.s32 s2, $0x0  }
0xbd: {  	s3 =	rddreg [dreg:$0x2];
	[bflag:$0x3] =	sbarrier.arrive $0xFFFF;
	s2 =	simm.s32 @!p0 $0x1C05  }
0xbe: {  	[timem:s3], [sflag:s2] =	dma.local @!p0 [hbm:s0], s1  }
0xbf: {  	s0 =	simm.s32 @!p0 $0x5  }
0xc0: {  	_ =	swait.ge @!p0 [sflag:s0], s1  }
0xc1: {  	s1 =	ssub.s32 @!p0 $0x0, s1;
	[sflag:s0] =	ssyncset.done @!p0 $0x0  }
0xc2: {  	[sflag:s0] =	ssyncadd.s32 @!p0 s1  }
0xc3: {  	[bflag:$0x3] =	sbarrier.arrive $0xFFFF  }
0xc4: {  	_ =	shalt  }

</sc_bundles>
